<compile_context>
chip_gen: v7x
topology: tpu7x:2x2x1
jax: 0.10.2.dev20260603
libtpu: 0.0.44.dev20260713+nightly
codegen_flags: <defaults>
</compile_context>

<pallas_src>
import functools
import jax
import jax.numpy as jnp
from jax import lax
from jax.experimental import pallas as pl
from jax.experimental.pallas import tpu as pltpu
from jax.experimental.pallas import tpu_sc as plsc

BATCH = 4096
SEQ = 200
H_DIM = 32
ROWS = SEQ * H_DIM

_INFO = plsc.get_sparse_core_info()
NC, NS = _INFO.num_cores, _INFO.num_subcores
NW = NC * NS
RPW = ROWS // NW
NG = (RPW + 15) // 16
CH = 8
NCH = RPW // CH
VPR = BATCH // 16


def _sc_body(tab_hbm, out_hbm, tab_v, splat_v, buf0, buf1, sem0, sem1):
    wid = lax.axis_index("s") * NC + lax.axis_index("c")
    base = wid * RPW
    pltpu.sync_copy(tab_hbm.at[pl.ds(base, RPW)], tab_v.at[pl.ds(0, RPW)])
    bufs = (buf0, buf1)
    sems = (sem0, sem1)

    def egroup(g, carry):
        vec = tab_v[pl.ds(g * 16, 16)]
        for m in range(16):
            sp = vec.at[jnp.full((16,), m, jnp.int32)].get(
                mode="promise_in_bounds"
            )
            splat_v[pl.ds(g * 256 + m * 16, 16)] = sp
        return carry

    lax.fori_loop(0, NG, egroup, 0)

    def fill(buf, c):
        def kbody(k, carry):
            off = k * 128
            for i in range(CH):
                sp = splat_v[pl.ds((c * CH + i) * 16, 16)]
                for j in range(8):
                    buf[i, pl.ds(off + j * 16, 16)] = sp
            return carry

        lax.fori_loop(0, VPR // 8, kbody, 0)

    def start_dma(buf, sem, c):
        pltpu.async_copy(buf, out_hbm.at[pl.ds(base + c * CH, CH)], sem)

    def wait_dma(buf, sem):
        pltpu.make_async_copy(buf, out_hbm.at[pl.ds(base, CH)], sem).wait()

    def pair_body(g, carry):
        for b in range(2):
            c = 2 * g + b

            @pl.when(g > 0)
            def _():
                wait_dma(bufs[b], sems[b])

            fill(bufs[b], c)
            start_dma(bufs[b], sems[b], c)
        return carry

    lax.fori_loop(0, NCH // 2, pair_body, 0)
    wait_dma(buf0, sem0)
    fill(buf0, NCH - 1)
    start_dma(buf0, sem0, NCH - 1)
    wait_dma(buf0, sem0)
    wait_dma(buf1, sem1)


_sc_call = functools.partial(
    pl.kernel,
    mesh=plsc.VectorSubcoreMesh(core_axis_name="c", subcore_axis_name="s"),
    out_type=jax.ShapeDtypeStruct((ROWS, BATCH), jnp.float32),
    scratch_types=[
        pltpu.VMEM((NG * 16,), jnp.float32),
        pltpu.VMEM((NG * 256,), jnp.float32),
        pltpu.VMEM((CH, BATCH), jnp.float32),
        pltpu.VMEM((CH, BATCH), jnp.float32),
        pltpu.SemaphoreType.DMA,
        pltpu.SemaphoreType.DMA,
    ],
)(_sc_body)


def kernel(x, pos_embedding):
    del x
    out = _sc_call(pos_embedding[:SEQ].reshape(ROWS))
    return out.reshape(SEQ, H_DIM, BATCH).transpose(2, 0, 1)

# --- scband reference (transcript-rebuilt; emitter-appended) ---
"""Pipeline reference for scband-positional-encoding-86612310491721 (READ-ONLY COPY).

The authoritative reference and input builder live on the scoring server;
editing this copy changes nothing except your own understanding.
"""

import jax, jax.numpy as jnp
import numpy as np

BATCH = 4096
SEQ = 200
MAX_LENGTH = 200
H_DIM = 32

def setup_inputs(seed: int = 0) -> dict:
    key = jax.random.key(seed)
    k1, k2 = jax.random.split(key)
    x = jax.random.randint(k1, (BATCH, SEQ), 0, MAX_LENGTH, dtype=jnp.int32)
    pos_embedding = jax.random.normal(k2, (MAX_LENGTH, H_DIM), dtype=jnp.float32)
    return {"x": x, "pos_embedding": pos_embedding}

def reference(x, pos_embedding):
    # positions = arange(L) expanded to x's shape [B, L]
    positions = jnp.broadcast_to(jnp.arange(x.shape[1], dtype=jnp.int32)[None, :], x.shape)
    # embedding lookup -> [B, L, h_dim]
    pos_emb = jnp.take(pos_embedding, positions, axis=0)
    return pos_emb

if __name__ == "__main__":
    import jax
    _d = setup_inputs()
    print(jax.jit(kernel)(*tuple(_d.values())))

</pallas_src>

<mosaic_0001>
#map = affine_map<(d0, d1) -> (0)>
#map1 = affine_map<(d0, d1) -> (0, 0)>
module attributes {stable_mosaic.version = 14 : i64} {
  func.func @_sc_body(%arg0: i32, %arg1: i32, %arg2: memref<6400xf32, #tpu.memory_space<hbm>>, %arg3: memref<6400x4096xf32, #tpu.memory_space<hbm>>, %arg4: memref<208xf32, #tpu.memory_space<vmem>>, %arg5: memref<3328xf32, #tpu.memory_space<vmem>>, %arg6: memref<8x4096xf32, #tpu.memory_space<vmem>>, %arg7: memref<8x4096xf32, #tpu.memory_space<vmem>>, %arg8: memref<!tpu.dma_semaphore, #tpu.memory_space<semaphore_mem>>, %arg9: memref<!tpu.dma_semaphore, #tpu.memory_space<semaphore_mem>>) attributes {dimension_semantics = [#tpu.dimension_semantics<core_parallel>, #tpu.dimension_semantics<subcore_parallel>], iteration_bounds = array<i64: 2, 16>, scalar_prefetch = 0 : i64, scratch_operands = 6 : i64, tpu.core_type = #tpu.core_type<sc_vector_subcore>, window_params = [{transform_indices = #map}, {transform_indices = #map1}]} {
    %mul3A = arith.constant 2 : i32
    %mul3A_0 = arith.muli %arg1, %mul3A : i32
    %add3A = arith.addi %mul3A_0, %arg0 : i32
    %mul3A_1 = arith.constant 200 : i32
    %mul3A_2 = arith.muli %add3A, %mul3A_1 : i32
    "tpu.region"() ({
      %run_scoped3A = tpu.sem_alloc : memref<!tpu.dma_semaphore, #tpu.memory_space<semaphore_mem>>
      %dma_start3A_36 = arith.constant 0 : i32
      %dma_start3A_37 = tpu.memref_slice %arg4[%dma_start3A_36] : memref<208xf32, #tpu.memory_space<vmem>> -> memref<200xf32, #tpu.memory_space<vmem>>
      %dma_start3A_38 = tpu.memref_slice %arg2[%mul3A_2] : memref<6400xf32, #tpu.memory_space<hbm>> -> memref<200xf32, #tpu.memory_space<hbm>>
      %dma_start3A_39 = arith.constant 0 : i32
      %dma_start3A_40 = tpu.memref_slice %arg4[%dma_start3A_39] : memref<208xf32, #tpu.memory_space<vmem>> -> memref<200xf32, #tpu.memory_space<vmem>>
      %dma_start3A_41 = tpu.memref_slice %arg2[%mul3A_2] : memref<6400xf32, #tpu.memory_space<hbm>> -> memref<200xf32, #tpu.memory_space<hbm>>
      tpu.enqueue_dma source(%dma_start3A_41 : memref<200xf32, #tpu.memory_space<hbm>>) target(%dma_start3A_40 : memref<200xf32, #tpu.memory_space<vmem>>) target_semaphore(%run_scoped3A : memref<!tpu.dma_semaphore, #tpu.memory_space<semaphore_mem>>)
      %dma_wait3A_42 = arith.constant 0 : i32
      %dma_wait3A_43 = tpu.memref_slice %arg4[%dma_wait3A_42] : memref<208xf32, #tpu.memory_space<vmem>> -> memref<200xf32, #tpu.memory_space<vmem>>
      %dma_wait3A_44 = tpu.memref_slice %arg2[%mul3A_2] : memref<6400xf32, #tpu.memory_space<hbm>> -> memref<200xf32, #tpu.memory_space<hbm>>
      %dma_wait3A_45 = arith.constant 0 : i32
      %dma_wait3A_46 = tpu.memref_slice %arg4[%dma_wait3A_45] : memref<208xf32, #tpu.memory_space<vmem>> -> memref<200xf32, #tpu.memory_space<vmem>>
      %dma_wait3A_47 = tpu.memref_slice %arg2[%mul3A_2] : memref<6400xf32, #tpu.memory_space<hbm>> -> memref<200xf32, #tpu.memory_space<hbm>>
      tpu.wait_dma2 semaphore(%run_scoped3A : memref<!tpu.dma_semaphore, #tpu.memory_space<semaphore_mem>>) src(%dma_wait3A_47 : memref<200xf32, #tpu.memory_space<hbm>>) dst(%dma_wait3A_46 : memref<200xf32, #tpu.memory_space<vmem>>)
      tpu.yield
    }) : () -> ()
    %scan3A = arith.constant 0 : i32
    %scan3A_3 = arith.constant 0 : i32
    %scan3A_4 = arith.constant 13 : i32
    %scan3A_5 = arith.addi %scan3A_3, %scan3A_4 : i32
    %scan3A_6 = arith.constant 1 : i32
    scf.for %scan3A_36 = %scan3A_3 to %scan3A_5 step %scan3A_6  : i32 {
      %mul3A_37 = arith.constant 16 : i32
      %mul3A_38 = arith.muli %scan3A_36, %mul3A_37 : i32
      %get3A = arith.index_cast %mul3A_38 : i32 to index
      %get3A_39 = tpu.vector_load %arg4[%get3A] {strides = array<i32>} : memref<208xf32, #tpu.memory_space<vmem>>, vector<16xf32>,
      %get3A_40 = vector.shape_cast %get3A_39 : vector<16xf32> to vector<16xf32>
      %broadcast_in_dim3A = arith.constant 0 : i32
      %broadcast_in_dim3A_41 = vector.broadcast %broadcast_in_dim3A : i32 to vector<16xi32>
      %lt3A = arith.constant 0 : i32
      %lt3A_42 = vector.broadcast %lt3A : i32 to vector<16xi32>
      %lt3A_43 = arith.cmpi slt, %broadcast_in_dim3A_41, %lt3A_42 : vector<16xi32>
      %add3A_44 = arith.constant 16 : i32
      %add3A_45 = vector.broadcast %add3A_44 : i32 to vector<16xi32>
      %add3A_46 = arith.addi %broadcast_in_dim3A_41, %add3A_45 : vector<16xi32>
      %select_n3A = arith.select %lt3A_43, %add3A_46, %broadcast_in_dim3A_41 : vector<16xi1>, vector<16xi32>
      %broadcast_in_dim3A_47 = vector.shape_cast %select_n3A : vector<16xi32> to vector<16x1xi32>
      %gather3A = vector.shape_cast %broadcast_in_dim3A_47 : vector<16x1xi32> to vector<16xi32>
      %gather3A_48 = tpu.dynamic_gather %get3A_40[%gather3A] in [0] : vector<16xf32>, vector<16xi32> -> vector<16xf32>
      %mul3A_49 = arith.constant 256 : i32
      %mul3A_50 = arith.muli %scan3A_36, %mul3A_49 : i32
      %add3A_51 = arith.constant 0 : i32
      %add3A_52 = arith.addi %mul3A_50, %add3A_51 : i32
      %swap3A = arith.index_cast %add3A_52 : i32 to index
      %swap3A_53 = tpu.vector_load %arg5[%swap3A] {strides = array<i32>} : memref<3328xf32, #tpu.memory_space<vmem>>, vector<16xf32>,
      %swap3A_54 = vector.shape_cast %swap3A_53 : vector<16xf32> to vector<16xf32>
      %swap3A_55 = vector.shape_cast %gather3A_48 : vector<16xf32> to vector<16xf32>
      tpu.vector_store %arg5[%swap3A], %swap3A_55 {strides = array<i32>} : memref<3328xf32, #tpu.memory_space<vmem>>, vector<16xf32>,
      %broadcast_in_dim3A_56 = arith.constant 1 : i32
      %broadcast_in_dim3A_57 = vector.broadcast %broadcast_in_dim3A_56 : i32 to vector<16xi32>
      %lt3A_58 = arith.constant 0 : i32
      %lt3A_59 = vector.broadcast %lt3A_58 : i32 to vector<16xi32>
      %lt3A_60 = arith.cmpi slt, %broadcast_in_dim3A_57, %lt3A_59 : vector<16xi32>
      %add3A_61 = arith.constant 16 : i32
      %add3A_62 = vector.broadcast %add3A_61 : i32 to vector<16xi32>
      %add3A_63 = arith.addi %broadcast_in_dim3A_57, %add3A_62 : vector<16xi32>
      %select_n3A_64 = arith.select %lt3A_60, %add3A_63, %broadcast_in_dim3A_57 : vector<16xi1>, vector<16xi32>
      %broadcast_in_dim3A_65 = vector.shape_cast %select_n3A_64 : vector<16xi32> to vector<16x1xi32>
      %gather3A_66 = vector.shape_cast %broadcast_in_dim3A_65 : vector<16x1xi32> to vector<16xi32>
      %gather3A_67 = tpu.dynamic_gather %get3A_40[%gather3A_66] in [0] : vector<16xf32>, vector<16xi32> -> vector<16xf32>
      %mul3A_68 = arith.constant 256 : i32
      %mul3A_69 = arith.muli %scan3A_36, %mul3A_68 : i32
      %add3A_70 = arith.constant 16 : i32
      %add3A_71 = arith.addi %mul3A_69, %add3A_70 : i32
      %swap3A_72 = arith.index_cast %add3A_71 : i32 to index
      %swap3A_73 = tpu.vector_load %arg5[%swap3A_72] {strides = array<i32>} : memref<3328xf32, #tpu.memory_space<vmem>>, vector<16xf32>,
      %swap3A_74 = vector.shape_cast %swap3A_73 : vector<16xf32> to vector<16xf32>
      %swap3A_75 = vector.shape_cast %gather3A_67 : vector<16xf32> to vector<16xf32>
      tpu.vector_store %arg5[%swap3A_72], %swap3A_75 {strides = array<i32>} : memref<3328xf32, #tpu.memory_space<vmem>>, vector<16xf32>,
      %broadcast_in_dim3A_76 = arith.constant 2 : i32
      %broadcast_in_dim3A_77 = vector.broadcast %broadcast_in_dim3A_76 : i32 to vector<16xi32>
      %lt3A_78 = arith.constant 0 : i32
      %lt3A_79 = vector.broadcast %lt3A_78 : i32 to vector<16xi32>
      %lt3A_80 = arith.cmpi slt, %broadcast_in_dim3A_77, %lt3A_79 : vector<16xi32>
      %add3A_81 = arith.constant 16 : i32
      %add3A_82 = vector.broadcast %add3A_81 : i32 to vector<16xi32>
      %add3A_83 = arith.addi %broadcast_in_dim3A_77, %add3A_82 : vector<16xi32>
      %select_n3A_84 = arith.select %lt3A_80, %add3A_83, %broadcast_in_dim3A_77 : vector<16xi1>, vector<16xi32>
      %broadcast_in_dim3A_85 = vector.shape_cast %select_n3A_84 : vector<16xi32> to vector<16x1xi32>
      %gather3A_86 = vector.shape_cast %broadcast_in_dim3A_85 : vector<16x1xi32> to vector<16xi32>
      %gather3A_87 = tpu.dynamic_gather %get3A_40[%gather3A_86] in [0] : vector<16xf32>, vector<16xi32> -> vector<16xf32>
      %mul3A_88 = arith.constant 256 : i32
      %mul3A_89 = arith.muli %scan3A_36, %mul3A_88 : i32
      %add3A_90 = arith.constant 32 : i32
      %add3A_91 = arith.addi %mul3A_89, %add3A_90 : i32
      %swap3A_92 = arith.index_cast %add3A_91 : i32 to index
      %swap3A_93 = tpu.vector_load %arg5[%swap3A_92] {strides = array<i32>} : memref<3328xf32, #tpu.memory_space<vmem>>, vector<16xf32>,
      %swap3A_94 = vector.shape_cast %swap3A_93 : vector<16xf32> to vector<16xf32>
      %swap3A_95 = vector.shape_cast %gather3A_87 : vector<16xf32> to vector<16xf32>
      tpu.vector_store %arg5[%swap3A_92], %swap3A_95 {strides = array<i32>} : memref<3328xf32, #tpu.memory_space<vmem>>, vector<16xf32>,
      %broadcast_in_dim3A_96 = arith.constant 3 : i32
      %broadcast_in_dim3A_97 = vector.broadcast %broadcast_in_dim3A_96 : i32 to vector<16xi32>
      %lt3A_98 = arith.constant 0 : i32
      %lt3A_99 = vector.broadcast %lt3A_98 : i32 to vector<16xi32>
      %lt3A_100 = arith.cmpi slt, %broadcast_in_dim3A_97, %lt3A_99 : vector<16xi32>
      %add3A_101 = arith.constant 16 : i32
      %add3A_102 = vector.broadcast %add3A_101 : i32 to vector<16xi32>
      %add3A_103 = arith.addi %broadcast_in_dim3A_97, %add3A_102 : vector<16xi32>
      %select_n3A_104 = arith.select %lt3A_100, %add3A_103, %broadcast_in_dim3A_97 : vector<16xi1>, vector<16xi32>
      %broadcast_in_dim3A_105 = vector.shape_cast %select_n3A_104 : vector<16xi32> to vector<16x1xi32>
      %gather3A_106 = vector.shape_cast %broadcast_in_dim3A_105 : vector<16x1xi32> to vector<16xi32>
      %gather3A_107 = tpu.dynamic_gather %get3A_40[%gather3A_106] in [0] : vector<16xf32>, vector<16xi32> -> vector<16xf32>
      %mul3A_108 = arith.constant 256 : i32
      %mul3A_109 = arith.muli %scan3A_36, %mul3A_108 : i32
      %add3A_110 = arith.constant 48 : i32
      %add3A_111 = arith.addi %mul3A_109, %add3A_110 : i32
      %swap3A_112 = arith.index_cast %add3A_111 : i32 to index
      %swap3A_113 = tpu.vector_load %arg5[%swap3A_112] {strides = array<i32>} : memref<3328xf32, #tpu.memory_space<vmem>>, vector<16xf32>,
      %swap3A_114 = vector.shape_cast %swap3A_113 : vector<16xf32> to vector<16xf32>
      %swap3A_115 = vector.shape_cast %gather3A_107 : vector<16xf32> to vector<16xf32>
      tpu.vector_store %arg5[%swap3A_112], %swap3A_115 {strides = array<i32>} : memref<3328xf32, #tpu.memory_space<vmem>>, vector<16xf32>,
      %broadcast_in_dim3A_116 = arith.constant 4 : i32
      %broadcast_in_dim3A_117 = vector.broadcast %broadcast_in_dim3A_116 : i32 to vector<16xi32>
      %lt3A_118 = arith.constant 0 : i32
      %lt3A_119 = vector.broadcast %lt3A_118 : i32 to vector<16xi32>
      %lt3A_120 = arith.cmpi slt, %broadcast_in_dim3A_117, %lt3A_119 : vector<16xi32>
      %add3A_121 = arith.constant 16 : i32
      %add3A_122 = vector.broadcast %add3A_121 : i32 to vector<16xi32>
      %add3A_123 = arith.addi %broadcast_in_dim3A_117, %add3A_122 : vector<16xi32>
      %select_n3A_124 = arith.select %lt3A_120, %add3A_123, %broadcast_in_dim3A_117 : vector<16xi1>, vector<16xi32>
      %broadcast_in_dim3A_125 = vector.shape_cast %select_n3A_124 : vector<16xi32> to vector<16x1xi32>
      %gather3A_126 = vector.shape_cast %broadcast_in_dim3A_125 : vector<16x1xi32> to vector<16xi32>
      %gather3A_127 = tpu.dynamic_gather %get3A_40[%gather3A_126] in [0] : vector<16xf32>, vector<16xi32> -> vector<16xf32>
      %mul3A_128 = arith.constant 256 : i32
      %mul3A_129 = arith.muli %scan3A_36, %mul3A_128 : i32
      %add3A_130 = arith.constant 64 : i32
      %add3A_131 = arith.addi %mul3A_129, %add3A_130 : i32
      %swap3A_132 = arith.index_cast %add3A_131 : i32 to index
      %swap3A_133 = tpu.vector_load %arg5[%swap3A_132] {strides = array<i32>} : memref<3328xf32, #tpu.memory_space<vmem>>, vector<16xf32>,
      %swap3A_134 = vector.shape_cast %swap3A_133 : vector<16xf32> to vector<16xf32>
      %swap3A_135 = vector.shape_cast %gather3A_127 : vector<16xf32> to vector<16xf32>
      tpu.vector_store %arg5[%swap3A_132], %swap3A_135 {strides = array<i32>} : memref<3328xf32, #tpu.memory_space<vmem>>, vector<16xf32>,
      %broadcast_in_dim3A_136 = arith.constant 5 : i32
      %broadcast_in_dim3A_137 = vector.broadcast %broadcast_in_dim3A_136 : i32 to vector<16xi32>
      %lt3A_138 = arith.constant 0 : i32
      %lt3A_139 = vector.broadcast %lt3A_138 : i32 to vector<16xi32>
      %lt3A_140 = arith.cmpi slt, %broadcast_in_dim3A_137, %lt3A_139 : vector<16xi32>
      %add3A_141 = arith.constant 16 : i32
      %add3A_142 = vector.broadcast %add3A_141 : i32 to vector<16xi32>
      %add3A_143 = arith.addi %broadcast_in_dim3A_137, %add3A_142 : vector<16xi32>
      %select_n3A_144 = arith.select %lt3A_140, %add3A_143, %broadcast_in_dim3A_137 : vector<16xi1>, vector<16xi32>
      %broadcast_in_dim3A_145 = vector.shape_cast %select_n3A_144 : vector<16xi32> to vector<16x1xi32>
      %gather3A_146 = vector.shape_cast %broadcast_in_dim3A_145 : vector<16x1xi32> to vector<16xi32>
      %gather3A_147 = tpu.dynamic_gather %get3A_40[%gather3A_146] in [0] : vector<16xf32>, vector<16xi32> -> vector<16xf32>
      %mul3A_148 = arith.constant 256 : i32
      %mul3A_149 = arith.muli %scan3A_36, %mul3A_148 : i32
      %add3A_150 = arith.constant 80 : i32
      %add3A_151 = arith.addi %mul3A_149, %add3A_150 : i32
      %swap3A_152 = arith.index_cast %add3A_151 : i32 to index
      %swap3A_153 = tpu.vector_load %arg5[%swap3A_152] {strides = array<i32>} : memref<3328xf32, #tpu.memory_space<vmem>>, vector<16xf32>,
      %swap3A_154 = vector.shape_cast %swap3A_153 : vector<16xf32> to vector<16xf32>
      %swap3A_155 = vector.shape_cast %gather3A_147 : vector<16xf32> to vector<16xf32>
      tpu.vector_store %arg5[%swap3A_152], %swap3A_155 {strides = array<i32>} : memref<3328xf32, #tpu.memory_space<vmem>>, vector<16xf32>,
      %broadcast_in_dim3A_156 = arith.constant 6 : i32
      %broadcast_in_dim3A_157 = vector.broadcast %broadcast_in_dim3A_156 : i32 to vector<16xi32>
      %lt3A_158 = arith.constant 0 : i32
      %lt3A_159 = vector.broadcast %lt3A_158 : i32 to vector<16xi32>
      %lt3A_160 = arith.cmpi slt, %broadcast_in_dim3A_157, %lt3A_159 : vector<16xi32>
      %add3A_161 = arith.constant 16 : i32
      %add3A_162 = vector.broadcast %add3A_161 : i32 to vector<16xi32>
      %add3A_163 = arith.addi %broadcast_in_dim3A_157, %add3A_162 : vector<16xi32>
      %select_n3A_164 = arith.select %lt3A_160, %add3A_163, %broadcast_in_dim3A_157 : vector<16xi1>, vector<16xi32>
      %broadcast_in_dim3A_165 = vector.shape_cast %select_n3A_164 : vector<16xi32> to vector<16x1xi32>
      %gather3A_166 = vector.shape_cast %broadcast_in_dim3A_165 : vector<16x1xi32> to vector<16xi32>
      %gather3A_167 = tpu.dynamic_gather %get3A_40[%gather3A_166] in [0] : vector<16xf32>, vector<16xi32> -> vector<16xf32>
      %mul3A_168 = arith.constant 256 : i32
      %mul3A_169 = arith.muli %scan3A_36, %mul3A_168 : i32
      %add3A_170 = arith.constant 96 : i32
      %add3A_171 = arith.addi %mul3A_169, %add3A_170 : i32
      %swap3A_172 = arith.index_cast %add3A_171 : i32 to index
      %swap3A_173 = tpu.vector_load %arg5[%swap3A_172] {strides = array<i32>} : memref<3328xf32, #tpu.memory_space<vmem>>, vector<16xf32>,
      %swap3A_174 = vector.shape_cast %swap3A_173 : vector<16xf32> to vector<16xf32>
      %swap3A_175 = vector.shape_cast %gather3A_167 : vector<16xf32> to vector<16xf32>
      tpu.vector_store %arg5[%swap3A_172], %swap3A_175 {strides = array<i32>} : memref<3328xf32, #tpu.memory_space<vmem>>, vector<16xf32>,
      %broadcast_in_dim3A_176 = arith.constant 7 : i32
      %broadcast_in_dim3A_177 = vector.broadcast %broadcast_in_dim3A_176 : i32 to vector<16xi32>
      %lt3A_178 = arith.constant 0 : i32
      %lt3A_179 = vector.broadcast %lt3A_178 : i32 to vector<16xi32>
      %lt3A_180 = arith.cmpi slt, %broadcast_in_dim3A_177, %lt3A_179 : vector<16xi32>
      %add3A_181 = arith.constant 16 : i32
      %add3A_182 = vector.broadcast %add3A_181 : i32 to vector<16xi32>
      %add3A_183 = arith.addi %broadcast_in_dim3A_177, %add3A_182 : vector<16xi32>
      %select_n3A_184 = arith.select %lt3A_180, %add3A_183, %broadcast_in_dim3A_177 : vector<16xi1>, vector<16xi32>
      %broadcast_in_dim3A_185 = vector.shape_cast %select_n3A_184 : vector<16xi32> to vector<16x1xi32>
      %gather3A_186 = vector.shape_cast %broadcast_in_dim3A_185 : vector<16x1xi32> to vector<16xi32>
      %gather3A_187 = tpu.dynamic_gather %get3A_40[%gather3A_186] in [0] : vector<16xf32>, vector<16xi32> -> vector<16xf32>
      %mul3A_188 = arith.constant 256 : i32
      %mul3A_189 = arith.muli %scan3A_36, %mul3A_188 : i32
      %add3A_190 = arith.constant 112 : i32
      %add3A_191 = arith.addi %mul3A_189, %add3A_190 : i32
      %swap3A_192 = arith.index_cast %add3A_191 : i32 to index
      %swap3A_193 = tpu.vector_load %arg5[%swap3A_192] {strides = array<i32>} : memref<3328xf32, #tpu.memory_space<vmem>>, vector<16xf32>,
      %swap3A_194 = vector.shape_cast %swap3A_193 : vector<16xf32> to vector<16xf32>
      %swap3A_195 = vector.shape_cast %gather3A_187 : vector<16xf32> to vector<16xf32>
      tpu.vector_store %arg5[%swap3A_192], %swap3A_195 {strides = array<i32>} : memref<3328xf32, #tpu.memory_space<vmem>>, vector<16xf32>,
      %broadcast_in_dim3A_196 = arith.constant 8 : i32
      %broadcast_in_dim3A_197 = vector.broadcast %broadcast_in_dim3A_196 : i32 to vector<16xi32>
      %lt3A_198 = arith.constant 0 : i32
      %lt3A_199 = vector.broadcast %lt3A_198 : i32 to vector<16xi32>
      %lt3A_200 = arith.cmpi slt, %broadcast_in_dim3A_197, %lt3A_199 : vector<16xi32>
      %add3A_201 = arith.constant 16 : i32
      %add3A_202 = vector.broadcast %add3A_201 : i32 to vector<16xi32>
      %add3A_203 = arith.addi %broadcast_in_dim3A_197, %add3A_202 : vector<16xi32>
      %select_n3A_204 = arith.select %lt3A_200, %add3A_203, %broadcast_in_dim3A_197 : vector<16xi1>, vector<16xi32>
      %broadcast_in_dim3A_205 = vector.shape_cast %select_n3A_204 : vector<16xi32> to vector<16x1xi32>
      %gather3A_206 = vector.shape_cast %broadcast_in_dim3A_205 : vector<16x1xi32> to vector<16xi32>
      %gather3A_207 = tpu.dynamic_gather %get3A_40[%gather3A_206] in [0] : vector<16xf32>, vector<16xi32> -> vector<16xf32>
      %mul3A_208 = arith.constant 256 : i32
      %mul3A_209 = arith.muli %scan3A_36, %mul3A_208 : i32
      %add3A_210 = arith.constant 128 : i32
      %add3A_211 = arith.addi %mul3A_209, %add3A_210 : i32
      %swap3A_212 = arith.index_cast %add3A_211 : i32 to index
      %swap3A_213 = tpu.vector_load %arg5[%swap3A_212] {strides = array<i32>} : memref<3328xf32, #tpu.memory_space<vmem>>, vector<16xf32>,
      %swap3A_214 = vector.shape_cast %swap3A_213 : vector<16xf32> to vector<16xf32>
      %swap3A_215 = vector.shape_cast %gather3A_207 : vector<16xf32> to vector<16xf32>
      tpu.vector_store %arg5[%swap3A_212], %swap3A_215 {strides = array<i32>} : memref<3328xf32, #tpu.memory_space<vmem>>, vector<16xf32>,
      %broadcast_in_dim3A_216 = arith.constant 9 : i32
      %broadcast_in_dim3A_217 = vector.broadcast %broadcast_in_dim3A_216 : i32 to vector<16xi32>
      %lt3A_218 = arith.constant 0 : i32
      %lt3A_219 = vector.broadcast %lt3A_218 : i32 to vector<16xi32>
      %lt3A_220 = arith.cmpi slt, %broadcast_in_dim3A_217, %lt3A_219 : vector<16xi32>
      %add3A_221 = arith.constant 16 : i32
      %add3A_222 = vector.broadcast %add3A_221 : i32 to vector<16xi32>
      %add3A_223 = arith.addi %broadcast_in_dim3A_217, %add3A_222 : vector<16xi32>
      %select_n3A_224 = arith.select %lt3A_220, %add3A_223, %broadcast_in_dim3A_217 : vector<16xi1>, vector<16xi32>
      %broadcast_in_dim3A_225 = vector.shape_cast %select_n3A_224 : vector<16xi32> to vector<16x1xi32>
      %gather3A_226 = vector.shape_cast %broadcast_in_dim3A_225 : vector<16x1xi32> to vector<16xi32>
      %gather3A_227 = tpu.dynamic_gather %get3A_40[%gather3A_226] in [0] : vector<16xf32>, vector<16xi32> -> vector<16xf32>
      %mul3A_228 = arith.constant 256 : i32
      %mul3A_229 = arith.muli %scan3A_36, %mul3A_228 : i32
      %add3A_230 = arith.constant 144 : i32
      %add3A_231 = arith.addi %mul3A_229, %add3A_230 : i32
      %swap3A_232 = arith.index_cast %add3A_231 : i32 to index
      %swap3A_233 = tpu.vector_load %arg5[%swap3A_232] {strides = array<i32>} : memref<3328xf32, #tpu.memory_space<vmem>>, vector<16xf32>,
      %swap3A_234 = vector.shape_cast %swap3A_233 : vector<16xf32> to vector<16xf32>
      %swap3A_235 = vector.shape_cast %gather3A_227 : vector<16xf32> to vector<16xf32>
      tpu.vector_store %arg5[%swap3A_232], %swap3A_235 {strides = array<i32>} : memref<3328xf32, #tpu.memory_space<vmem>>, vector<16xf32>,
      %broadcast_in_dim3A_236 = arith.constant 10 : i32
      %broadcast_in_dim3A_237 = vector.broadcast %broadcast_in_dim3A_236 : i32 to vector<16xi32>
      %lt3A_238 = arith.constant 0 : i32
      %lt3A_239 = vector.broadcast %lt3A_238 : i32 to vector<16xi32>
      %lt3A_240 = arith.cmpi slt, %broadcast_in_dim3A_237, %lt3A_239 : vector<16xi32>
      %add3A_241 = arith.constant 16 : i32
      %add3A_242 = vector.broadcast %add3A_241 : i32 to vector<16xi32>
      %add3A_243 = arith.addi %broadcast_in_dim3A_237, %add3A_242 : vector<16xi32>
      %select_n3A_244 = arith.select %lt3A_240, %add3A_243, %broadcast_in_dim3A_237 : vector<16xi1>, vector<16xi32>
      %broadcast_in_dim3A_245 = vector.shape_cast %select_n3A_244 : vector<16xi32> to vector<16x1xi32>
      %gather3A_246 = vector.shape_cast %broadcast_in_dim3A_245 : vector<16x1xi32> to vector<16xi32>
      %gather3A_247 = tpu.dynamic_gather %get3A_40[%gather3A_246] in [0] : vector<16xf32>, vector<16xi32> -> vector<16xf32>
      %mul3A_248 = arith.constant 256 : i32
      %mul3A_249 = arith.muli %scan3A_36, %mul3A_248 : i32
      %add3A_250 = arith.constant 160 : i32
      %add3A_251 = arith.addi %mul3A_249, %add3A_250 : i32
      %swap3A_252 = arith.index_cast %add3A_251 : i32 to index
      %swap3A_253 = tpu.vector_load %arg5[%swap3A_252] {strides = array<i32>} : memref<3328xf32, #tpu.memory_space<vmem>>, vector<16xf32>,
      %swap3A_254 = vector.shape_cast %swap3A_253 : vector<16xf32> to vector<16xf32>
      %swap3A_255 = vector.shape_cast %gather3A_247 : vector<16xf32> to vector<16xf32>
      tpu.vector_store %arg5[%swap3A_252], %swap3A_255 {strides = array<i32>} : memref<3328xf32, #tpu.memory_space<vmem>>, vector<16xf32>,
      %broadcast_in_dim3A_256 = arith.constant 11 : i32
      %broadcast_in_dim3A_257 = vector.broadcast %broadcast_in_dim3A_256 : i32 to vector<16xi32>
      %lt3A_258 = arith.constant 0 : i32
      %lt3A_259 = vector.broadcast %lt3A_258 : i32 to vector<16xi32>
      %lt3A_260 = arith.cmpi slt, %broadcast_in_dim3A_257, %lt3A_259 : vector<16xi32>
      %add3A_261 = arith.constant 16 : i32
      %add3A_262 = vector.broadcast %add3A_261 : i32 to vector<16xi32>
      %add3A_263 = arith.addi %broadcast_in_dim3A_257, %add3A_262 : vector<16xi32>
      %select_n3A_264 = arith.select %lt3A_260, %add3A_263, %broadcast_in_dim3A_257 : vector<16xi1>, vector<16xi32>
      %broadcast_in_dim3A_265 = vector.shape_cast %select_n3A_264 : vector<16xi32> to vector<16x1xi32>
      %gather3A_266 = vector.shape_cast %broadcast_in_dim3A_265 : vector<16x1xi32> to vector<16xi32>
      %gather3A_267 = tpu.dynamic_gather %get3A_40[%gather3A_266] in [0] : vector<16xf32>, vector<16xi32> -> vector<16xf32>
      %mul3A_268 = arith.constant 256 : i32
      %mul3A_269 = arith.muli %scan3A_36, %mul3A_268 : i32
      %add3A_270 = arith.constant 176 : i32
      %add3A_271 = arith.addi %mul3A_269, %add3A_270 : i32
      %swap3A_272 = arith.index_cast %add3A_271 : i32 to index
      %swap3A_273 = tpu.vector_load %arg5[%swap3A_272] {strides = array<i32>} : memref<3328xf32, #tpu.memory_space<vmem>>, vector<16xf32>,
      %swap3A_274 = vector.shape_cast %swap3A_273 : vector<16xf32> to vector<16xf32>
      %swap3A_275 = vector.shape_cast %gather3A_267 : vector<16xf32> to vector<16xf32>
      tpu.vector_store %arg5[%swap3A_272], %swap3A_275 {strides = array<i32>} : memref<3328xf32, #tpu.memory_space<vmem>>, vector<16xf32>,
      %broadcast_in_dim3A_276 = arith.constant 12 : i32
      %broadcast_in_dim3A_277 = vector.broadcast %broadcast_in_dim3A_276 : i32 to vector<16xi32>
      %lt3A_278 = arith.constant 0 : i32
      %lt3A_279 = vector.broadcast %lt3A_278 : i32 to vector<16xi32>
      %lt3A_280 = arith.cmpi slt, %broadcast_in_dim3A_277, %lt3A_279 : vector<16xi32>
      %add3A_281 = arith.constant 16 : i32
      %add3A_282 = vector.broadcast %add3A_281 : i32 to vector<16xi32>
      %add3A_283 = arith.addi %broadcast_in_dim3A_277, %add3A_282 : vector<16xi32>
      %select_n3A_284 = arith.select %lt3A_280, %add3A_283, %broadcast_in_dim3A_277 : vector<16xi1>, vector<16xi32>
      %broadcast_in_dim3A_285 = vector.shape_cast %select_n3A_284 : vector<16xi32> to vector<16x1xi32>
      %gather3A_286 = vector.shape_cast %broadcast_in_dim3A_285 : vector<16x1xi32> to vector<16xi32>
      %gather3A_287 = tpu.dynamic_gather %get3A_40[%gather3A_286] in [0] : vector<16xf32>, vector<16xi32> -> vector<16xf32>
      %mul3A_288 = arith.constant 256 : i32
      %mul3A_289 = arith.muli %scan3A_36, %mul3A_288 : i32
      %add3A_290 = arith.constant 192 : i32
      %add3A_291 = arith.addi %mul3A_289, %add3A_290 : i32
      %swap3A_292 = arith.index_cast %add3A_291 : i32 to index
      %swap3A_293 = tpu.vector_load %arg5[%swap3A_292] {strides = array<i32>} : memref<3328xf32, #tpu.memory_space<vmem>>, vector<16xf32>,
      %swap3A_294 = vector.shape_cast %swap3A_293 : vector<16xf32> to vector<16xf32>
      %swap3A_295 = vector.shape_cast %gather3A_287 : vector<16xf32> to vector<16xf32>
      tpu.vector_store %arg5[%swap3A_292], %swap3A_295 {strides = array<i32>} : memref<3328xf32, #tpu.memory_space<vmem>>, vector<16xf32>,
      %broadcast_in_dim3A_296 = arith.constant 13 : i32
      %broadcast_in_dim3A_297 = vector.broadcast %broadcast_in_dim3A_296 : i32 to vector<16xi32>
      %lt3A_298 = arith.constant 0 : i32
      %lt3A_299 = vector.broadcast %lt3A_298 : i32 to vector<16xi32>
      %lt3A_300 = arith.cmpi slt, %broadcast_in_dim3A_297, %lt3A_299 : vector<16xi32>
      %add3A_301 = arith.constant 16 : i32
      %add3A_302 = vector.broadcast %add3A_301 : i32 to vector<16xi32>
      %add3A_303 = arith.addi %broadcast_in_dim3A_297, %add3A_302 : vector<16xi32>
      %select_n3A_304 = arith.select %lt3A_300, %add3A_303, %broadcast_in_dim3A_297 : vector<16xi1>, vector<16xi32>
      %broadcast_in_dim3A_305 = vector.shape_cast %select_n3A_304 : vector<16xi32> to vector<16x1xi32>
      %gather3A_306 = vector.shape_cast %broadcast_in_dim3A_305 : vector<16x1xi32> to vector<16xi32>
      %gather3A_307 = tpu.dynamic_gather %get3A_40[%gather3A_306] in [0] : vector<16xf32>, vector<16xi32> -> vector<16xf32>
      %mul3A_308 = arith.constant 256 : i32
      %mul3A_309 = arith.muli %scan3A_36, %mul3A_308 : i32
      %add3A_310 = arith.constant 208 : i32
      %add3A_311 = arith.addi %mul3A_309, %add3A_310 : i32
      %swap3A_312 = arith.index_cast %add3A_311 : i32 to index
      %swap3A_313 = tpu.vector_load %arg5[%swap3A_312] {strides = array<i32>} : memref<3328xf32, #tpu.memory_space<vmem>>, vector<16xf32>,
      %swap3A_314 = vector.shape_cast %swap3A_313 : vector<16xf32> to vector<16xf32>
      %swap3A_315 = vector.shape_cast %gather3A_307 : vector<16xf32> to vector<16xf32>
      tpu.vector_store %arg5[%swap3A_312], %swap3A_315 {strides = array<i32>} : memref<3328xf32, #tpu.memory_space<vmem>>, vector<16xf32>,
      %broadcast_in_dim3A_316 = arith.constant 14 : i32
      %broadcast_in_dim3A_317 = vector.broadcast %broadcast_in_dim3A_316 : i32 to vector<16xi32>
      %lt3A_318 = arith.constant 0 : i32
      %lt3A_319 = vector.broadcast %lt3A_318 : i32 to vector<16xi32>
      %lt3A_320 = arith.cmpi slt, %broadcast_in_dim3A_317, %lt3A_319 : vector<16xi32>
      %add3A_321 = arith.constant 16 : i32
      %add3A_322 = vector.broadcast %add3A_321 : i32 to vector<16xi32>
      %add3A_323 = arith.addi %broadcast_in_dim3A_317, %add3A_322 : vector<16xi32>
      %select_n3A_324 = arith.select %lt3A_320, %add3A_323, %broadcast_in_dim3A_317 : vector<16xi1>, vector<16xi32>
      %broadcast_in_dim3A_325 = vector.shape_cast %select_n3A_324 : vector<16xi32> to vector<16x1xi32>
      %gather3A_326 = vector.shape_cast %broadcast_in_dim3A_325 : vector<16x1xi32> to vector<16xi32>
      %gather3A_327 = tpu.dynamic_gather %get3A_40[%gather3A_326] in [0] : vector<16xf32>, vector<16xi32> -> vector<16xf32>
      %mul3A_328 = arith.constant 256 : i32
      %mul3A_329 = arith.muli %scan3A_36, %mul3A_328 : i32
      %add3A_330 = arith.constant 224 : i32
      %add3A_331 = arith.addi %mul3A_329, %add3A_330 : i32
      %swap3A_332 = arith.index_cast %add3A_331 : i32 to index
      %swap3A_333 = tpu.vector_load %arg5[%swap3A_332] {strides = array<i32>} : memref<3328xf32, #tpu.memory_space<vmem>>, vector<16xf32>,
      %swap3A_334 = vector.shape_cast %swap3A_333 : vector<16xf32> to vector<16xf32>
      %swap3A_335 = vector.shape_cast %gather3A_327 : vector<16xf32> to vector<16xf32>
      tpu.vector_store %arg5[%swap3A_332], %swap3A_335 {strides = array<i32>} : memref<3328xf32, #tpu.memory_space<vmem>>, vector<16xf32>,
      %broadcast_in_dim3A_336 = arith.constant 15 : i32
      %broadcast_in_dim3A_337 = vector.broadcast %broadcast_in_dim3A_336 : i32 to vector<16xi32>
      %lt3A_338 = arith.constant 0 : i32
      %lt3A_339 = vector.broadcast %lt3A_338 : i32 to vector<16xi32>
      %lt3A_340 = arith.cmpi slt, %broadcast_in_dim3A_337, %lt3A_339 : vector<16xi32>
      %add3A_341 = arith.constant 16 : i32
      %add3A_342 = vector.broadcast %add3A_341 : i32 to vector<16xi32>
      %add3A_343 = arith.addi %broadcast_in_dim3A_337, %add3A_342 : vector<16xi32>
      %select_n3A_344 = arith.select %lt3A_340, %add3A_343, %broadcast_in_dim3A_337 : vector<16xi1>, vector<16xi32>
      %broadcast_in_dim3A_345 = vector.shape_cast %select_n3A_344 : vector<16xi32> to vector<16x1xi32>
      %gather3A_346 = vector.shape_cast %broadcast_in_dim3A_345 : vector<16x1xi32> to vector<16xi32>
      %gather3A_347 = tpu.dynamic_gather %get3A_40[%gather3A_346] in [0] : vector<16xf32>, vector<16xi32> -> vector<16xf32>
      %mul3A_348 = arith.constant 256 : i32
      %mul3A_349 = arith.muli %scan3A_36, %mul3A_348 : i32
      %add3A_350 = arith.constant 240 : i32
      %add3A_351 = arith.addi %mul3A_349, %add3A_350 : i32
      %swap3A_352 = arith.index_cast %add3A_351 : i32 to index
      %swap3A_353 = tpu.vector_load %arg5[%swap3A_352] {strides = array<i32>} : memref<3328xf32, #tpu.memory_space<vmem>>, vector<16xf32>,
      %swap3A_354 = vector.shape_cast %swap3A_353 : vector<16xf32> to vector<16xf32>
      %swap3A_355 = vector.shape_cast %gather3A_347 : vector<16xf32> to vector<16xf32>
      tpu.vector_store %arg5[%swap3A_352], %swap3A_355 {strides = array<i32>} : memref<3328xf32, #tpu.memory_space<vmem>>, vector<16xf32>,
    }
    %scan3A_7 = arith.constant 13 : i32
    %scan3A_8 = arith.constant 0 : i32
    %scan3A_9 = arith.constant 0 : i32
    %scan3A_10 = arith.constant 12 : i32
    %scan3A_11 = arith.addi %scan3A_9, %scan3A_10 : i32
    %scan3A_12 = arith.constant 1 : i32
    scf.for %scan3A_36 = %scan3A_9 to %scan3A_11 step %scan3A_12  : i32 {
      %mul3A_37 = arith.constant 2 : i32
      %mul3A_38 = arith.muli %mul3A_37, %scan3A_36 : i32
      %add3A_39 = arith.constant 0 : i32
      %add3A_40 = arith.addi %mul3A_38, %add3A_39 : i32
      %gt3A = arith.constant 0 : i32
      %gt3A_41 = arith.cmpi sgt, %scan3A_36, %gt3A : i32
      %convert_element_type3A = arith.extui %gt3A_41 : i1 to i32
      %cond3A = arith.constant 0 : i32
      %cond3A_42 = arith.cmpi ne, %convert_element_type3A, %cond3A : i32
      scf.if %cond3A_42 {
        %dma_wait3A_78 = arith.constant 0 : i32
        %dma_wait3A_79 = tpu.memref_slice %arg3[%mul3A_2, %dma_wait3A_78] : memref<6400x4096xf32, #tpu.memory_space<hbm>> -> memref<8x4096xf32, #tpu.memory_space<hbm>>
        %dma_wait3A_80 = arith.constant 0 : i32
        %dma_wait3A_81 = tpu.memref_slice %arg3[%mul3A_2, %dma_wait3A_80] : memref<6400x4096xf32, #tpu.memory_space<hbm>> -> memref<8x4096xf32, #tpu.memory_space<hbm>>
        tpu.wait_dma2 semaphore(%arg8 : memref<!tpu.dma_semaphore, #tpu.memory_space<semaphore_mem>>) src(%arg6 : memref<8x4096xf32, #tpu.memory_space<vmem>>) dst(%dma_wait3A_81 : memref<8x4096xf32, #tpu.memory_space<hbm>>)
      } else {
      }
      %scan3A_43 = arith.constant 0 : i32
      %scan3A_44 = arith.constant 0 : i32
      %scan3A_45 = arith.constant 32 : i32
      %scan3A_46 = arith.addi %scan3A_44, %scan3A_45 : i32
      %scan3A_47 = arith.constant 1 : i32
      scf.for %scan3A_78 = %scan3A_44 to %scan3A_46 step %scan3A_47  : i32 {
        %mul3A_79 = arith.constant 128 : i32
        %mul3A_80 = arith.muli %scan3A_78, %mul3A_79 : i32
        %mul3A_81 = arith.constant 8 : i32
        %mul3A_82 = arith.muli %add3A_40, %mul3A_81 : i32
        %add3A_83 = arith.constant 0 : i32
        %add3A_84 = arith.addi %mul3A_82, %add3A_83 : i32
        %mul3A_85 = arith.constant 16 : i32
        %mul3A_86 = arith.muli %add3A_84, %mul3A_85 : i32
        %get3A = arith.index_cast %mul3A_86 : i32 to index
        %get3A_87 = tpu.vector_load %arg5[%get3A] {strides = array<i32>} : memref<3328xf32, #tpu.memory_space<vmem>>, vector<16xf32>,
        %get3A_88 = vector.shape_cast %get3A_87 : vector<16xf32> to vector<16xf32>
        %add3A_89 = arith.constant 0 : i32
        %add3A_90 = arith.addi %mul3A_80, %add3A_89 : i32
        %swap3A = arith.constant 0 : i32
        %swap3A_91 = arith.index_cast %swap3A : i32 to index
        %swap3A_92 = arith.index_cast %add3A_90 : i32 to index
        %swap3A_93 = tpu.vector_load %arg6[%swap3A_91, %swap3A_92] {strides = array<i32>} : memref<8x4096xf32, #tpu.memory_space<vmem>>, vector<1x16xf32>,
        %swap3A_94 = vector.shape_cast %swap3A_93 : vector<1x16xf32> to vector<16xf32>
        %swap3A_95 = vector.shape_cast %get3A_88 : vector<16xf32> to vector<1x16xf32>
        tpu.vector_store %arg6[%swap3A_91, %swap3A_92], %swap3A_95 {strides = array<i32>} : memref<8x4096xf32, #tpu.memory_space<vmem>>, vector<1x16xf32>,
        %add3A_96 = arith.constant 16 : i32
        %add3A_97 = arith.addi %mul3A_80, %add3A_96 : i32
        %swap3A_98 = arith.constant 0 : i32
        %swap3A_99 = arith.index_cast %swap3A_98 : i32 to index
        %swap3A_100 = arith.index_cast %add3A_97 : i32 to index
        %swap3A_101 = tpu.vector_load %arg6[%swap3A_99, %swap3A_100] {strides = array<i32>} : memref<8x4096xf32, #tpu.memory_space<vmem>>, vector<1x16xf32>,
        %swap3A_102 = vector.shape_cast %swap3A_101 : vector<1x16xf32> to vector<16xf32>
        %swap3A_103 = vector.shape_cast %get3A_88 : vector<16xf32> to vector<1x16xf32>
        tpu.vector_store %arg6[%swap3A_99, %swap3A_100], %swap3A_103 {strides = array<i32>} : memref<8x4096xf32, #tpu.memory_space<vmem>>, vector<1x16xf32>,
        %add3A_104 = arith.constant 32 : i32
        %add3A_105 = arith.addi %mul3A_80, %add3A_104 : i32
        %swap3A_106 = arith.constant 0 : i32
        %swap3A_107 = arith.index_cast %swap3A_106 : i32 to index
        %swap3A_108 = arith.index_cast %add3A_105 : i32 to index
        %swap3A_109 = tpu.vector_load %arg6[%swap3A_107, %swap3A_108] {strides = array<i32>} : memref<8x4096xf32, #tpu.memory_space<vmem>>, vector<1x16xf32>,
        %swap3A_110 = vector.shape_cast %swap3A_109 : vector<1x16xf32> to vector<16xf32>
        %swap3A_111 = vector.shape_cast %get3A_88 : vector<16xf32> to vector<1x16xf32>
        tpu.vector_store %arg6[%swap3A_107, %swap3A_108], %swap3A_111 {strides = array<i32>} : memref<8x4096xf32, #tpu.memory_space<vmem>>, vector<1x16xf32>,
        %add3A_112 = arith.constant 48 : i32
        %add3A_113 = arith.addi %mul3A_80, %add3A_112 : i32
        %swap3A_114 = arith.constant 0 : i32
        %swap3A_115 = arith.index_cast %swap3A_114 : i32 to index
        %swap3A_116 = arith.index_cast %add3A_113 : i32 to index
        %swap3A_117 = tpu.vector_load %arg6[%swap3A_115, %swap3A_116] {strides = array<i32>} : memref<8x4096xf32, #tpu.memory_space<vmem>>, vector<1x16xf32>,
        %swap3A_118 = vector.shape_cast %swap3A_117 : vector<1x16xf32> to vector<16xf32>
        %swap3A_119 = vector.shape_cast %get3A_88 : vector<16xf32> to vector<1x16xf32>
        tpu.vector_store %arg6[%swap3A_115, %swap3A_116], %swap3A_119 {strides = array<i32>} : memref<8x4096xf32, #tpu.memory_space<vmem>>, vector<1x16xf32>,
        %add3A_120 = arith.constant 64 : i32
        %add3A_121 = arith.addi %mul3A_80, %add3A_120 : i32
        %swap3A_122 = arith.constant 0 : i32
        %swap3A_123 = arith.index_cast %swap3A_122 : i32 to index
        %swap3A_124 = arith.index_cast %add3A_121 : i32 to index
        %swap3A_125 = tpu.vector_load %arg6[%swap3A_123, %swap3A_124] {strides = array<i32>} : memref<8x4096xf32, #tpu.memory_space<vmem>>, vector<1x16xf32>,
        %swap3A_126 = vector.shape_cast %swap3A_125 : vector<1x16xf32> to vector<16xf32>
        %swap3A_127 = vector.shape_cast %get3A_88 : vector<16xf32> to vector<1x16xf32>
        tpu.vector_store %arg6[%swap3A_123, %swap3A_124], %swap3A_127 {strides = array<i32>} : memref<8x4096xf32, #tpu.memory_space<vmem>>, vector<1x16xf32>,
        %add3A_128 = arith.constant 80 : i32
        %add3A_129 = arith.addi %mul3A_80, %add3A_128 : i32
        %swap3A_130 = arith.constant 0 : i32
        %swap3A_131 = arith.index_cast %swap3A_130 : i32 to index
        %swap3A_132 = arith.index_cast %add3A_129 : i32 to index
        %swap3A_133 = tpu.vector_load %arg6[%swap3A_131, %swap3A_132] {strides = array<i32>} : memref<8x4096xf32, #tpu.memory_space<vmem>>, vector<1x16xf32>,
        %swap3A_134 = vector.shape_cast %swap3A_133 : vector<1x16xf32> to vector<16xf32>
        %swap3A_135 = vector.shape_cast %get3A_88 : vector<16xf32> to vector<1x16xf32>
        tpu.vector_store %arg6[%swap3A_131, %swap3A_132], %swap3A_135 {strides = array<i32>} : memref<8x4096xf32, #tpu.memory_space<vmem>>, vector<1x16xf32>,
        %add3A_136 = arith.constant 96 : i32
        %add3A_137 = arith.addi %mul3A_80, %add3A_136 : i32
        %swap3A_138 = arith.constant 0 : i32
        %swap3A_139 = arith.index_cast %swap3A_138 : i32 to index
        %swap3A_140 = arith.index_cast %add3A_137 : i32 to index
        %swap3A_141 = tpu.vector_load %arg6[%swap3A_139, %swap3A_140] {strides = array<i32>} : memref<8x4096xf32, #tpu.memory_space<vmem>>, vector<1x16xf32>,
        %swap3A_142 = vector.shape_cast %swap3A_141 : vector<1x16xf32> to vector<16xf32>
        %swap3A_143 = vector.shape_cast %get3A_88 : vector<16xf32> to vector<1x16xf32>
        tpu.vector_store %arg6[%swap3A_139, %swap3A_140], %swap3A_143 {strides = array<i32>} : memref<8x4096xf32, #tpu.memory_space<vmem>>, vector<1x16xf32>,
        %add3A_144 = arith.constant 112 : i32
        %add3A_145 = arith.addi %mul3A_80, %add3A_144 : i32
        %swap3A_146 = arith.constant 0 : i32
        %swap3A_147 = arith.index_cast %swap3A_146 : i32 to index
        %swap3A_148 = arith.index_cast %add3A_145 : i32 to index
        %swap3A_149 = tpu.vector_load %arg6[%swap3A_147, %swap3A_148] {strides = array<i32>} : memref<8x4096xf32, #tpu.memory_space<vmem>>, vector<1x16xf32>,
        %swap3A_150 = vector.shape_cast %swap3A_149 : vector<1x16xf32> to vector<16xf32>
        %swap3A_151 = vector.shape_cast %get3A_88 : vector<16xf32> to vector<1x16xf32>
        tpu.vector_store %arg6[%swap3A_147, %swap3A_148], %swap3A_151 {strides = array<i32>} : memref<8x4096xf32, #tpu.memory_space<vmem>>, vector<1x16xf32>,
        %mul3A_152 = arith.constant 8 : i32
        %mul3A_153 = arith.muli %add3A_40, %mul3A_152 : i32
        %add3A_154 = arith.constant 1 : i32
        %add3A_155 = arith.addi %mul3A_153, %add3A_154 : i32
        %mul3A_156 = arith.constant 16 : i32
        %mul3A_157 = arith.muli %add3A_155, %mul3A_156 : i32
        %get3A_158 = arith.index_cast %mul3A_157 : i32 to index
        %get3A_159 = tpu.vector_load %arg5[%get3A_158] {strides = array<i32>} : memref<3328xf32, #tpu.memory_space<vmem>>, vector<16xf32>,
        %get3A_160 = vector.shape_cast %get3A_159 : vector<16xf32> to vector<16xf32>
        %add3A_161 = arith.constant 0 : i32
        %add3A_162 = arith.addi %mul3A_80, %add3A_161 : i32
        %swap3A_163 = arith.constant 1 : i32
        %swap3A_164 = arith.index_cast %swap3A_163 : i32 to index
        %swap3A_165 = arith.index_cast %add3A_162 : i32 to index
        %swap3A_166 = tpu.vector_load %arg6[%swap3A_164, %swap3A_165] {strides = array<i32>} : memref<8x4096xf32, #tpu.memory_space<vmem>>, vector<1x16xf32>,
        %swap3A_167 = vector.shape_cast %swap3A_166 : vector<1x16xf32> to vector<16xf32>
        %swap3A_168 = vector.shape_cast %get3A_160 : vector<16xf32> to vector<1x16xf32>
        tpu.vector_store %arg6[%swap3A_164, %swap3A_165], %swap3A_168 {strides = array<i32>} : memref<8x4096xf32, #tpu.memory_space<vmem>>, vector<1x16xf32>,
        %add3A_169 = arith.constant 16 : i32
        %add3A_170 = arith.addi %mul3A_80, %add3A_169 : i32
        %swap3A_171 = arith.constant 1 : i32
        %swap3A_172 = arith.index_cast %swap3A_171 : i32 to index
        %swap3A_173 = arith.index_cast %add3A_170 : i32 to index
        %swap3A_174 = tpu.vector_load %arg6[%swap3A_172, %swap3A_173] {strides = array<i32>} : memref<8x4096xf32, #tpu.memory_space<vmem>>, vector<1x16xf32>,
        %swap3A_175 = vector.shape_cast %swap3A_174 : vector<1x16xf32> to vector<16xf32>
        %swap3A_176 = vector.shape_cast %get3A_160 : vector<16xf32> to vector<1x16xf32>
        tpu.vector_store %arg6[%swap3A_172, %swap3A_173], %swap3A_176 {strides = array<i32>} : memref<8x4096xf32, #tpu.memory_space<vmem>>, vector<1x16xf32>,
        %add3A_177 = arith.constant 32 : i32
        %add3A_178 = arith.addi %mul3A_80, %add3A_177 : i32
        %swap3A_179 = arith.constant 1 : i32
        %swap3A_180 = arith.index_cast %swap3A_179 : i32 to index
        %swap3A_181 = arith.index_cast %add3A_178 : i32 to index
        %swap3A_182 = tpu.vector_load %arg6[%swap3A_180, %swap3A_181] {strides = array<i32>} : memref<8x4096xf32, #tpu.memory_space<vmem>>, vector<1x16xf32>,
        %swap3A_183 = vector.shape_cast %swap3A_182 : vector<1x16xf32> to vector<16xf32>
        %swap3A_184 = vector.shape_cast %get3A_160 : vector<16xf32> to vector<1x16xf32>
        tpu.vector_store %arg6[%swap3A_180, %swap3A_181], %swap3A_184 {strides = array<i32>} : memref<8x4096xf32, #tpu.memory_space<vmem>>, vector<1x16xf32>,
        %add3A_185 = arith.constant 48 : i32
        %add3A_186 = arith.addi %mul3A_80, %add3A_185 : i32
        %swap3A_187 = arith.constant 1 : i32
        %swap3A_188 = arith.index_cast %swap3A_187 : i32 to index
        %swap3A_189 = arith.index_cast %add3A_186 : i32 to index
        %swap3A_190 = tpu.vector_load %arg6[%swap3A_188, %swap3A_189] {strides = array<i32>} : memref<8x4096xf32, #tpu.memory_space<vmem>>, vector<1x16xf32>,
        %swap3A_191 = vector.shape_cast %swap3A_190 : vector<1x16xf32> to vector<16xf32>
        %swap3A_192 = vector.shape_cast %get3A_160 : vector<16xf32> to vector<1x16xf32>
        tpu.vector_store %arg6[%swap3A_188, %swap3A_189], %swap3A_192 {strides = array<i32>} : memref<8x4096xf32, #tpu.memory_space<vmem>>, vector<1x16xf32>,
        %add3A_193 = arith.constant 64 : i32
        %add3A_194 = arith.addi %mul3A_80, %add3A_193 : i32
        %swap3A_195 = arith.constant 1 : i32
        %swap3A_196 = arith.index_cast %swap3A_195 : i32 to index
        %swap3A_197 = arith.index_cast %add3A_194 : i32 to index
        %swap3A_198 = tpu.vector_load %arg6[%swap3A_196, %swap3A_197] {strides = array<i32>} : memref<8x4096xf32, #tpu.memory_space<vmem>>, vector<1x16xf32>,
        %swap3A_199 = vector.shape_cast %swap3A_198 : vector<1x16xf32> to vector<16xf32>
        %swap3A_200 = vector.shape_cast %get3A_160 : vector<16xf32> to vector<1x16xf32>
        tpu.vector_store %arg6[%swap3A_196, %swap3A_197], %swap3A_200 {strides = array<i32>} : memref<8x4096xf32, #tpu.memory_space<vmem>>, vector<1x16xf32>,
        %add3A_201 = arith.constant 80 : i32
        %add3A_202 = arith.addi %mul3A_80, %add3A_201 : i32
        %swap3A_203 = arith.constant 1 : i32
        %swap3A_204 = arith.index_cast %swap3A_203 : i32 to index
        %swap3A_205 = arith.index_cast %add3A_202 : i32 to index
        %swap3A_206 = tpu.vector_load %arg6[%swap3A_204, %swap3A_205] {strides = array<i32>} : memref<8x4096xf32, #tpu.memory_space<vmem>>, vector<1x16xf32>,
        %swap3A_207 = vector.shape_cast %swap3A_206 : vector<1x16xf32> to vector<16xf32>
        %swap3A_208 = vector.shape_cast %get3A_160 : vector<16xf32> to vector<1x16xf32>
        tpu.vector_store %arg6[%swap3A_204, %swap3A_205], %swap3A_208 {strides = array<i32>} : memref<8x4096xf32, #tpu.memory_space<vmem>>, vector<1x16xf32>,
        %add3A_209 = arith.constant 96 : i32
        %add3A_210 = arith.addi %mul3A_80, %add3A_209 : i32
        %swap3A_211 = arith.constant 1 : i32
        %swap3A_212 = arith.index_cast %swap3A_211 : i32 to index
        %swap3A_213 = arith.index_cast %add3A_210 : i32 to index
        %swap3A_214 = tpu.vector_load %arg6[%swap3A_212, %swap3A_213] {strides = array<i32>} : memref<8x4096xf32, #tpu.memory_space<vmem>>, vector<1x16xf32>,
        %swap3A_215 = vector.shape_cast %swap3A_214 : vector<1x16xf32> to vector<16xf32>
        %swap3A_216 = vector.shape_cast %get3A_160 : vector<16xf32> to vector<1x16xf32>
        tpu.vector_store %arg6[%swap3A_212, %swap3A_213], %swap3A_216 {strides = array<i32>} : memref<8x4096xf32, #tpu.memory_space<vmem>>, vector<1x16xf32>,
        %add3A_217 = arith.constant 112 : i32
        %add3A_218 = arith.addi %mul3A_80, %add3A_217 : i32
        %swap3A_219 = arith.constant 1 : i32
        %swap3A_220 = arith.index_cast %swap3A_219 : i32 to index
        %swap3A_221 = arith.index_cast %add3A_218 : i32 to index
        %swap3A_222 = tpu.vector_load %arg6[%swap3A_220, %swap3A_221] {strides = array<i32>} : memref<8x4096xf32, #tpu.memory_space<vmem>>, vector<1x16xf32>,
        %swap3A_223 = vector.shape_cast %swap3A_222 : vector<1x16xf32> to vector<16xf32>
        %swap3A_224 = vector.shape_cast %get3A_160 : vector<16xf32> to vector<1x16xf32>
        tpu.vector_store %arg6[%swap3A_220, %swap3A_221], %swap3A_224 {strides = array<i32>} : memref<8x4096xf32, #tpu.memory_space<vmem>>, vector<1x16xf32>,
        %mul3A_225 = arith.constant 8 : i32
        %mul3A_226 = arith.muli %add3A_40, %mul3A_225 : i32
        %add3A_227 = arith.constant 2 : i32
        %add3A_228 = arith.addi %mul3A_226, %add3A_227 : i32
        %mul3A_229 = arith.constant 16 : i32
        %mul3A_230 = arith.muli %add3A_228, %mul3A_229 : i32
        %get3A_231 = arith.index_cast %mul3A_230 : i32 to index
        %get3A_232 = tpu.vector_load %arg5[%get3A_231] {strides = array<i32>} : memref<3328xf32, #tpu.memory_space<vmem>>, vector<16xf32>,
        %get3A_233 = vector.shape_cast %get3A_232 : vector<16xf32> to vector<16xf32>
        %add3A_234 = arith.constant 0 : i32
        %add3A_235 = arith.addi %mul3A_80, %add3A_234 : i32
        %swap3A_236 = arith.constant 2 : i32
        %swap3A_237 = arith.index_cast %swap3A_236 : i32 to index
        %swap3A_238 = arith.index_cast %add3A_235 : i32 to index
        %swap3A_239 = tpu.vector_load %arg6[%swap3A_237, %swap3A_238] {strides = array<i32>} : memref<8x4096xf32, #tpu.memory_space<vmem>>, vector<1x16xf32>,
        %swap3A_240 = vector.shape_cast %swap3A_239 : vector<1x16xf32> to vector<16xf32>
        %swap3A_241 = vector.shape_cast %get3A_233 : vector<16xf32> to vector<1x16xf32>
        tpu.vector_store %arg6[%swap3A_237, %swap3A_238], %swap3A_241 {strides = array<i32>} : memref<8x4096xf32, #tpu.memory_space<vmem>>, vector<1x16xf32>,
        %add3A_242 = arith.constant 16 : i32
        %add3A_243 = arith.addi %mul3A_80, %add3A_242 : i32
        %swap3A_244 = arith.constant 2 : i32
        %swap3A_245 = arith.index_cast %swap3A_244 : i32 to index
        %swap3A_246 = arith.index_cast %add3A_243 : i32 to index
        %swap3A_247 = tpu.vector_load %arg6[%swap3A_245, %swap3A_246] {strides = array<i32>} : memref<8x4096xf32, #tpu.memory_space<vmem>>, vector<1x16xf32>,
        %swap3A_248 = vector.shape_cast %swap3A_247 : vector<1x16xf32> to vector<16xf32>
        %swap3A_249 = vector.shape_cast %get3A_233 : vector<16xf32> to vector<1x16xf32>
        tpu.vector_store %arg6[%swap3A_245, %swap3A_246], %swap3A_249 {strides = array<i32>} : memref<8x4096xf32, #tpu.memory_space<vmem>>, vector<1x16xf32>,
        %add3A_250 = arith.constant 32 : i32
        %add3A_251 = arith.addi %mul3A_80, %add3A_250 : i32
        %swap3A_252 = arith.constant 2 : i32
        %swap3A_253 = arith.index_cast %swap3A_252 : i32 to index
        %swap3A_254 = arith.index_cast %add3A_251 : i32 to index
        %swap3A_255 = tpu.vector_load %arg6[%swap3A_253, %swap3A_254] {strides = array<i32>} : memref<8x4096xf32, #tpu.memory_space<vmem>>, vector<1x16xf32>,
        %swap3A_256 = vector.shape_cast %swap3A_255 : vector<1x16xf32> to vector<16xf32>
        %swap3A_257 = vector.shape_cast %get3A_233 : vector<16xf32> to vector<1x16xf32>
        tpu.vector_store %arg6[%swap3A_253, %swap3A_254], %swap3A_257 {strides = array<i32>} : memref<8x4096xf32, #tpu.memory_space<vmem>>, vector<1x16xf32>,
        %add3A_258 = arith.constant 48 : i32
        %add3A_259 = arith.addi %mul3A_80, %add3A_258 : i32
        %swap3A_260 = arith.constant 2 : i32
        %swap3A_261 = arith.index_cast %swap3A_260 : i32 to index
        %swap3A_262 = arith.index_cast %add3A_259 : i32 to index
        %swap3A_263 = tpu.vector_load %arg6[%swap3A_261, %swap3A_262] {strides = array<i32>} : memref<8x4096xf32, #tpu.memory_space<vmem>>, vector<1x16xf32>,
        %swap3A_264 = vector.shape_cast %swap3A_263 : vector<1x16xf32> to vector<16xf32>
        %swap3A_265 = vector.shape_cast %get3A_233 : vector<16xf32> to vector<1x16xf32>
        tpu.vector_store %arg6[%swap3A_261, %swap3A_262], %swap3A_265 {strides = array<i32>} : memref<8x4096xf32, #tpu.memory_space<vmem>>, vector<1x16xf32>,
        %add3A_266 = arith.constant 64 : i32
        %add3A_267 = arith.addi %mul3A_80, %add3A_266 : i32
        %swap3A_268 = arith.constant 2 : i32
        %swap3A_269 = arith.index_cast %swap3A_268 : i32 to index
        %swap3A_270 = arith.index_cast %add3A_267 : i32 to index
        %swap3A_271 = tpu.vector_load %arg6[%swap3A_269, %swap3A_270] {strides = array<i32>} : memref<8x4096xf32, #tpu.memory_space<vmem>>, vector<1x16xf32>,
        %swap3A_272 = vector.shape_cast %swap3A_271 : vector<1x16xf32> to vector<16xf32>
        %swap3A_273 = vector.shape_cast %get3A_233 : vector<16xf32> to vector<1x16xf32>
        tpu.vector_store %arg6[%swap3A_269, %swap3A_270], %swap3A_273 {strides = array<i32>} : memref<8x4096xf32, #tpu.memory_space<vmem>>, vector<1x16xf32>,
        %add3A_274 = arith.constant 80 : i32
        %add3A_275 = arith.addi %mul3A_80, %add3A_274 : i32
        %swap3A_276 = arith.constant 2 : i32
        %swap3A_277 = arith.index_cast %swap3A_276 : i32 to index
        %swap3A_278 = arith.index_cast %add3A_275 : i32 to index
        %swap3A_279 = tpu.vector_load %arg6[%swap3A_277, %swap3A_278] {strides = array<i32>} : memref<8x4096xf32, #tpu.memory_space<vmem>>, vector<1x16xf32>,
        %swap3A_280 = vector.shape_cast %swap3A_279 : vector<1x16xf32> to vector<16xf32>
        %swap3A_281 = vector.shape_cast %get3A_233 : vector<16xf32> to vector<1x16xf32>
        tpu.vector_store %arg6[%swap3A_277, %swap3A_278], %swap3A_281 {strides = array<i32>} : memref<8x4096xf32, #tpu.memory_space<vmem>>, vector<1x16xf32>,
        %add3A_282 = arith.constant 96 : i32
        %add3A_283 = arith.addi %mul3A_80, %add3A_282 : i32
        %swap3A_284 = arith.constant 2 : i32
        %swap3A_285 = arith.index_cast %swap3A_284 : i32 to index
        %swap3A_286 = arith.index_cast %add3A_283 : i32 to index
        %swap3A_287 = tpu.vector_load %arg6[%swap3A_285, %swap3A_286] {strides = array<i32>} : memref<8x4096xf32, #tpu.memory_space<vmem>>, vector<1x16xf32>,
        %swap3A_288 = vector.shape_cast %swap3A_287 : vector<1x16xf32> to vector<16xf32>
        %swap3A_289 = vector.shape_cast %get3A_233 : vector<16xf32> to vector<1x16xf32>
        tpu.vector_store %arg6[%swap3A_285, %swap3A_286], %swap3A_289 {strides = array<i32>} : memref<8x4096xf32, #tpu.memory_space<vmem>>, vector<1x16xf32>,
        %add3A_290 = arith.constant 112 : i32
        %add3A_291 = arith.addi %mul3A_80, %add3A_290 : i32
        %swap3A_292 = arith.constant 2 : i32
        %swap3A_293 = arith.index_cast %swap3A_292 : i32 to index
        %swap3A_294 = arith.index_cast %add3A_291 : i32 to index
        %swap3A_295 = tpu.vector_load %arg6[%swap3A_293, %swap3A_294] {strides = array<i32>} : memref<8x4096xf32, #tpu.memory_space<vmem>>, vector<1x16xf32>,
        %swap3A_296 = vector.shape_cast %swap3A_295 : vector<1x16xf32> to vector<16xf32>
        %swap3A_297 = vector.shape_cast %get3A_233 : vector<16xf32> to vector<1x16xf32>
        tpu.vector_store %arg6[%swap3A_293, %swap3A_294], %swap3A_297 {strides = array<i32>} : memref<8x4096xf32, #tpu.memory_space<vmem>>, vector<1x16xf32>,
        %mul3A_298 = arith.constant 8 : i32
        %mul3A_299 = arith.muli %add3A_40, %mul3A_298 : i32
        %add3A_300 = arith.constant 3 : i32
        %add3A_301 = arith.addi %mul3A_299, %add3A_300 : i32
        %mul3A_302 = arith.constant 16 : i32
        %mul3A_303 = arith.muli %add3A_301, %mul3A_302 : i32
        %get3A_304 = arith.index_cast %mul3A_303 : i32 to index
        %get3A_305 = tpu.vector_load %arg5[%get3A_304] {strides = array<i32>} : memref<3328xf32, #tpu.memory_space<vmem>>, vector<16xf32>,
        %get3A_306 = vector.shape_cast %get3A_305 : vector<16xf32> to vector<16xf32>
        %add3A_307 = arith.constant 0 : i32
        %add3A_308 = arith.addi %mul3A_80, %add3A_307 : i32
        %swap3A_309 = arith.constant 3 : i32
        %swap3A_310 = arith.index_cast %swap3A_309 : i32 to index
        %swap3A_311 = arith.index_cast %add3A_308 : i32 to index
        %swap3A_312 = tpu.vector_load %arg6[%swap3A_310, %swap3A_311] {strides = array<i32>} : memref<8x4096xf32, #tpu.memory_space<vmem>>, vector<1x16xf32>,
        %swap3A_313 = vector.shape_cast %swap3A_312 : vector<1x16xf32> to vector<16xf32>
        %swap3A_314 = vector.shape_cast %get3A_306 : vector<16xf32> to vector<1x16xf32>
        tpu.vector_store %arg6[%swap3A_310, %swap3A_311], %swap3A_314 {strides = array<i32>} : memref<8x4096xf32, #tpu.memory_space<vmem>>, vector<1x16xf32>,
        %add3A_315 = arith.constant 16 : i32
        %add3A_316 = arith.addi %mul3A_80, %add3A_315 : i32
        %swap3A_317 = arith.constant 3 : i32
        %swap3A_318 = arith.index_cast %swap3A_317 : i32 to index
        %swap3A_319 = arith.index_cast %add3A_316 : i32 to index
        %swap3A_320 = tpu.vector_load %arg6[%swap3A_318, %swap3A_319] {strides = array<i32>} : memref<8x4096xf32, #tpu.memory_space<vmem>>, vector<1x16xf32>,
        %swap3A_321 = vector.shape_cast %swap3A_320 : vector<1x16xf32> to vector<16xf32>
        %swap3A_322 = vector.shape_cast %get3A_306 : vector<16xf32> to vector<1x16xf32>
        tpu.vector_store %arg6[%swap3A_318, %swap3A_319], %swap3A_322 {strides = array<i32>} : memref<8x4096xf32, #tpu.memory_space<vmem>>, vector<1x16xf32>,
        %add3A_323 = arith.constant 32 : i32
        %add3A_324 = arith.addi %mul3A_80, %add3A_323 : i32
        %swap3A_325 = arith.constant 3 : i32
        %swap3A_326 = arith.index_cast %swap3A_325 : i32 to index
        %swap3A_327 = arith.index_cast %add3A_324 : i32 to index
        %swap3A_328 = tpu.vector_load %arg6[%swap3A_326, %swap3A_327] {strides = array<i32>} : memref<8x4096xf32, #tpu.memory_space<vmem>>, vector<1x16xf32>,
        %swap3A_329 = vector.shape_cast %swap3A_328 : vector<1x16xf32> to vector<16xf32>
        %swap3A_330 = vector.shape_cast %get3A_306 : vector<16xf32> to vector<1x16xf32>
        tpu.vector_store %arg6[%swap3A_326, %swap3A_327], %swap3A_330 {strides = array<i32>} : memref<8x4096xf32, #tpu.memory_space<vmem>>, vector<1x16xf32>,
        %add3A_331 = arith.constant 48 : i32
        %add3A_332 = arith.addi %mul3A_80, %add3A_331 : i32
        %swap3A_333 = arith.constant 3 : i32
        %swap3A_334 = arith.index_cast %swap3A_333 : i32 to index
        %swap3A_335 = arith.index_cast %add3A_332 : i32 to index
        %swap3A_336 = tpu.vector_load %arg6[%swap3A_334, %swap3A_335] {strides = array<i32>} : memref<8x4096xf32, #tpu.memory_space<vmem>>, vector<1x16xf32>,
        %swap3A_337 = vector.shape_cast %swap3A_336 : vector<1x16xf32> to vector<16xf32>
        %swap3A_338 = vector.shape_cast %get3A_306 : vector<16xf32> to vector<1x16xf32>
        tpu.vector_store %arg6[%swap3A_334, %swap3A_335], %swap3A_338 {strides = array<i32>} : memref<8x4096xf32, #tpu.memory_space<vmem>>, vector<1x16xf32>,
        %add3A_339 = arith.constant 64 : i32
        %add3A_340 = arith.addi %mul3A_80, %add3A_339 : i32
        %swap3A_341 = arith.constant 3 : i32
        %swap3A_342 = arith.index_cast %swap3A_341 : i32 to index
        %swap3A_343 = arith.index_cast %add3A_340 : i32 to index
        %swap3A_344 = tpu.vector_load %arg6[%swap3A_342, %swap3A_343] {strides = array<i32>} : memref<8x4096xf32, #tpu.memory_space<vmem>>, vector<1x16xf32>,
        %swap3A_345 = vector.shape_cast %swap3A_344 : vector<1x16xf32> to vector<16xf32>
        %swap3A_346 = vector.shape_cast %get3A_306 : vector<16xf32> to vector<1x16xf32>
        tpu.vector_store %arg6[%swap3A_342, %swap3A_343], %swap3A_346 {strides = array<i32>} : memref<8x4096xf32, #tpu.memory_space<vmem>>, vector<1x16xf32>,
        %add3A_347 = arith.constant 80 : i32
        %add3A_348 = arith.addi %mul3A_80, %add3A_347 : i32
        %swap3A_349 = arith.constant 3 : i32
        %swap3A_350 = arith.index_cast %swap3A_349 : i32 to index
        %swap3A_351 = arith.index_cast %add3A_348 : i32 to index
        %swap3A_352 = tpu.vector_load %arg6[%swap3A_350, %swap3A_351] {strides = array<i32>} : memref<8x4096xf32, #tpu.memory_space<vmem>>, vector<1x16xf32>,
        %swap3A_353 = vector.shape_cast %swap3A_352 : vector<1x16xf32> to vector<16xf32>
        %swap3A_354 = vector.shape_cast %get3A_306 : vector<16xf32> to vector<1x16xf32>
        tpu.vector_store %arg6[%swap3A_350, %swap3A_351], %swap3A_354 {strides = array<i32>} : memref<8x4096xf32, #tpu.memory_space<vmem>>, vector<1x16xf32>,
        %add3A_355 = arith.constant 96 : i32
        %add3A_356 = arith.addi %mul3A_80, %add3A_355 : i32
        %swap3A_357 = arith.constant 3 : i32
        %swap3A_358 = arith.index_cast %swap3A_357 : i32 to index
        %swap3A_359 = arith.index_cast %add3A_356 : i32 to index
        %swap3A_360 = tpu.vector_load %arg6[%swap3A_358, %swap3A_359] {strides = array<i32>} : memref<8x4096xf32, #tpu.memory_space<vmem>>, vector<1x16xf32>,
        %swap3A_361 = vector.shape_cast %swap3A_360 : vector<1x16xf32> to vector<16xf32>
        %swap3A_362 = vector.shape_cast %get3A_306 : vector<16xf32> to vector<1x16xf32>
        tpu.vector_store %arg6[%swap3A_358, %swap3A_359], %swap3A_362 {strides = array<i32>} : memref<8x4096xf32, #tpu.memory_space<vmem>>, vector<1x16xf32>,
        %add3A_363 = arith.constant 112 : i32
        %add3A_364 = arith.addi %mul3A_80, %add3A_363 : i32
        %swap3A_365 = arith.constant 3 : i32
        %swap3A_366 = arith.index_cast %swap3A_365 : i32 to index
        %swap3A_367 = arith.index_cast %add3A_364 : i32 to index
        %swap3A_368 = tpu.vector_load %arg6[%swap3A_366, %swap3A_367] {strides = array<i32>} : memref<8x4096xf32, #tpu.memory_space<vmem>>, vector<1x16xf32>,
        %swap3A_369 = vector.shape_cast %swap3A_368 : vector<1x16xf32> to vector<16xf32>
        %swap3A_370 = vector.shape_cast %get3A_306 : vector<16xf32> to vector<1x16xf32>
        tpu.vector_store %arg6[%swap3A_366, %swap3A_367], %swap3A_370 {strides = array<i32>} : memref<8x4096xf32, #tpu.memory_space<vmem>>, vector<1x16xf32>,
        %mul3A_371 = arith.constant 8 : i32
        %mul3A_372 = arith.muli %add3A_40, %mul3A_371 : i32
        %add3A_373 = arith.constant 4 : i32
        %add3A_374 = arith.addi %mul3A_372, %add3A_373 : i32
        %mul3A_375 = arith.constant 16 : i32
        %mul3A_376 = arith.muli %add3A_374, %mul3A_375 : i32
        %get3A_377 = arith.index_cast %mul3A_376 : i32 to index
        %get3A_378 = tpu.vector_load %arg5[%get3A_377] {strides = array<i32>} : memref<3328xf32, #tpu.memory_space<vmem>>, vector<16xf32>,
        %get3A_379 = vector.shape_cast %get3A_378 : vector<16xf32> to vector<16xf32>
        %add3A_380 = arith.constant 0 : i32
        %add3A_381 = arith.addi %mul3A_80, %add3A_380 : i32
        %swap3A_382 = arith.constant 4 : i32
        %swap3A_383 = arith.index_cast %swap3A_382 : i32 to index
        %swap3A_384 = arith.index_cast %add3A_381 : i32 to index
        %swap3A_385 = tpu.vector_load %arg6[%swap3A_383, %swap3A_384] {strides = array<i32>} : memref<8x4096xf32, #tpu.memory_space<vmem>>, vector<1x16xf32>,
        %swap3A_386 = vector.shape_cast %swap3A_385 : vector<1x16xf32> to vector<16xf32>
        %swap3A_387 = vector.shape_cast %get3A_379 : vector<16xf32> to vector<1x16xf32>
        tpu.vector_store %arg6[%swap3A_383, %swap3A_384], %swap3A_387 {strides = array<i32>} : memref<8x4096xf32, #tpu.memory_space<vmem>>, vector<1x16xf32>,
        %add3A_388 = arith.constant 16 : i32
        %add3A_389 = arith.addi %mul3A_80, %add3A_388 : i32
        %swap3A_390 = arith.constant 4 : i32
        %swap3A_391 = arith.index_cast %swap3A_390 : i32 to index
        %swap3A_392 = arith.index_cast %add3A_389 : i32 to index
        %swap3A_393 = tpu.vector_load %arg6[%swap3A_391, %swap3A_392] {strides = array<i32>} : memref<8x4096xf32, #tpu.memory_space<vmem>>, vector<1x16xf32>,
        %swap3A_394 = vector.shape_cast %swap3A_393 : vector<1x16xf32> to vector<16xf32>
        %swap3A_395 = vector.shape_cast %get3A_379 : vector<16xf32> to vector<1x16xf32>
        tpu.vector_store %arg6[%swap3A_391, %swap3A_392], %swap3A_395 {strides = array<i32>} : memref<8x4096xf32, #tpu.memory_space<vmem>>, vector<1x16xf32>,
        %add3A_396 = arith.constant 32 : i32
        %add3A_397 = arith.addi %mul3A_80, %add3A_396 : i32
        %swap3A_398 = arith.constant 4 : i32
        %swap3A_399 = arith.index_cast %swap3A_398 : i32 to index
        %swap3A_400 = arith.index_cast %add3A_397 : i32 to index
        %swap3A_401 = tpu.vector_load %arg6[%swap3A_399, %swap3A_400] {strides = array<i32>} : memref<8x4096xf32, #tpu.memory_space<vmem>>, vector<1x16xf32>,
        %swap3A_402 = vector.shape_cast %swap3A_401 : vector<1x16xf32> to vector<16xf32>
        %swap3A_403 = vector.shape_cast %get3A_379 : vector<16xf32> to vector<1x16xf32>
        tpu.vector_store %arg6[%swap3A_399, %swap3A_400], %swap3A_403 {strides = array<i32>} : memref<8x4096xf32, #tpu.memory_space<vmem>>, vector<1x16xf32>,
        %add3A_404 = arith.constant 48 : i32
        %add3A_405 = arith.addi %mul3A_80, %add3A_404 : i32
        %swap3A_406 = arith.constant 4 : i32
        %swap3A_407 = arith.index_cast %swap3A_406 : i32 to index
        %swap3A_408 = arith.index_cast %add3A_405 : i32 to index
        %swap3A_409 = tpu.vector_load %arg6[%swap3A_407, %swap3A_408] {strides = array<i32>} : memref<8x4096xf32, #tpu.memory_space<vmem>>, vector<1x16xf32>,
        %swap3A_410 = vector.shape_cast %swap3A_409 : vector<1x16xf32> to vector<16xf32>
        %swap3A_411 = vector.shape_cast %get3A_379 : vector<16xf32> to vector<1x16xf32>
        tpu.vector_store %arg6[%swap3A_407, %swap3A_408], %swap3A_411 {strides = array<i32>} : memref<8x4096xf32, #tpu.memory_space<vmem>>, vector<1x16xf32>,
        %add3A_412 = arith.constant 64 : i32
        %add3A_413 = arith.addi %mul3A_80, %add3A_412 : i32
        %swap3A_414 = arith.constant 4 : i32
        %swap3A_415 = arith.index_cast %swap3A_414 : i32 to index
        %swap3A_416 = arith.index_cast %add3A_413 : i32 to index
        %swap3A_417 = tpu.vector_load %arg6[%swap3A_415, %swap3A_416] {strides = array<i32>} : memref<8x4096xf32, #tpu.memory_space<vmem>>, vector<1x16xf32>,
        %swap3A_418 = vector.shape_cast %swap3A_417 : vector<1x16xf32> to vector<16xf32>
        %swap3A_419 = vector.shape_cast %get3A_379 : vector<16xf32> to vector<1x16xf32>
        tpu.vector_store %arg6[%swap3A_415, %swap3A_416], %swap3A_419 {strides = array<i32>} : memref<8x4096xf32, #tpu.memory_space<vmem>>, vector<1x16xf32>,
        %add3A_420 = arith.constant 80 : i32
        %add3A_421 = arith.addi %mul3A_80, %add3A_420 : i32
        %swap3A_422 = arith.constant 4 : i32
        %swap3A_423 = arith.index_cast %swap3A_422 : i32 to index
        %swap3A_424 = arith.index_cast %add3A_421 : i32 to index
        %swap3A_425 = tpu.vector_load %arg6[%swap3A_423, %swap3A_424] {strides = array<i32>} : memref<8x4096xf32, #tpu.memory_space<vmem>>, vector<1x16xf32>,
        %swap3A_426 = vector.shape_cast %swap3A_425 : vector<1x16xf32> to vector<16xf32>
        %swap3A_427 = vector.shape_cast %get3A_379 : vector<16xf32> to vector<1x16xf32>
        tpu.vector_store %arg6[%swap3A_423, %swap3A_424], %swap3A_427 {strides = array<i32>} : memref<8x4096xf32, #tpu.memory_space<vmem>>, vector<1x16xf32>,
        %add3A_428 = arith.constant 96 : i32
        %add3A_429 = arith.addi %mul3A_80, %add3A_428 : i32
        %swap3A_430 = arith.constant 4 : i32
        %swap3A_431 = arith.index_cast %swap3A_430 : i32 to index
        %swap3A_432 = arith.index_cast %add3A_429 : i32 to index
        %swap3A_433 = tpu.vector_load %arg6[%swap3A_431, %swap3A_432] {strides = array<i32>} : memref<8x4096xf32, #tpu.memory_space<vmem>>, vector<1x16xf32>,
        %swap3A_434 = vector.shape_cast %swap3A_433 : vector<1x16xf32> to vector<16xf32>
        %swap3A_435 = vector.shape_cast %get3A_379 : vector<16xf32> to vector<1x16xf32>
        tpu.vector_store %arg6[%swap3A_431, %swap3A_432], %swap3A_435 {strides = array<i32>} : memref<8x4096xf32, #tpu.memory_space<vmem>>, vector<1x16xf32>,
        %add3A_436 = arith.constant 112 : i32
        %add3A_437 = arith.addi %mul3A_80, %add3A_436 : i32
        %swap3A_438 = arith.constant 4 : i32
        %swap3A_439 = arith.index_cast %swap3A_438 : i32 to index
        %swap3A_440 = arith.index_cast %add3A_437 : i32 to index
        %swap3A_441 = tpu.vector_load %arg6[%swap3A_439, %swap3A_440] {strides = array<i32>} : memref<8x4096xf32, #tpu.memory_space<vmem>>, vector<1x16xf32>,
        %swap3A_442 = vector.shape_cast %swap3A_441 : vector<1x16xf32> to vector<16xf32>
        %swap3A_443 = vector.shape_cast %get3A_379 : vector<16xf32> to vector<1x16xf32>
        tpu.vector_store %arg6[%swap3A_439, %swap3A_440], %swap3A_443 {strides = array<i32>} : memref<8x4096xf32, #tpu.memory_space<vmem>>, vector<1x16xf32>,
        %mul3A_444 = arith.constant 8 : i32
        %mul3A_445 = arith.muli %add3A_40, %mul3A_444 : i32
        %add3A_446 = arith.constant 5 : i32
        %add3A_447 = arith.addi %mul3A_445, %add3A_446 : i32
        %mul3A_448 = arith.constant 16 : i32
        %mul3A_449 = arith.muli %add3A_447, %mul3A_448 : i32
        %get3A_450 = arith.index_cast %mul3A_449 : i32 to index
        %get3A_451 = tpu.vector_load %arg5[%get3A_450] {strides = array<i32>} : memref<3328xf32, #tpu.memory_space<vmem>>, vector<16xf32>,
        %get3A_452 = vector.shape_cast %get3A_451 : vector<16xf32> to vector<16xf32>
        %add3A_453 = arith.constant 0 : i32
        %add3A_454 = arith.addi %mul3A_80, %add3A_453 : i32
        %swap3A_455 = arith.constant 5 : i32
        %swap3A_456 = arith.index_cast %swap3A_455 : i32 to index
        %swap3A_457 = arith.index_cast %add3A_454 : i32 to index
        %swap3A_458 = tpu.vector_load %arg6[%swap3A_456, %swap3A_457] {strides = array<i32>} : memref<8x4096xf32, #tpu.memory_space<vmem>>, vector<1x16xf32>,
        %swap3A_459 = vector.shape_cast %swap3A_458 : vector<1x16xf32> to vector<16xf32>
        %swap3A_460 = vector.shape_cast %get3A_452 : vector<16xf32> to vector<1x16xf32>
        tpu.vector_store %arg6[%swap3A_456, %swap3A_457], %swap3A_460 {strides = array<i32>} : memref<8x4096xf32, #tpu.memory_space<vmem>>, vector<1x16xf32>,
        %add3A_461 = arith.constant 16 : i32
        %add3A_462 = arith.addi %mul3A_80, %add3A_461 : i32
        %swap3A_463 = arith.constant 5 : i32
        %swap3A_464 = arith.index_cast %swap3A_463 : i32 to index
        %swap3A_465 = arith.index_cast %add3A_462 : i32 to index
        %swap3A_466 = tpu.vector_load %arg6[%swap3A_464, %swap3A_465] {strides = array<i32>} : memref<8x4096xf32, #tpu.memory_space<vmem>>, vector<1x16xf32>,
        %swap3A_467 = vector.shape_cast %swap3A_466 : vector<1x16xf32> to vector<16xf32>
        %swap3A_468 = vector.shape_cast %get3A_452 : vector<16xf32> to vector<1x16xf32>
        tpu.vector_store %arg6[%swap3A_464, %swap3A_465], %swap3A_468 {strides = array<i32>} : memref<8x4096xf32, #tpu.memory_space<vmem>>, vector<1x16xf32>,
        %add3A_469 = arith.constant 32 : i32
        %add3A_470 = arith.addi %mul3A_80, %add3A_469 : i32
        %swap3A_471 = arith.constant 5 : i32
        %swap3A_472 = arith.index_cast %swap3A_471 : i32 to index
        %swap3A_473 = arith.index_cast %add3A_470 : i32 to index
        %swap3A_474 = tpu.vector_load %arg6[%swap3A_472, %swap3A_473] {strides = array<i32>} : memref<8x4096xf32, #tpu.memory_space<vmem>>, vector<1x16xf32>,
        %swap3A_475 = vector.shape_cast %swap3A_474 : vector<1x16xf32> to vector<16xf32>
        %swap3A_476 = vector.shape_cast %get3A_452 : vector<16xf32> to vector<1x16xf32>
        tpu.vector_store %arg6[%swap3A_472, %swap3A_473], %swap3A_476 {strides = array<i32>} : memref<8x4096xf32, #tpu.memory_space<vmem>>, vector<1x16xf32>,
        %add3A_477 = arith.constant 48 : i32
        %add3A_478 = arith.addi %mul3A_80, %add3A_477 : i32
        %swap3A_479 = arith.constant 5 : i32
        %swap3A_480 = arith.index_cast %swap3A_479 : i32 to index
        %swap3A_481 = arith.index_cast %add3A_478 : i32 to index
        %swap3A_482 = tpu.vector_load %arg6[%swap3A_480, %swap3A_481] {strides = array<i32>} : memref<8x4096xf32, #tpu.memory_space<vmem>>, vector<1x16xf32>,
        %swap3A_483 = vector.shape_cast %swap3A_482 : vector<1x16xf32> to vector<16xf32>
        %swap3A_484 = vector.shape_cast %get3A_452 : vector<16xf32> to vector<1x16xf32>
        tpu.vector_store %arg6[%swap3A_480, %swap3A_481], %swap3A_484 {strides = array<i32>} : memref<8x4096xf32, #tpu.memory_space<vmem>>, vector<1x16xf32>,
        %add3A_485 = arith.constant 64 : i32
        %add3A_486 = arith.addi %mul3A_80, %add3A_485 : i32
        %swap3A_487 = arith.constant 5 : i32
        %swap3A_488 = arith.index_cast %swap3A_487 : i32 to index
        %swap3A_489 = arith.index_cast %add3A_486 : i32 to index
        %swap3A_490 = tpu.vector_load %arg6[%swap3A_488, %swap3A_489] {strides = array<i32>} : memref<8x4096xf32, #tpu.memory_space<vmem>>, vector<1x16xf32>,
        %swap3A_491 = vector.shape_cast %swap3A_490 : vector<1x16xf32> to vector<16xf32>
        %swap3A_492 = vector.shape_cast %get3A_452 : vector<16xf32> to vector<1x16xf32>
        tpu.vector_store %arg6[%swap3A_488, %swap3A_489], %swap3A_492 {strides = array<i32>} : memref<8x4096xf32, #tpu.memory_space<vmem>>, vector<1x16xf32>,
        %add3A_493 = arith.constant 80 : i32
        %add3A_494 = arith.addi %mul3A_80, %add3A_493 : i32
        %swap3A_495 = arith.constant 5 : i32
        %swap3A_496 = arith.index_cast %swap3A_495 : i32 to index
        %swap3A_497 = arith.index_cast %add3A_494 : i32 to index
        %swap3A_498 = tpu.vector_load %arg6[%swap3A_496, %swap3A_497] {strides = array<i32>} : memref<8x4096xf32, #tpu.memory_space<vmem>>, vector<1x16xf32>,
        %swap3A_499 = vector.shape_cast %swap3A_498 : vector<1x16xf32> to vector<16xf32>
        %swap3A_500 = vector.shape_cast %get3A_452 : vector<16xf32> to vector<1x16xf32>
        tpu.vector_store %arg6[%swap3A_496, %swap3A_497], %swap3A_500 {strides = array<i32>} : memref<8x4096xf32, #tpu.memory_space<vmem>>, vector<1x16xf32>,
        %add3A_501 = arith.constant 96 : i32
        %add3A_502 = arith.addi %mul3A_80, %add3A_501 : i32
        %swap3A_503 = arith.constant 5 : i32
        %swap3A_504 = arith.index_cast %swap3A_503 : i32 to index
        %swap3A_505 = arith.index_cast %add3A_502 : i32 to index
        %swap3A_506 = tpu.vector_load %arg6[%swap3A_504, %swap3A_505] {strides = array<i32>} : memref<8x4096xf32, #tpu.memory_space<vmem>>, vector<1x16xf32>,
        %swap3A_507 = vector.shape_cast %swap3A_506 : vector<1x16xf32> to vector<16xf32>
        %swap3A_508 = vector.shape_cast %get3A_452 : vector<16xf32> to vector<1x16xf32>
        tpu.vector_store %arg6[%swap3A_504, %swap3A_505], %swap3A_508 {strides = array<i32>} : memref<8x4096xf32, #tpu.memory_space<vmem>>, vector<1x16xf32>,
        %add3A_509 = arith.constant 112 : i32
        %add3A_510 = arith.addi %mul3A_80, %add3A_509 : i32
        %swap3A_511 = arith.constant 5 : i32
        %swap3A_512 = arith.index_cast %swap3A_511 : i32 to index
        %swap3A_513 = arith.index_cast %add3A_510 : i32 to index
        %swap3A_514 = tpu.vector_load %arg6[%swap3A_512, %swap3A_513] {strides = array<i32>} : memref<8x4096xf32, #tpu.memory_space<vmem>>, vector<1x16xf32>,
        %swap3A_515 = vector.shape_cast %swap3A_514 : vector<1x16xf32> to vector<16xf32>
        %swap3A_516 = vector.shape_cast %get3A_452 : vector<16xf32> to vector<1x16xf32>
        tpu.vector_store %arg6[%swap3A_512, %swap3A_513], %swap3A_516 {strides = array<i32>} : memref<8x4096xf32, #tpu.memory_space<vmem>>, vector<1x16xf32>,
        %mul3A_517 = arith.constant 8 : i32
        %mul3A_518 = arith.muli %add3A_40, %mul3A_517 : i32
        %add3A_519 = arith.constant 6 : i32
        %add3A_520 = arith.addi %mul3A_518, %add3A_519 : i32
        %mul3A_521 = arith.constant 16 : i32
        %mul3A_522 = arith.muli %add3A_520, %mul3A_521 : i32
        %get3A_523 = arith.index_cast %mul3A_522 : i32 to index
        %get3A_524 = tpu.vector_load %arg5[%get3A_523] {strides = array<i32>} : memref<3328xf32, #tpu.memory_space<vmem>>, vector<16xf32>,
        %get3A_525 = vector.shape_cast %get3A_524 : vector<16xf32> to vector<16xf32>
        %add3A_526 = arith.constant 0 : i32
        %add3A_527 = arith.addi %mul3A_80, %add3A_526 : i32
        %swap3A_528 = arith.constant 6 : i32
        %swap3A_529 = arith.index_cast %swap3A_528 : i32 to index
        %swap3A_530 = arith.index_cast %add3A_527 : i32 to index
        %swap3A_531 = tpu.vector_load %arg6[%swap3A_529, %swap3A_530] {strides = array<i32>} : memref<8x4096xf32, #tpu.memory_space<vmem>>, vector<1x16xf32>,
        %swap3A_532 = vector.shape_cast %swap3A_531 : vector<1x16xf32> to vector<16xf32>
        %swap3A_533 = vector.shape_cast %get3A_525 : vector<16xf32> to vector<1x16xf32>
        tpu.vector_store %arg6[%swap3A_529, %swap3A_530], %swap3A_533 {strides = array<i32>} : memref<8x4096xf32, #tpu.memory_space<vmem>>, vector<1x16xf32>,
        %add3A_534 = arith.constant 16 : i32
        %add3A_535 = arith.addi %mul3A_80, %add3A_534 : i32
        %swap3A_536 = arith.constant 6 : i32
        %swap3A_537 = arith.index_cast %swap3A_536 : i32 to index
        %swap3A_538 = arith.index_cast %add3A_535 : i32 to index
        %swap3A_539 = tpu.vector_load %arg6[%swap3A_537, %swap3A_538] {strides = array<i32>} : memref<8x4096xf32, #tpu.memory_space<vmem>>, vector<1x16xf32>,
        %swap3A_540 = vector.shape_cast %swap3A_539 : vector<1x16xf32> to vector<16xf32>
        %swap3A_541 = vector.shape_cast %get3A_525 : vector<16xf32> to vector<1x16xf32>
        tpu.vector_store %arg6[%swap3A_537, %swap3A_538], %swap3A_541 {strides = array<i32>} : memref<8x4096xf32, #tpu.memory_space<vmem>>, vector<1x16xf32>,
        %add3A_542 = arith.constant 32 : i32
        %add3A_543 = arith.addi %mul3A_80, %add3A_542 : i32
        %swap3A_544 = arith.constant 6 : i32
        %swap3A_545 = arith.index_cast %swap3A_544 : i32 to index
        %swap3A_546 = arith.index_cast %add3A_543 : i32 to index
        %swap3A_547 = tpu.vector_load %arg6[%swap3A_545, %swap3A_546] {strides = array<i32>} : memref<8x4096xf32, #tpu.memory_space<vmem>>, vector<1x16xf32>,
        %swap3A_548 = vector.shape_cast %swap3A_547 : vector<1x16xf32> to vector<16xf32>
        %swap3A_549 = vector.shape_cast %get3A_525 : vector<16xf32> to vector<1x16xf32>
        tpu.vector_store %arg6[%swap3A_545, %swap3A_546], %swap3A_549 {strides = array<i32>} : memref<8x4096xf32, #tpu.memory_space<vmem>>, vector<1x16xf32>,
        %add3A_550 = arith.constant 48 : i32
        %add3A_551 = arith.addi %mul3A_80, %add3A_550 : i32
        %swap3A_552 = arith.constant 6 : i32
        %swap3A_553 = arith.index_cast %swap3A_552 : i32 to index
        %swap3A_554 = arith.index_cast %add3A_551 : i32 to index
        %swap3A_555 = tpu.vector_load %arg6[%swap3A_553, %swap3A_554] {strides = array<i32>} : memref<8x4096xf32, #tpu.memory_space<vmem>>, vector<1x16xf32>,
        %swap3A_556 = vector.shape_cast %swap3A_555 : vector<1x16xf32> to vector<16xf32>
        %swap3A_557 = vector.shape_cast %get3A_525 : vector<16xf32> to vector<1x16xf32>
        tpu.vector_store %arg6[%swap3A_553, %swap3A_554], %swap3A_557 {strides = array<i32>} : memref<8x4096xf32, #tpu.memory_space<vmem>>, vector<1x16xf32>,
        %add3A_558 = arith.constant 64 : i32
        %add3A_559 = arith.addi %mul3A_80, %add3A_558 : i32
        %swap3A_560 = arith.constant 6 : i32
        %swap3A_561 = arith.index_cast %swap3A_560 : i32 to index
        %swap3A_562 = arith.index_cast %add3A_559 : i32 to index
        %swap3A_563 = tpu.vector_load %arg6[%swap3A_561, %swap3A_562] {strides = array<i32>} : memref<8x4096xf32, #tpu.memory_space<vmem>>, vector<1x16xf32>,
        %swap3A_564 = vector.shape_cast %swap3A_563 : vector<1x16xf32> to vector<16xf32>
        %swap3A_565 = vector.shape_cast %get3A_525 : vector<16xf32> to vector<1x16xf32>
        tpu.vector_store %arg6[%swap3A_561, %swap3A_562], %swap3A_565 {strides = array<i32>} : memref<8x4096xf32, #tpu.memory_space<vmem>>, vector<1x16xf32>,
        %add3A_566 = arith.constant 80 : i32
        %add3A_567 = arith.addi %mul3A_80, %add3A_566 : i32
        %swap3A_568 = arith.constant 6 : i32
        %swap3A_569 = arith.index_cast %swap3A_568 : i32 to index
        %swap3A_570 = arith.index_cast %add3A_567 : i32 to index
        %swap3A_571 = tpu.vector_load %arg6[%swap3A_569, %swap3A_570] {strides = array<i32>} : memref<8x4096xf32, #tpu.memory_space<vmem>>, vector<1x16xf32>,
        %swap3A_572 = vector.shape_cast %swap3A_571 : vector<1x16xf32> to vector<16xf32>
        %swap3A_573 = vector.shape_cast %get3A_525 : vector<16xf32> to vector<1x16xf32>
        tpu.vector_store %arg6[%swap3A_569, %swap3A_570], %swap3A_573 {strides = array<i32>} : memref<8x4096xf32, #tpu.memory_space<vmem>>, vector<1x16xf32>,
        %add3A_574 = arith.constant 96 : i32
        %add3A_575 = arith.addi %mul3A_80, %add3A_574 : i32
        %swap3A_576 = arith.constant 6 : i32
        %swap3A_577 = arith.index_cast %swap3A_576 : i32 to index
        %swap3A_578 = arith.index_cast %add3A_575 : i32 to index
        %swap3A_579 = tpu.vector_load %arg6[%swap3A_577, %swap3A_578] {strides = array<i32>} : memref<8x4096xf32, #tpu.memory_space<vmem>>, vector<1x16xf32>,
        %swap3A_580 = vector.shape_cast %swap3A_579 : vector<1x16xf32> to vector<16xf32>
        %swap3A_581 = vector.shape_cast %get3A_525 : vector<16xf32> to vector<1x16xf32>
        tpu.vector_store %arg6[%swap3A_577, %swap3A_578], %swap3A_581 {strides = array<i32>} : memref<8x4096xf32, #tpu.memory_space<vmem>>, vector<1x16xf32>,
        %add3A_582 = arith.constant 112 : i32
        %add3A_583 = arith.addi %mul3A_80, %add3A_582 : i32
        %swap3A_584 = arith.constant 6 : i32
        %swap3A_585 = arith.index_cast %swap3A_584 : i32 to index
        %swap3A_586 = arith.index_cast %add3A_583 : i32 to index
        %swap3A_587 = tpu.vector_load %arg6[%swap3A_585, %swap3A_586] {strides = array<i32>} : memref<8x4096xf32, #tpu.memory_space<vmem>>, vector<1x16xf32>,
        %swap3A_588 = vector.shape_cast %swap3A_587 : vector<1x16xf32> to vector<16xf32>
        %swap3A_589 = vector.shape_cast %get3A_525 : vector<16xf32> to vector<1x16xf32>
        tpu.vector_store %arg6[%swap3A_585, %swap3A_586], %swap3A_589 {strides = array<i32>} : memref<8x4096xf32, #tpu.memory_space<vmem>>, vector<1x16xf32>,
        %mul3A_590 = arith.constant 8 : i32
        %mul3A_591 = arith.muli %add3A_40, %mul3A_590 : i32
        %add3A_592 = arith.constant 7 : i32
        %add3A_593 = arith.addi %mul3A_591, %add3A_592 : i32
        %mul3A_594 = arith.constant 16 : i32
        %mul3A_595 = arith.muli %add3A_593, %mul3A_594 : i32
        %get3A_596 = arith.index_cast %mul3A_595 : i32 to index
        %get3A_597 = tpu.vector_load %arg5[%get3A_596] {strides = array<i32>} : memref<3328xf32, #tpu.memory_space<vmem>>, vector<16xf32>,
        %get3A_598 = vector.shape_cast %get3A_597 : vector<16xf32> to vector<16xf32>
        %add3A_599 = arith.constant 0 : i32
        %add3A_600 = arith.addi %mul3A_80, %add3A_599 : i32
        %swap3A_601 = arith.constant 7 : i32
        %swap3A_602 = arith.index_cast %swap3A_601 : i32 to index
        %swap3A_603 = arith.index_cast %add3A_600 : i32 to index
        %swap3A_604 = tpu.vector_load %arg6[%swap3A_602, %swap3A_603] {strides = array<i32>} : memref<8x4096xf32, #tpu.memory_space<vmem>>, vector<1x16xf32>,
        %swap3A_605 = vector.shape_cast %swap3A_604 : vector<1x16xf32> to vector<16xf32>
        %swap3A_606 = vector.shape_cast %get3A_598 : vector<16xf32> to vector<1x16xf32>
        tpu.vector_store %arg6[%swap3A_602, %swap3A_603], %swap3A_606 {strides = array<i32>} : memref<8x4096xf32, #tpu.memory_space<vmem>>, vector<1x16xf32>,
        %add3A_607 = arith.constant 16 : i32
        %add3A_608 = arith.addi %mul3A_80, %add3A_607 : i32
        %swap3A_609 = arith.constant 7 : i32
        %swap3A_610 = arith.index_cast %swap3A_609 : i32 to index
        %swap3A_611 = arith.index_cast %add3A_608 : i32 to index
        %swap3A_612 = tpu.vector_load %arg6[%swap3A_610, %swap3A_611] {strides = array<i32>} : memref<8x4096xf32, #tpu.memory_space<vmem>>, vector<1x16xf32>,
        %swap3A_613 = vector.shape_cast %swap3A_612 : vector<1x16xf32> to vector<16xf32>
        %swap3A_614 = vector.shape_cast %get3A_598 : vector<16xf32> to vector<1x16xf32>
        tpu.vector_store %arg6[%swap3A_610, %swap3A_611], %swap3A_614 {strides = array<i32>} : memref<8x4096xf32, #tpu.memory_space<vmem>>, vector<1x16xf32>,
        %add3A_615 = arith.constant 32 : i32
        %add3A_616 = arith.addi %mul3A_80, %add3A_615 : i32
        %swap3A_617 = arith.constant 7 : i32
        %swap3A_618 = arith.index_cast %swap3A_617 : i32 to index
        %swap3A_619 = arith.index_cast %add3A_616 : i32 to index
        %swap3A_620 = tpu.vector_load %arg6[%swap3A_618, %swap3A_619] {strides = array<i32>} : memref<8x4096xf32, #tpu.memory_space<vmem>>, vector<1x16xf32>,
        %swap3A_621 = vector.shape_cast %swap3A_620 : vector<1x16xf32> to vector<16xf32>
        %swap3A_622 = vector.shape_cast %get3A_598 : vector<16xf32> to vector<1x16xf32>
        tpu.vector_store %arg6[%swap3A_618, %swap3A_619], %swap3A_622 {strides = array<i32>} : memref<8x4096xf32, #tpu.memory_space<vmem>>, vector<1x16xf32>,
        %add3A_623 = arith.constant 48 : i32
        %add3A_624 = arith.addi %mul3A_80, %add3A_623 : i32
        %swap3A_625 = arith.constant 7 : i32
        %swap3A_626 = arith.index_cast %swap3A_625 : i32 to index
        %swap3A_627 = arith.index_cast %add3A_624 : i32 to index
        %swap3A_628 = tpu.vector_load %arg6[%swap3A_626, %swap3A_627] {strides = array<i32>} : memref<8x4096xf32, #tpu.memory_space<vmem>>, vector<1x16xf32>,
        %swap3A_629 = vector.shape_cast %swap3A_628 : vector<1x16xf32> to vector<16xf32>
        %swap3A_630 = vector.shape_cast %get3A_598 : vector<16xf32> to vector<1x16xf32>
        tpu.vector_store %arg6[%swap3A_626, %swap3A_627], %swap3A_630 {strides = array<i32>} : memref<8x4096xf32, #tpu.memory_space<vmem>>, vector<1x16xf32>,
        %add3A_631 = arith.constant 64 : i32
        %add3A_632 = arith.addi %mul3A_80, %add3A_631 : i32
        %swap3A_633 = arith.constant 7 : i32
        %swap3A_634 = arith.index_cast %swap3A_633 : i32 to index
        %swap3A_635 = arith.index_cast %add3A_632 : i32 to index
        %swap3A_636 = tpu.vector_load %arg6[%swap3A_634, %swap3A_635] {strides = array<i32>} : memref<8x4096xf32, #tpu.memory_space<vmem>>, vector<1x16xf32>,
        %swap3A_637 = vector.shape_cast %swap3A_636 : vector<1x16xf32> to vector<16xf32>
        %swap3A_638 = vector.shape_cast %get3A_598 : vector<16xf32> to vector<1x16xf32>
        tpu.vector_store %arg6[%swap3A_634, %swap3A_635], %swap3A_638 {strides = array<i32>} : memref<8x4096xf32, #tpu.memory_space<vmem>>, vector<1x16xf32>,
        %add3A_639 = arith.constant 80 : i32
        %add3A_640 = arith.addi %mul3A_80, %add3A_639 : i32
        %swap3A_641 = arith.constant 7 : i32
        %swap3A_642 = arith.index_cast %swap3A_641 : i32 to index
        %swap3A_643 = arith.index_cast %add3A_640 : i32 to index
        %swap3A_644 = tpu.vector_load %arg6[%swap3A_642, %swap3A_643] {strides = array<i32>} : memref<8x4096xf32, #tpu.memory_space<vmem>>, vector<1x16xf32>,
        %swap3A_645 = vector.shape_cast %swap3A_644 : vector<1x16xf32> to vector<16xf32>
        %swap3A_646 = vector.shape_cast %get3A_598 : vector<16xf32> to vector<1x16xf32>
        tpu.vector_store %arg6[%swap3A_642, %swap3A_643], %swap3A_646 {strides = array<i32>} : memref<8x4096xf32, #tpu.memory_space<vmem>>, vector<1x16xf32>,
        %add3A_647 = arith.constant 96 : i32
        %add3A_648 = arith.addi %mul3A_80, %add3A_647 : i32
        %swap3A_649 = arith.constant 7 : i32
        %swap3A_650 = arith.index_cast %swap3A_649 : i32 to index
        %swap3A_651 = arith.index_cast %add3A_648 : i32 to index
        %swap3A_652 = tpu.vector_load %arg6[%swap3A_650, %swap3A_651] {strides = array<i32>} : memref<8x4096xf32, #tpu.memory_space<vmem>>, vector<1x16xf32>,
        %swap3A_653 = vector.shape_cast %swap3A_652 : vector<1x16xf32> to vector<16xf32>
        %swap3A_654 = vector.shape_cast %get3A_598 : vector<16xf32> to vector<1x16xf32>
        tpu.vector_store %arg6[%swap3A_650, %swap3A_651], %swap3A_654 {strides = array<i32>} : memref<8x4096xf32, #tpu.memory_space<vmem>>, vector<1x16xf32>,
        %add3A_655 = arith.constant 112 : i32
        %add3A_656 = arith.addi %mul3A_80, %add3A_655 : i32
        %swap3A_657 = arith.constant 7 : i32
        %swap3A_658 = arith.index_cast %swap3A_657 : i32 to index
        %swap3A_659 = arith.index_cast %add3A_656 : i32 to index
        %swap3A_660 = tpu.vector_load %arg6[%swap3A_658, %swap3A_659] {strides = array<i32>} : memref<8x4096xf32, #tpu.memory_space<vmem>>, vector<1x16xf32>,
        %swap3A_661 = vector.shape_cast %swap3A_660 : vector<1x16xf32> to vector<16xf32>
        %swap3A_662 = vector.shape_cast %get3A_598 : vector<16xf32> to vector<1x16xf32>
        tpu.vector_store %arg6[%swap3A_658, %swap3A_659], %swap3A_662 {strides = array<i32>} : memref<8x4096xf32, #tpu.memory_space<vmem>>, vector<1x16xf32>,
      }
      %scan3A_48 = arith.constant 32 : i32
      %mul3A_49 = arith.constant 8 : i32
      %mul3A_50 = arith.muli %add3A_40, %mul3A_49 : i32
      %add3A_51 = arith.addi %mul3A_2, %mul3A_50 : i32
      %dma_start3A_52 = arith.constant 0 : i32
      %dma_start3A_53 = tpu.memref_slice %arg3[%add3A_51, %dma_start3A_52] : memref<6400x4096xf32, #tpu.memory_space<hbm>> -> memref<8x4096xf32, #tpu.memory_space<hbm>>
      %dma_start3A_54 = arith.constant 0 : i32
      %dma_start3A_55 = tpu.memref_slice %arg3[%add3A_51, %dma_start3A_54] : memref<6400x4096xf32, #tpu.memory_space<hbm>> -> memref<8x4096xf32, #tpu.memory_space<hbm>>
      tpu.enqueue_dma source(%arg6 : memref<8x4096xf32, #tpu.memory_space<vmem>>) target(%dma_start3A_55 : memref<8x4096xf32, #tpu.memory_space<hbm>>) target_semaphore(%arg8 : memref<!tpu.dma_semaphore, #tpu.memory_space<semaphore_mem>>)
      %mul3A_56 = arith.constant 2 : i32
      %mul3A_57 = arith.muli %mul3A_56, %scan3A_36 : i32
      %add3A_58 = arith.constant 1 : i32
      %add3A_59 = arith.addi %mul3A_57, %add3A_58 : i32
      %gt3A_60 = arith.constant 0 : i32
      %gt3A_61 = arith.cmpi sgt, %scan3A_36, %gt3A_60 : i32
      %convert_element_type3A_62 = arith.extui %gt3A_61 : i1 to i32
      %cond3A_63 = arith.constant 0 : i32
      %cond3A_64 = arith.cmpi ne, %convert_element_type3A_62, %cond3A_63 : i32
      scf.if %cond3A_64 {
        %dma_wait3A_78 = arith.constant 0 : i32
        %dma_wait3A_79 = tpu.memref_slice %arg3[%mul3A_2, %dma_wait3A_78] : memref<6400x4096xf32, #tpu.memory_space<hbm>> -> memref<8x4096xf32, #tpu.memory_space<hbm>>
        %dma_wait3A_80 = arith.constant 0 : i32
        %dma_wait3A_81 = tpu.memref_slice %arg3[%mul3A_2, %dma_wait3A_80] : memref<6400x4096xf32, #tpu.memory_space<hbm>> -> memref<8x4096xf32, #tpu.memory_space<hbm>>
        tpu.wait_dma2 semaphore(%arg9 : memref<!tpu.dma_semaphore, #tpu.memory_space<semaphore_mem>>) src(%arg7 : memref<8x4096xf32, #tpu.memory_space<vmem>>) dst(%dma_wait3A_81 : memref<8x4096xf32, #tpu.memory_space<hbm>>)
      } else {
      }
      %scan3A_65 = arith.constant 0 : i32
      %scan3A_66 = arith.constant 0 : i32
      %scan3A_67 = arith.constant 32 : i32
      %scan3A_68 = arith.addi %scan3A_66, %scan3A_67 : i32
      %scan3A_69 = arith.constant 1 : i32
      scf.for %scan3A_78 = %scan3A_66 to %scan3A_68 step %scan3A_69  : i32 {
        %mul3A_79 = arith.constant 128 : i32
        %mul3A_80 = arith.muli %scan3A_78, %mul3A_79 : i32
        %mul3A_81 = arith.constant 8 : i32
        %mul3A_82 = arith.muli %add3A_59, %mul3A_81 : i32
        %add3A_83 = arith.constant 0 : i32
        %add3A_84 = arith.addi %mul3A_82, %add3A_83 : i32
        %mul3A_85 = arith.constant 16 : i32
        %mul3A_86 = arith.muli %add3A_84, %mul3A_85 : i32
        %get3A = arith.index_cast %mul3A_86 : i32 to index
        %get3A_87 = tpu.vector_load %arg5[%get3A] {strides = array<i32>} : memref<3328xf32, #tpu.memory_space<vmem>>, vector<16xf32>,
        %get3A_88 = vector.shape_cast %get3A_87 : vector<16xf32> to vector<16xf32>
        %add3A_89 = arith.constant 0 : i32
        %add3A_90 = arith.addi %mul3A_80, %add3A_89 : i32
        %swap3A = arith.constant 0 : i32
        %swap3A_91 = arith.index_cast %swap3A : i32 to index
        %swap3A_92 = arith.index_cast %add3A_90 : i32 to index
        %swap3A_93 = tpu.vector_load %arg7[%swap3A_91, %swap3A_92] {strides = array<i32>} : memref<8x4096xf32, #tpu.memory_space<vmem>>, vector<1x16xf32>,
        %swap3A_94 = vector.shape_cast %swap3A_93 : vector<1x16xf32> to vector<16xf32>
        %swap3A_95 = vector.shape_cast %get3A_88 : vector<16xf32> to vector<1x16xf32>
        tpu.vector_store %arg7[%swap3A_91, %swap3A_92], %swap3A_95 {strides = array<i32>} : memref<8x4096xf32, #tpu.memory_space<vmem>>, vector<1x16xf32>,
        %add3A_96 = arith.constant 16 : i32
        %add3A_97 = arith.addi %mul3A_80, %add3A_96 : i32
        %swap3A_98 = arith.constant 0 : i32
        %swap3A_99 = arith.index_cast %swap3A_98 : i32 to index
        %swap3A_100 = arith.index_cast %add3A_97 : i32 to index
        %swap3A_101 = tpu.vector_load %arg7[%swap3A_99, %swap3A_100] {strides = array<i32>} : memref<8x4096xf32, #tpu.memory_space<vmem>>, vector<1x16xf32>,
        %swap3A_102 = vector.shape_cast %swap3A_101 : vector<1x16xf32> to vector<16xf32>
        %swap3A_103 = vector.shape_cast %get3A_88 : vector<16xf32> to vector<1x16xf32>
        tpu.vector_store %arg7[%swap3A_99, %swap3A_100], %swap3A_103 {strides = array<i32>} : memref<8x4096xf32, #tpu.memory_space<vmem>>, vector<1x16xf32>,
        %add3A_104 = arith.constant 32 : i32
        %add3A_105 = arith.addi %mul3A_80, %add3A_104 : i32
        %swap3A_106 = arith.constant 0 : i32
        %swap3A_107 = arith.index_cast %swap3A_106 : i32 to index
        %swap3A_108 = arith.index_cast %add3A_105 : i32 to index
        %swap3A_109 = tpu.vector_load %arg7[%swap3A_107, %swap3A_108] {strides = array<i32>} : memref<8x4096xf32, #tpu.memory_space<vmem>>, vector<1x16xf32>,
        %swap3A_110 = vector.shape_cast %swap3A_109 : vector<1x16xf32> to vector<16xf32>
        %swap3A_111 = vector.shape_cast %get3A_88 : vector<16xf32> to vector<1x16xf32>
        tpu.vector_store %arg7[%swap3A_107, %swap3A_108], %swap3A_111 {strides = array<i32>} : memref<8x4096xf32, #tpu.memory_space<vmem>>, vector<1x16xf32>,
        %add3A_112 = arith.constant 48 : i32
        %add3A_113 = arith.addi %mul3A_80, %add3A_112 : i32
        %swap3A_114 = arith.constant 0 : i32
        %swap3A_115 = arith.index_cast %swap3A_114 : i32 to index
        %swap3A_116 = arith.index_cast %add3A_113 : i32 to index
        %swap3A_117 = tpu.vector_load %arg7[%swap3A_115, %swap3A_116] {strides = array<i32>} : memref<8x4096xf32, #tpu.memory_space<vmem>>, vector<1x16xf32>,
        %swap3A_118 = vector.shape_cast %swap3A_117 : vector<1x16xf32> to vector<16xf32>
        %swap3A_119 = vector.shape_cast %get3A_88 : vector<16xf32> to vector<1x16xf32>
        tpu.vector_store %arg7[%swap3A_115, %swap3A_116], %swap3A_119 {strides = array<i32>} : memref<8x4096xf32, #tpu.memory_space<vmem>>, vector<1x16xf32>,
        %add3A_120 = arith.constant 64 : i32
        %add3A_121 = arith.addi %mul3A_80, %add3A_120 : i32
        %swap3A_122 = arith.constant 0 : i32
        %swap3A_123 = arith.index_cast %swap3A_122 : i32 to index
        %swap3A_124 = arith.index_cast %add3A_121 : i32 to index
        %swap3A_125 = tpu.vector_load %arg7[%swap3A_123, %swap3A_124] {strides = array<i32>} : memref<8x4096xf32, #tpu.memory_space<vmem>>, vector<1x16xf32>,
        %swap3A_126 = vector.shape_cast %swap3A_125 : vector<1x16xf32> to vector<16xf32>
        %swap3A_127 = vector.shape_cast %get3A_88 : vector<16xf32> to vector<1x16xf32>
        tpu.vector_store %arg7[%swap3A_123, %swap3A_124], %swap3A_127 {strides = array<i32>} : memref<8x4096xf32, #tpu.memory_space<vmem>>, vector<1x16xf32>,
        %add3A_128 = arith.constant 80 : i32
        %add3A_129 = arith.addi %mul3A_80, %add3A_128 : i32
        %swap3A_130 = arith.constant 0 : i32
        %swap3A_131 = arith.index_cast %swap3A_130 : i32 to index
        %swap3A_132 = arith.index_cast %add3A_129 : i32 to index
        %swap3A_133 = tpu.vector_load %arg7[%swap3A_131, %swap3A_132] {strides = array<i32>} : memref<8x4096xf32, #tpu.memory_space<vmem>>, vector<1x16xf32>,
        %swap3A_134 = vector.shape_cast %swap3A_133 : vector<1x16xf32> to vector<16xf32>
        %swap3A_135 = vector.shape_cast %get3A_88 : vector<16xf32> to vector<1x16xf32>
        tpu.vector_store %arg7[%swap3A_131, %swap3A_132], %swap3A_135 {strides = array<i32>} : memref<8x4096xf32, #tpu.memory_space<vmem>>, vector<1x16xf32>,
        %add3A_136 = arith.constant 96 : i32
        %add3A_137 = arith.addi %mul3A_80, %add3A_136 : i32
        %swap3A_138 = arith.constant 0 : i32
        %swap3A_139 = arith.index_cast %swap3A_138 : i32 to index
        %swap3A_140 = arith.index_cast %add3A_137 : i32 to index
        %swap3A_141 = tpu.vector_load %arg7[%swap3A_139, %swap3A_140] {strides = array<i32>} : memref<8x4096xf32, #tpu.memory_space<vmem>>, vector<1x16xf32>,
        %swap3A_142 = vector.shape_cast %swap3A_141 : vector<1x16xf32> to vector<16xf32>
        %swap3A_143 = vector.shape_cast %get3A_88 : vector<16xf32> to vector<1x16xf32>
        tpu.vector_store %arg7[%swap3A_139, %swap3A_140], %swap3A_143 {strides = array<i32>} : memref<8x4096xf32, #tpu.memory_space<vmem>>, vector<1x16xf32>,
        %add3A_144 = arith.constant 112 : i32
        %add3A_145 = arith.addi %mul3A_80, %add3A_144 : i32
        %swap3A_146 = arith.constant 0 : i32
        %swap3A_147 = arith.index_cast %swap3A_146 : i32 to index
        %swap3A_148 = arith.index_cast %add3A_145 : i32 to index
        %swap3A_149 = tpu.vector_load %arg7[%swap3A_147, %swap3A_148] {strides = array<i32>} : memref<8x4096xf32, #tpu.memory_space<vmem>>, vector<1x16xf32>,
        %swap3A_150 = vector.shape_cast %swap3A_149 : vector<1x16xf32> to vector<16xf32>
        %swap3A_151 = vector.shape_cast %get3A_88 : vector<16xf32> to vector<1x16xf32>
        tpu.vector_store %arg7[%swap3A_147, %swap3A_148], %swap3A_151 {strides = array<i32>} : memref<8x4096xf32, #tpu.memory_space<vmem>>, vector<1x16xf32>,
        %mul3A_152 = arith.constant 8 : i32
        %mul3A_153 = arith.muli %add3A_59, %mul3A_152 : i32
        %add3A_154 = arith.constant 1 : i32
        %add3A_155 = arith.addi %mul3A_153, %add3A_154 : i32
        %mul3A_156 = arith.constant 16 : i32
        %mul3A_157 = arith.muli %add3A_155, %mul3A_156 : i32
        %get3A_158 = arith.index_cast %mul3A_157 : i32 to index
        %get3A_159 = tpu.vector_load %arg5[%get3A_158] {strides = array<i32>} : memref<3328xf32, #tpu.memory_space<vmem>>, vector<16xf32>,
        %get3A_160 = vector.shape_cast %get3A_159 : vector<16xf32> to vector<16xf32>
        %add3A_161 = arith.constant 0 : i32
        %add3A_162 = arith.addi %mul3A_80, %add3A_161 : i32
        %swap3A_163 = arith.constant 1 : i32
        %swap3A_164 = arith.index_cast %swap3A_163 : i32 to index
        %swap3A_165 = arith.index_cast %add3A_162 : i32 to index
        %swap3A_166 = tpu.vector_load %arg7[%swap3A_164, %swap3A_165] {strides = array<i32>} : memref<8x4096xf32, #tpu.memory_space<vmem>>, vector<1x16xf32>,
        %swap3A_167 = vector.shape_cast %swap3A_166 : vector<1x16xf32> to vector<16xf32>
        %swap3A_168 = vector.shape_cast %get3A_160 : vector<16xf32> to vector<1x16xf32>
        tpu.vector_store %arg7[%swap3A_164, %swap3A_165], %swap3A_168 {strides = array<i32>} : memref<8x4096xf32, #tpu.memory_space<vmem>>, vector<1x16xf32>,
        %add3A_169 = arith.constant 16 : i32
        %add3A_170 = arith.addi %mul3A_80, %add3A_169 : i32
        %swap3A_171 = arith.constant 1 : i32
        %swap3A_172 = arith.index_cast %swap3A_171 : i32 to index
        %swap3A_173 = arith.index_cast %add3A_170 : i32 to index
        %swap3A_174 = tpu.vector_load %arg7[%swap3A_172, %swap3A_173] {strides = array<i32>} : memref<8x4096xf32, #tpu.memory_space<vmem>>, vector<1x16xf32>,
        %swap3A_175 = vector.shape_cast %swap3A_174 : vector<1x16xf32> to vector<16xf32>
        %swap3A_176 = vector.shape_cast %get3A_160 : vector<16xf32> to vector<1x16xf32>
        tpu.vector_store %arg7[%swap3A_172, %swap3A_173], %swap3A_176 {strides = array<i32>} : memref<8x4096xf32, #tpu.memory_space<vmem>>, vector<1x16xf32>,
        %add3A_177 = arith.constant 32 : i32
        %add3A_178 = arith.addi %mul3A_80, %add3A_177 : i32
        %swap3A_179 = arith.constant 1 : i32
        %swap3A_180 = arith.index_cast %swap3A_179 : i32 to index
        %swap3A_181 = arith.index_cast %add3A_178 : i32 to index
        %swap3A_182 = tpu.vector_load %arg7[%swap3A_180, %swap3A_181] {strides = array<i32>} : memref<8x4096xf32, #tpu.memory_space<vmem>>, vector<1x16xf32>,
        %swap3A_183 = vector.shape_cast %swap3A_182 : vector<1x16xf32> to vector<16xf32>
        %swap3A_184 = vector.shape_cast %get3A_160 : vector<16xf32> to vector<1x16xf32>
        tpu.vector_store %arg7[%swap3A_180, %swap3A_181], %swap3A_184 {strides = array<i32>} : memref<8x4096xf32, #tpu.memory_space<vmem>>, vector<1x16xf32>,
        %add3A_185 = arith.constant 48 : i32
        %add3A_186 = arith.addi %mul3A_80, %add3A_185 : i32
        %swap3A_187 = arith.constant 1 : i32
        %swap3A_188 = arith.index_cast %swap3A_187 : i32 to index
        %swap3A_189 = arith.index_cast %add3A_186 : i32 to index
        %swap3A_190 = tpu.vector_load %arg7[%swap3A_188, %swap3A_189] {strides = array<i32>} : memref<8x4096xf32, #tpu.memory_space<vmem>>, vector<1x16xf32>,
        %swap3A_191 = vector.shape_cast %swap3A_190 : vector<1x16xf32> to vector<16xf32>
        %swap3A_192 = vector.shape_cast %get3A_160 : vector<16xf32> to vector<1x16xf32>
        tpu.vector_store %arg7[%swap3A_188, %swap3A_189], %swap3A_192 {strides = array<i32>} : memref<8x4096xf32, #tpu.memory_space<vmem>>, vector<1x16xf32>,
        %add3A_193 = arith.constant 64 : i32
        %add3A_194 = arith.addi %mul3A_80, %add3A_193 : i32
        %swap3A_195 = arith.constant 1 : i32
        %swap3A_196 = arith.index_cast %swap3A_195 : i32 to index
        %swap3A_197 = arith.index_cast %add3A_194 : i32 to index
        %swap3A_198 = tpu.vector_load %arg7[%swap3A_196, %swap3A_197] {strides = array<i32>} : memref<8x4096xf32, #tpu.memory_space<vmem>>, vector<1x16xf32>,
        %swap3A_199 = vector.shape_cast %swap3A_198 : vector<1x16xf32> to vector<16xf32>
        %swap3A_200 = vector.shape_cast %get3A_160 : vector<16xf32> to vector<1x16xf32>
        tpu.vector_store %arg7[%swap3A_196, %swap3A_197], %swap3A_200 {strides = array<i32>} : memref<8x4096xf32, #tpu.memory_space<vmem>>, vector<1x16xf32>,
        %add3A_201 = arith.constant 80 : i32
        %add3A_202 = arith.addi %mul3A_80, %add3A_201 : i32
        %swap3A_203 = arith.constant 1 : i32
        %swap3A_204 = arith.index_cast %swap3A_203 : i32 to index
        %swap3A_205 = arith.index_cast %add3A_202 : i32 to index
        %swap3A_206 = tpu.vector_load %arg7[%swap3A_204, %swap3A_205] {strides = array<i32>} : memref<8x4096xf32, #tpu.memory_space<vmem>>, vector<1x16xf32>,
        %swap3A_207 = vector.shape_cast %swap3A_206 : vector<1x16xf32> to vector<16xf32>
        %swap3A_208 = vector.shape_cast %get3A_160 : vector<16xf32> to vector<1x16xf32>
        tpu.vector_store %arg7[%swap3A_204, %swap3A_205], %swap3A_208 {strides = array<i32>} : memref<8x4096xf32, #tpu.memory_space<vmem>>, vector<1x16xf32>,
        %add3A_209 = arith.constant 96 : i32
        %add3A_210 = arith.addi %mul3A_80, %add3A_209 : i32
        %swap3A_211 = arith.constant 1 : i32
        %swap3A_212 = arith.index_cast %swap3A_211 : i32 to index
        %swap3A_213 = arith.index_cast %add3A_210 : i32 to index
        %swap3A_214 = tpu.vector_load %arg7[%swap3A_212, %swap3A_213] {strides = array<i32>} : memref<8x4096xf32, #tpu.memory_space<vmem>>, vector<1x16xf32>,
        %swap3A_215 = vector.shape_cast %swap3A_214 : vector<1x16xf32> to vector<16xf32>
        %swap3A_216 = vector.shape_cast %get3A_160 : vector<16xf32> to vector<1x16xf32>
        tpu.vector_store %arg7[%swap3A_212, %swap3A_213], %swap3A_216 {strides = array<i32>} : memref<8x4096xf32, #tpu.memory_space<vmem>>, vector<1x16xf32>,
        %add3A_217 = arith.constant 112 : i32
        %add3A_218 = arith.addi %mul3A_80, %add3A_217 : i32
        %swap3A_219 = arith.constant 1 : i32
        %swap3A_220 = arith.index_cast %swap3A_219 : i32 to index
        %swap3A_221 = arith.index_cast %add3A_218 : i32 to index
        %swap3A_222 = tpu.vector_load %arg7[%swap3A_220, %swap3A_221] {strides = array<i32>} : memref<8x4096xf32, #tpu.memory_space<vmem>>, vector<1x16xf32>,
        %swap3A_223 = vector.shape_cast %swap3A_222 : vector<1x16xf32> to vector<16xf32>
        %swap3A_224 = vector.shape_cast %get3A_160 : vector<16xf32> to vector<1x16xf32>
        tpu.vector_store %arg7[%swap3A_220, %swap3A_221], %swap3A_224 {strides = array<i32>} : memref<8x4096xf32, #tpu.memory_space<vmem>>, vector<1x16xf32>,
        %mul3A_225 = arith.constant 8 : i32
        %mul3A_226 = arith.muli %add3A_59, %mul3A_225 : i32
        %add3A_227 = arith.constant 2 : i32
        %add3A_228 = arith.addi %mul3A_226, %add3A_227 : i32
        %mul3A_229 = arith.constant 16 : i32
        %mul3A_230 = arith.muli %add3A_228, %mul3A_229 : i32
        %get3A_231 = arith.index_cast %mul3A_230 : i32 to index
        %get3A_232 = tpu.vector_load %arg5[%get3A_231] {strides = array<i32>} : memref<3328xf32, #tpu.memory_space<vmem>>, vector<16xf32>,
        %get3A_233 = vector.shape_cast %get3A_232 : vector<16xf32> to vector<16xf32>
        %add3A_234 = arith.constant 0 : i32
        %add3A_235 = arith.addi %mul3A_80, %add3A_234 : i32
        %swap3A_236 = arith.constant 2 : i32
        %swap3A_237 = arith.index_cast %swap3A_236 : i32 to index
        %swap3A_238 = arith.index_cast %add3A_235 : i32 to index
        %swap3A_239 = tpu.vector_load %arg7[%swap3A_237, %swap3A_238] {strides = array<i32>} : memref<8x4096xf32, #tpu.memory_space<vmem>>, vector<1x16xf32>,
        %swap3A_240 = vector.shape_cast %swap3A_239 : vector<1x16xf32> to vector<16xf32>
        %swap3A_241 = vector.shape_cast %get3A_233 : vector<16xf32> to vector<1x16xf32>
        tpu.vector_store %arg7[%swap3A_237, %swap3A_238], %swap3A_241 {strides = array<i32>} : memref<8x4096xf32, #tpu.memory_space<vmem>>, vector<1x16xf32>,
        %add3A_242 = arith.constant 16 : i32
        %add3A_243 = arith.addi %mul3A_80, %add3A_242 : i32
        %swap3A_244 = arith.constant 2 : i32
        %swap3A_245 = arith.index_cast %swap3A_244 : i32 to index
        %swap3A_246 = arith.index_cast %add3A_243 : i32 to index
        %swap3A_247 = tpu.vector_load %arg7[%swap3A_245, %swap3A_246] {strides = array<i32>} : memref<8x4096xf32, #tpu.memory_space<vmem>>, vector<1x16xf32>,
        %swap3A_248 = vector.shape_cast %swap3A_247 : vector<1x16xf32> to vector<16xf32>
        %swap3A_249 = vector.shape_cast %get3A_233 : vector<16xf32> to vector<1x16xf32>
        tpu.vector_store %arg7[%swap3A_245, %swap3A_246], %swap3A_249 {strides = array<i32>} : memref<8x4096xf32, #tpu.memory_space<vmem>>, vector<1x16xf32>,
        %add3A_250 = arith.constant 32 : i32
        %add3A_251 = arith.addi %mul3A_80, %add3A_250 : i32
        %swap3A_252 = arith.constant 2 : i32
        %swap3A_253 = arith.index_cast %swap3A_252 : i32 to index
        %swap3A_254 = arith.index_cast %add3A_251 : i32 to index
        %swap3A_255 = tpu.vector_load %arg7[%swap3A_253, %swap3A_254] {strides = array<i32>} : memref<8x4096xf32, #tpu.memory_space<vmem>>, vector<1x16xf32>,
        %swap3A_256 = vector.shape_cast %swap3A_255 : vector<1x16xf32> to vector<16xf32>
        %swap3A_257 = vector.shape_cast %get3A_233 : vector<16xf32> to vector<1x16xf32>
        tpu.vector_store %arg7[%swap3A_253, %swap3A_254], %swap3A_257 {strides = array<i32>} : memref<8x4096xf32, #tpu.memory_space<vmem>>, vector<1x16xf32>,
        %add3A_258 = arith.constant 48 : i32
        %add3A_259 = arith.addi %mul3A_80, %add3A_258 : i32
        %swap3A_260 = arith.constant 2 : i32
        %swap3A_261 = arith.index_cast %swap3A_260 : i32 to index
        %swap3A_262 = arith.index_cast %add3A_259 : i32 to index
        %swap3A_263 = tpu.vector_load %arg7[%swap3A_261, %swap3A_262] {strides = array<i32>} : memref<8x4096xf32, #tpu.memory_space<vmem>>, vector<1x16xf32>,
        %swap3A_264 = vector.shape_cast %swap3A_263 : vector<1x16xf32> to vector<16xf32>
        %swap3A_265 = vector.shape_cast %get3A_233 : vector<16xf32> to vector<1x16xf32>
        tpu.vector_store %arg7[%swap3A_261, %swap3A_262], %swap3A_265 {strides = array<i32>} : memref<8x4096xf32, #tpu.memory_space<vmem>>, vector<1x16xf32>,
        %add3A_266 = arith.constant 64 : i32
        %add3A_267 = arith.addi %mul3A_80, %add3A_266 : i32
        %swap3A_268 = arith.constant 2 : i32
        %swap3A_269 = arith.index_cast %swap3A_268 : i32 to index
        %swap3A_270 = arith.index_cast %add3A_267 : i32 to index
        %swap3A_271 = tpu.vector_load %arg7[%swap3A_269, %swap3A_270] {strides = array<i32>} : memref<8x4096xf32, #tpu.memory_space<vmem>>, vector<1x16xf32>,
        %swap3A_272 = vector.shape_cast %swap3A_271 : vector<1x16xf32> to vector<16xf32>
        %swap3A_273 = vector.shape_cast %get3A_233 : vector<16xf32> to vector<1x16xf32>
        tpu.vector_store %arg7[%swap3A_269, %swap3A_270], %swap3A_273 {strides = array<i32>} : memref<8x4096xf32, #tpu.memory_space<vmem>>, vector<1x16xf32>,
        %add3A_274 = arith.constant 80 : i32
        %add3A_275 = arith.addi %mul3A_80, %add3A_274 : i32
        %swap3A_276 = arith.constant 2 : i32
        %swap3A_277 = arith.index_cast %swap3A_276 : i32 to index
        %swap3A_278 = arith.index_cast %add3A_275 : i32 to index
        %swap3A_279 = tpu.vector_load %arg7[%swap3A_277, %swap3A_278] {strides = array<i32>} : memref<8x4096xf32, #tpu.memory_space<vmem>>, vector<1x16xf32>,
        %swap3A_280 = vector.shape_cast %swap3A_279 : vector<1x16xf32> to vector<16xf32>
        %swap3A_281 = vector.shape_cast %get3A_233 : vector<16xf32> to vector<1x16xf32>
        tpu.vector_store %arg7[%swap3A_277, %swap3A_278], %swap3A_281 {strides = array<i32>} : memref<8x4096xf32, #tpu.memory_space<vmem>>, vector<1x16xf32>,
        %add3A_282 = arith.constant 96 : i32
        %add3A_283 = arith.addi %mul3A_80, %add3A_282 : i32
        %swap3A_284 = arith.constant 2 : i32
        %swap3A_285 = arith.index_cast %swap3A_284 : i32 to index
        %swap3A_286 = arith.index_cast %add3A_283 : i32 to index
        %swap3A_287 = tpu.vector_load %arg7[%swap3A_285, %swap3A_286] {strides = array<i32>} : memref<8x4096xf32, #tpu.memory_space<vmem>>, vector<1x16xf32>,
        %swap3A_288 = vector.shape_cast %swap3A_287 : vector<1x16xf32> to vector<16xf32>
        %swap3A_289 = vector.shape_cast %get3A_233 : vector<16xf32> to vector<1x16xf32>
        tpu.vector_store %arg7[%swap3A_285, %swap3A_286], %swap3A_289 {strides = array<i32>} : memref<8x4096xf32, #tpu.memory_space<vmem>>, vector<1x16xf32>,
        %add3A_290 = arith.constant 112 : i32
        %add3A_291 = arith.addi %mul3A_80, %add3A_290 : i32
        %swap3A_292 = arith.constant 2 : i32
        %swap3A_293 = arith.index_cast %swap3A_292 : i32 to index
        %swap3A_294 = arith.index_cast %add3A_291 : i32 to index
        %swap3A_295 = tpu.vector_load %arg7[%swap3A_293, %swap3A_294] {strides = array<i32>} : memref<8x4096xf32, #tpu.memory_space<vmem>>, vector<1x16xf32>,
        %swap3A_296 = vector.shape_cast %swap3A_295 : vector<1x16xf32> to vector<16xf32>
        %swap3A_297 = vector.shape_cast %get3A_233 : vector<16xf32> to vector<1x16xf32>
        tpu.vector_store %arg7[%swap3A_293, %swap3A_294], %swap3A_297 {strides = array<i32>} : memref<8x4096xf32, #tpu.memory_space<vmem>>, vector<1x16xf32>,
        %mul3A_298 = arith.constant 8 : i32
        %mul3A_299 = arith.muli %add3A_59, %mul3A_298 : i32
        %add3A_300 = arith.constant 3 : i32
        %add3A_301 = arith.addi %mul3A_299, %add3A_300 : i32
        %mul3A_302 = arith.constant 16 : i32
        %mul3A_303 = arith.muli %add3A_301, %mul3A_302 : i32
        %get3A_304 = arith.index_cast %mul3A_303 : i32 to index
        %get3A_305 = tpu.vector_load %arg5[%get3A_304] {strides = array<i32>} : memref<3328xf32, #tpu.memory_space<vmem>>, vector<16xf32>,
        %get3A_306 = vector.shape_cast %get3A_305 : vector<16xf32> to vector<16xf32>
        %add3A_307 = arith.constant 0 : i32
        %add3A_308 = arith.addi %mul3A_80, %add3A_307 : i32
        %swap3A_309 = arith.constant 3 : i32
        %swap3A_310 = arith.index_cast %swap3A_309 : i32 to index
        %swap3A_311 = arith.index_cast %add3A_308 : i32 to index
        %swap3A_312 = tpu.vector_load %arg7[%swap3A_310, %swap3A_311] {strides = array<i32>} : memref<8x4096xf32, #tpu.memory_space<vmem>>, vector<1x16xf32>,
        %swap3A_313 = vector.shape_cast %swap3A_312 : vector<1x16xf32> to vector<16xf32>
        %swap3A_314 = vector.shape_cast %get3A_306 : vector<16xf32> to vector<1x16xf32>
        tpu.vector_store %arg7[%swap3A_310, %swap3A_311], %swap3A_314 {strides = array<i32>} : memref<8x4096xf32, #tpu.memory_space<vmem>>, vector<1x16xf32>,
        %add3A_315 = arith.constant 16 : i32
        %add3A_316 = arith.addi %mul3A_80, %add3A_315 : i32
        %swap3A_317 = arith.constant 3 : i32
        %swap3A_318 = arith.index_cast %swap3A_317 : i32 to index
        %swap3A_319 = arith.index_cast %add3A_316 : i32 to index
        %swap3A_320 = tpu.vector_load %arg7[%swap3A_318, %swap3A_319] {strides = array<i32>} : memref<8x4096xf32, #tpu.memory_space<vmem>>, vector<1x16xf32>,
        %swap3A_321 = vector.shape_cast %swap3A_320 : vector<1x16xf32> to vector<16xf32>
        %swap3A_322 = vector.shape_cast %get3A_306 : vector<16xf32> to vector<1x16xf32>
        tpu.vector_store %arg7[%swap3A_318, %swap3A_319], %swap3A_322 {strides = array<i32>} : memref<8x4096xf32, #tpu.memory_space<vmem>>, vector<1x16xf32>,
        %add3A_323 = arith.constant 32 : i32
        %add3A_324 = arith.addi %mul3A_80, %add3A_323 : i32
        %swap3A_325 = arith.constant 3 : i32
        %swap3A_326 = arith.index_cast %swap3A_325 : i32 to index
        %swap3A_327 = arith.index_cast %add3A_324 : i32 to index
        %swap3A_328 = tpu.vector_load %arg7[%swap3A_326, %swap3A_327] {strides = array<i32>} : memref<8x4096xf32, #tpu.memory_space<vmem>>, vector<1x16xf32>,
        %swap3A_329 = vector.shape_cast %swap3A_328 : vector<1x16xf32> to vector<16xf32>
        %swap3A_330 = vector.shape_cast %get3A_306 : vector<16xf32> to vector<1x16xf32>
        tpu.vector_store %arg7[%swap3A_326, %swap3A_327], %swap3A_330 {strides = array<i32>} : memref<8x4096xf32, #tpu.memory_space<vmem>>, vector<1x16xf32>,
        %add3A_331 = arith.constant 48 : i32
        %add3A_332 = arith.addi %mul3A_80, %add3A_331 : i32
        %swap3A_333 = arith.constant 3 : i32
        %swap3A_334 = arith.index_cast %swap3A_333 : i32 to index
        %swap3A_335 = arith.index_cast %add3A_332 : i32 to index
        %swap3A_336 = tpu.vector_load %arg7[%swap3A_334, %swap3A_335] {strides = array<i32>} : memref<8x4096xf32, #tpu.memory_space<vmem>>, vector<1x16xf32>,
        %swap3A_337 = vector.shape_cast %swap3A_336 : vector<1x16xf32> to vector<16xf32>
        %swap3A_338 = vector.shape_cast %get3A_306 : vector<16xf32> to vector<1x16xf32>
        tpu.vector_store %arg7[%swap3A_334, %swap3A_335], %swap3A_338 {strides = array<i32>} : memref<8x4096xf32, #tpu.memory_space<vmem>>, vector<1x16xf32>,
        %add3A_339 = arith.constant 64 : i32
        %add3A_340 = arith.addi %mul3A_80, %add3A_339 : i32
        %swap3A_341 = arith.constant 3 : i32
        %swap3A_342 = arith.index_cast %swap3A_341 : i32 to index
        %swap3A_343 = arith.index_cast %add3A_340 : i32 to index
        %swap3A_344 = tpu.vector_load %arg7[%swap3A_342, %swap3A_343] {strides = array<i32>} : memref<8x4096xf32, #tpu.memory_space<vmem>>, vector<1x16xf32>,
        %swap3A_345 = vector.shape_cast %swap3A_344 : vector<1x16xf32> to vector<16xf32>
        %swap3A_346 = vector.shape_cast %get3A_306 : vector<16xf32> to vector<1x16xf32>
        tpu.vector_store %arg7[%swap3A_342, %swap3A_343], %swap3A_346 {strides = array<i32>} : memref<8x4096xf32, #tpu.memory_space<vmem>>, vector<1x16xf32>,
        %add3A_347 = arith.constant 80 : i32
        %add3A_348 = arith.addi %mul3A_80, %add3A_347 : i32
        %swap3A_349 = arith.constant 3 : i32
        %swap3A_350 = arith.index_cast %swap3A_349 : i32 to index
        %swap3A_351 = arith.index_cast %add3A_348 : i32 to index
        %swap3A_352 = tpu.vector_load %arg7[%swap3A_350, %swap3A_351] {strides = array<i32>} : memref<8x4096xf32, #tpu.memory_space<vmem>>, vector<1x16xf32>,
        %swap3A_353 = vector.shape_cast %swap3A_352 : vector<1x16xf32> to vector<16xf32>
        %swap3A_354 = vector.shape_cast %get3A_306 : vector<16xf32> to vector<1x16xf32>
        tpu.vector_store %arg7[%swap3A_350, %swap3A_351], %swap3A_354 {strides = array<i32>} : memref<8x4096xf32, #tpu.memory_space<vmem>>, vector<1x16xf32>,
        %add3A_355 = arith.constant 96 : i32
        %add3A_356 = arith.addi %mul3A_80, %add3A_355 : i32
        %swap3A_357 = arith.constant 3 : i32
        %swap3A_358 = arith.index_cast %swap3A_357 : i32 to index
        %swap3A_359 = arith.index_cast %add3A_356 : i32 to index
        %swap3A_360 = tpu.vector_load %arg7[%swap3A_358, %swap3A_359] {strides = array<i32>} : memref<8x4096xf32, #tpu.memory_space<vmem>>, vector<1x16xf32>,
        %swap3A_361 = vector.shape_cast %swap3A_360 : vector<1x16xf32> to vector<16xf32>
        %swap3A_362 = vector.shape_cast %get3A_306 : vector<16xf32> to vector<1x16xf32>
        tpu.vector_store %arg7[%swap3A_358, %swap3A_359], %swap3A_362 {strides = array<i32>} : memref<8x4096xf32, #tpu.memory_space<vmem>>, vector<1x16xf32>,
        %add3A_363 = arith.constant 112 : i32
        %add3A_364 = arith.addi %mul3A_80, %add3A_363 : i32
        %swap3A_365 = arith.constant 3 : i32
        %swap3A_366 = arith.index_cast %swap3A_365 : i32 to index
        %swap3A_367 = arith.index_cast %add3A_364 : i32 to index
        %swap3A_368 = tpu.vector_load %arg7[%swap3A_366, %swap3A_367] {strides = array<i32>} : memref<8x4096xf32, #tpu.memory_space<vmem>>, vector<1x16xf32>,
        %swap3A_369 = vector.shape_cast %swap3A_368 : vector<1x16xf32> to vector<16xf32>
        %swap3A_370 = vector.shape_cast %get3A_306 : vector<16xf32> to vector<1x16xf32>
        tpu.vector_store %arg7[%swap3A_366, %swap3A_367], %swap3A_370 {strides = array<i32>} : memref<8x4096xf32, #tpu.memory_space<vmem>>, vector<1x16xf32>,
        %mul3A_371 = arith.constant 8 : i32
        %mul3A_372 = arith.muli %add3A_59, %mul3A_371 : i32
        %add3A_373 = arith.constant 4 : i32
        %add3A_374 = arith.addi %mul3A_372, %add3A_373 : i32
        %mul3A_375 = arith.constant 16 : i32
        %mul3A_376 = arith.muli %add3A_374, %mul3A_375 : i32
        %get3A_377 = arith.index_cast %mul3A_376 : i32 to index
        %get3A_378 = tpu.vector_load %arg5[%get3A_377] {strides = array<i32>} : memref<3328xf32, #tpu.memory_space<vmem>>, vector<16xf32>,
        %get3A_379 = vector.shape_cast %get3A_378 : vector<16xf32> to vector<16xf32>
        %add3A_380 = arith.constant 0 : i32
        %add3A_381 = arith.addi %mul3A_80, %add3A_380 : i32
        %swap3A_382 = arith.constant 4 : i32
        %swap3A_383 = arith.index_cast %swap3A_382 : i32 to index
        %swap3A_384 = arith.index_cast %add3A_381 : i32 to index
        %swap3A_385 = tpu.vector_load %arg7[%swap3A_383, %swap3A_384] {strides = array<i32>} : memref<8x4096xf32, #tpu.memory_space<vmem>>, vector<1x16xf32>,
        %swap3A_386 = vector.shape_cast %swap3A_385 : vector<1x16xf32> to vector<16xf32>
        %swap3A_387 = vector.shape_cast %get3A_379 : vector<16xf32> to vector<1x16xf32>
        tpu.vector_store %arg7[%swap3A_383, %swap3A_384], %swap3A_387 {strides = array<i32>} : memref<8x4096xf32, #tpu.memory_space<vmem>>, vector<1x16xf32>,
        %add3A_388 = arith.constant 16 : i32
        %add3A_389 = arith.addi %mul3A_80, %add3A_388 : i32
        %swap3A_390 = arith.constant 4 : i32
        %swap3A_391 = arith.index_cast %swap3A_390 : i32 to index
        %swap3A_392 = arith.index_cast %add3A_389 : i32 to index
        %swap3A_393 = tpu.vector_load %arg7[%swap3A_391, %swap3A_392] {strides = array<i32>} : memref<8x4096xf32, #tpu.memory_space<vmem>>, vector<1x16xf32>,
        %swap3A_394 = vector.shape_cast %swap3A_393 : vector<1x16xf32> to vector<16xf32>
        %swap3A_395 = vector.shape_cast %get3A_379 : vector<16xf32> to vector<1x16xf32>
        tpu.vector_store %arg7[%swap3A_391, %swap3A_392], %swap3A_395 {strides = array<i32>} : memref<8x4096xf32, #tpu.memory_space<vmem>>, vector<1x16xf32>,
        %add3A_396 = arith.constant 32 : i32
        %add3A_397 = arith.addi %mul3A_80, %add3A_396 : i32
        %swap3A_398 = arith.constant 4 : i32
        %swap3A_399 = arith.index_cast %swap3A_398 : i32 to index
        %swap3A_400 = arith.index_cast %add3A_397 : i32 to index
        %swap3A_401 = tpu.vector_load %arg7[%swap3A_399, %swap3A_400] {strides = array<i32>} : memref<8x4096xf32, #tpu.memory_space<vmem>>, vector<1x16xf32>,
        %swap3A_402 = vector.shape_cast %swap3A_401 : vector<1x16xf32> to vector<16xf32>
        %swap3A_403 = vector.shape_cast %get3A_379 : vector<16xf32> to vector<1x16xf32>
        tpu.vector_store %arg7[%swap3A_399, %swap3A_400], %swap3A_403 {strides = array<i32>} : memref<8x4096xf32, #tpu.memory_space<vmem>>, vector<1x16xf32>,
        %add3A_404 = arith.constant 48 : i32
        %add3A_405 = arith.addi %mul3A_80, %add3A_404 : i32
        %swap3A_406 = arith.constant 4 : i32
        %swap3A_407 = arith.index_cast %swap3A_406 : i32 to index
        %swap3A_408 = arith.index_cast %add3A_405 : i32 to index
        %swap3A_409 = tpu.vector_load %arg7[%swap3A_407, %swap3A_408] {strides = array<i32>} : memref<8x4096xf32, #tpu.memory_space<vmem>>, vector<1x16xf32>,
        %swap3A_410 = vector.shape_cast %swap3A_409 : vector<1x16xf32> to vector<16xf32>
        %swap3A_411 = vector.shape_cast %get3A_379 : vector<16xf32> to vector<1x16xf32>
        tpu.vector_store %arg7[%swap3A_407, %swap3A_408], %swap3A_411 {strides = array<i32>} : memref<8x4096xf32, #tpu.memory_space<vmem>>, vector<1x16xf32>,
        %add3A_412 = arith.constant 64 : i32
        %add3A_413 = arith.addi %mul3A_80, %add3A_412 : i32
        %swap3A_414 = arith.constant 4 : i32
        %swap3A_415 = arith.index_cast %swap3A_414 : i32 to index
        %swap3A_416 = arith.index_cast %add3A_413 : i32 to index
        %swap3A_417 = tpu.vector_load %arg7[%swap3A_415, %swap3A_416] {strides = array<i32>} : memref<8x4096xf32, #tpu.memory_space<vmem>>, vector<1x16xf32>,
        %swap3A_418 = vector.shape_cast %swap3A_417 : vector<1x16xf32> to vector<16xf32>
        %swap3A_419 = vector.shape_cast %get3A_379 : vector<16xf32> to vector<1x16xf32>
        tpu.vector_store %arg7[%swap3A_415, %swap3A_416], %swap3A_419 {strides = array<i32>} : memref<8x4096xf32, #tpu.memory_space<vmem>>, vector<1x16xf32>,
        %add3A_420 = arith.constant 80 : i32
        %add3A_421 = arith.addi %mul3A_80, %add3A_420 : i32
        %swap3A_422 = arith.constant 4 : i32
        %swap3A_423 = arith.index_cast %swap3A_422 : i32 to index
        %swap3A_424 = arith.index_cast %add3A_421 : i32 to index
        %swap3A_425 = tpu.vector_load %arg7[%swap3A_423, %swap3A_424] {strides = array<i32>} : memref<8x4096xf32, #tpu.memory_space<vmem>>, vector<1x16xf32>,
        %swap3A_426 = vector.shape_cast %swap3A_425 : vector<1x16xf32> to vector<16xf32>
        %swap3A_427 = vector.shape_cast %get3A_379 : vector<16xf32> to vector<1x16xf32>
        tpu.vector_store %arg7[%swap3A_423, %swap3A_424], %swap3A_427 {strides = array<i32>} : memref<8x4096xf32, #tpu.memory_space<vmem>>, vector<1x16xf32>,
        %add3A_428 = arith.constant 96 : i32
        %add3A_429 = arith.addi %mul3A_80, %add3A_428 : i32
        %swap3A_430 = arith.constant 4 : i32
        %swap3A_431 = arith.index_cast %swap3A_430 : i32 to index
        %swap3A_432 = arith.index_cast %add3A_429 : i32 to index
        %swap3A_433 = tpu.vector_load %arg7[%swap3A_431, %swap3A_432] {strides = array<i32>} : memref<8x4096xf32, #tpu.memory_space<vmem>>, vector<1x16xf32>,
        %swap3A_434 = vector.shape_cast %swap3A_433 : vector<1x16xf32> to vector<16xf32>
        %swap3A_435 = vector.shape_cast %get3A_379 : vector<16xf32> to vector<1x16xf32>
        tpu.vector_store %arg7[%swap3A_431, %swap3A_432], %swap3A_435 {strides = array<i32>} : memref<8x4096xf32, #tpu.memory_space<vmem>>, vector<1x16xf32>,
        %add3A_436 = arith.constant 112 : i32
        %add3A_437 = arith.addi %mul3A_80, %add3A_436 : i32
        %swap3A_438 = arith.constant 4 : i32
        %swap3A_439 = arith.index_cast %swap3A_438 : i32 to index
        %swap3A_440 = arith.index_cast %add3A_437 : i32 to index
        %swap3A_441 = tpu.vector_load %arg7[%swap3A_439, %swap3A_440] {strides = array<i32>} : memref<8x4096xf32, #tpu.memory_space<vmem>>, vector<1x16xf32>,
        %swap3A_442 = vector.shape_cast %swap3A_441 : vector<1x16xf32> to vector<16xf32>
        %swap3A_443 = vector.shape_cast %get3A_379 : vector<16xf32> to vector<1x16xf32>
        tpu.vector_store %arg7[%swap3A_439, %swap3A_440], %swap3A_443 {strides = array<i32>} : memref<8x4096xf32, #tpu.memory_space<vmem>>, vector<1x16xf32>,
        %mul3A_444 = arith.constant 8 : i32
        %mul3A_445 = arith.muli %add3A_59, %mul3A_444 : i32
        %add3A_446 = arith.constant 5 : i32
        %add3A_447 = arith.addi %mul3A_445, %add3A_446 : i32
        %mul3A_448 = arith.constant 16 : i32
        %mul3A_449 = arith.muli %add3A_447, %mul3A_448 : i32
        %get3A_450 = arith.index_cast %mul3A_449 : i32 to index
        %get3A_451 = tpu.vector_load %arg5[%get3A_450] {strides = array<i32>} : memref<3328xf32, #tpu.memory_space<vmem>>, vector<16xf32>,
        %get3A_452 = vector.shape_cast %get3A_451 : vector<16xf32> to vector<16xf32>
        %add3A_453 = arith.constant 0 : i32
        %add3A_454 = arith.addi %mul3A_80, %add3A_453 : i32
        %swap3A_455 = arith.constant 5 : i32
        %swap3A_456 = arith.index_cast %swap3A_455 : i32 to index
        %swap3A_457 = arith.index_cast %add3A_454 : i32 to index
        %swap3A_458 = tpu.vector_load %arg7[%swap3A_456, %swap3A_457] {strides = array<i32>} : memref<8x4096xf32, #tpu.memory_space<vmem>>, vector<1x16xf32>,
        %swap3A_459 = vector.shape_cast %swap3A_458 : vector<1x16xf32> to vector<16xf32>
        %swap3A_460 = vector.shape_cast %get3A_452 : vector<16xf32> to vector<1x16xf32>
        tpu.vector_store %arg7[%swap3A_456, %swap3A_457], %swap3A_460 {strides = array<i32>} : memref<8x4096xf32, #tpu.memory_space<vmem>>, vector<1x16xf32>,
        %add3A_461 = arith.constant 16 : i32
        %add3A_462 = arith.addi %mul3A_80, %add3A_461 : i32
        %swap3A_463 = arith.constant 5 : i32
        %swap3A_464 = arith.index_cast %swap3A_463 : i32 to index
        %swap3A_465 = arith.index_cast %add3A_462 : i32 to index
        %swap3A_466 = tpu.vector_load %arg7[%swap3A_464, %swap3A_465] {strides = array<i32>} : memref<8x4096xf32, #tpu.memory_space<vmem>>, vector<1x16xf32>,
        %swap3A_467 = vector.shape_cast %swap3A_466 : vector<1x16xf32> to vector<16xf32>
        %swap3A_468 = vector.shape_cast %get3A_452 : vector<16xf32> to vector<1x16xf32>
        tpu.vector_store %arg7[%swap3A_464, %swap3A_465], %swap3A_468 {strides = array<i32>} : memref<8x4096xf32, #tpu.memory_space<vmem>>, vector<1x16xf32>,
        %add3A_469 = arith.constant 32 : i32
        %add3A_470 = arith.addi %mul3A_80, %add3A_469 : i32
        %swap3A_471 = arith.constant 5 : i32
        %swap3A_472 = arith.index_cast %swap3A_471 : i32 to index
        %swap3A_473 = arith.index_cast %add3A_470 : i32 to index
        %swap3A_474 = tpu.vector_load %arg7[%swap3A_472, %swap3A_473] {strides = array<i32>} : memref<8x4096xf32, #tpu.memory_space<vmem>>, vector<1x16xf32>,
        %swap3A_475 = vector.shape_cast %swap3A_474 : vector<1x16xf32> to vector<16xf32>
        %swap3A_476 = vector.shape_cast %get3A_452 : vector<16xf32> to vector<1x16xf32>
        tpu.vector_store %arg7[%swap3A_472, %swap3A_473], %swap3A_476 {strides = array<i32>} : memref<8x4096xf32, #tpu.memory_space<vmem>>, vector<1x16xf32>,
        %add3A_477 = arith.constant 48 : i32
        %add3A_478 = arith.addi %mul3A_80, %add3A_477 : i32
        %swap3A_479 = arith.constant 5 : i32
        %swap3A_480 = arith.index_cast %swap3A_479 : i32 to index
        %swap3A_481 = arith.index_cast %add3A_478 : i32 to index
        %swap3A_482 = tpu.vector_load %arg7[%swap3A_480, %swap3A_481] {strides = array<i32>} : memref<8x4096xf32, #tpu.memory_space<vmem>>, vector<1x16xf32>,
        %swap3A_483 = vector.shape_cast %swap3A_482 : vector<1x16xf32> to vector<16xf32>
        %swap3A_484 = vector.shape_cast %get3A_452 : vector<16xf32> to vector<1x16xf32>
        tpu.vector_store %arg7[%swap3A_480, %swap3A_481], %swap3A_484 {strides = array<i32>} : memref<8x4096xf32, #tpu.memory_space<vmem>>, vector<1x16xf32>,
        %add3A_485 = arith.constant 64 : i32
        %add3A_486 = arith.addi %mul3A_80, %add3A_485 : i32
        %swap3A_487 = arith.constant 5 : i32
        %swap3A_488 = arith.index_cast %swap3A_487 : i32 to index
        %swap3A_489 = arith.index_cast %add3A_486 : i32 to index
        %swap3A_490 = tpu.vector_load %arg7[%swap3A_488, %swap3A_489] {strides = array<i32>} : memref<8x4096xf32, #tpu.memory_space<vmem>>, vector<1x16xf32>,
        %swap3A_491 = vector.shape_cast %swap3A_490 : vector<1x16xf32> to vector<16xf32>
        %swap3A_492 = vector.shape_cast %get3A_452 : vector<16xf32> to vector<1x16xf32>
        tpu.vector_store %arg7[%swap3A_488, %swap3A_489], %swap3A_492 {strides = array<i32>} : memref<8x4096xf32, #tpu.memory_space<vmem>>, vector<1x16xf32>,
        %add3A_493 = arith.constant 80 : i32
        %add3A_494 = arith.addi %mul3A_80, %add3A_493 : i32
        %swap3A_495 = arith.constant 5 : i32
        %swap3A_496 = arith.index_cast %swap3A_495 : i32 to index
        %swap3A_497 = arith.index_cast %add3A_494 : i32 to index
        %swap3A_498 = tpu.vector_load %arg7[%swap3A_496, %swap3A_497] {strides = array<i32>} : memref<8x4096xf32, #tpu.memory_space<vmem>>, vector<1x16xf32>,
        %swap3A_499 = vector.shape_cast %swap3A_498 : vector<1x16xf32> to vector<16xf32>
        %swap3A_500 = vector.shape_cast %get3A_452 : vector<16xf32> to vector<1x16xf32>
        tpu.vector_store %arg7[%swap3A_496, %swap3A_497], %swap3A_500 {strides = array<i32>} : memref<8x4096xf32, #tpu.memory_space<vmem>>, vector<1x16xf32>,
        %add3A_501 = arith.constant 96 : i32
        %add3A_502 = arith.addi %mul3A_80, %add3A_501 : i32
        %swap3A_503 = arith.constant 5 : i32
        %swap3A_504 = arith.index_cast %swap3A_503 : i32 to index
        %swap3A_505 = arith.index_cast %add3A_502 : i32 to index
        %swap3A_506 = tpu.vector_load %arg7[%swap3A_504, %swap3A_505] {strides = array<i32>} : memref<8x4096xf32, #tpu.memory_space<vmem>>, vector<1x16xf32>,
        %swap3A_507 = vector.shape_cast %swap3A_506 : vector<1x16xf32> to vector<16xf32>
        %swap3A_508 = vector.shape_cast %get3A_452 : vector<16xf32> to vector<1x16xf32>
        tpu.vector_store %arg7[%swap3A_504, %swap3A_505], %swap3A_508 {strides = array<i32>} : memref<8x4096xf32, #tpu.memory_space<vmem>>, vector<1x16xf32>,
        %add3A_509 = arith.constant 112 : i32
        %add3A_510 = arith.addi %mul3A_80, %add3A_509 : i32
        %swap3A_511 = arith.constant 5 : i32
        %swap3A_512 = arith.index_cast %swap3A_511 : i32 to index
        %swap3A_513 = arith.index_cast %add3A_510 : i32 to index
        %swap3A_514 = tpu.vector_load %arg7[%swap3A_512, %swap3A_513] {strides = array<i32>} : memref<8x4096xf32, #tpu.memory_space<vmem>>, vector<1x16xf32>,
        %swap3A_515 = vector.shape_cast %swap3A_514 : vector<1x16xf32> to vector<16xf32>
        %swap3A_516 = vector.shape_cast %get3A_452 : vector<16xf32> to vector<1x16xf32>
        tpu.vector_store %arg7[%swap3A_512, %swap3A_513], %swap3A_516 {strides = array<i32>} : memref<8x4096xf32, #tpu.memory_space<vmem>>, vector<1x16xf32>,
        %mul3A_517 = arith.constant 8 : i32
        %mul3A_518 = arith.muli %add3A_59, %mul3A_517 : i32
        %add3A_519 = arith.constant 6 : i32
        %add3A_520 = arith.addi %mul3A_518, %add3A_519 : i32
        %mul3A_521 = arith.constant 16 : i32
        %mul3A_522 = arith.muli %add3A_520, %mul3A_521 : i32
        %get3A_523 = arith.index_cast %mul3A_522 : i32 to index
        %get3A_524 = tpu.vector_load %arg5[%get3A_523] {strides = array<i32>} : memref<3328xf32, #tpu.memory_space<vmem>>, vector<16xf32>,
        %get3A_525 = vector.shape_cast %get3A_524 : vector<16xf32> to vector<16xf32>
        %add3A_526 = arith.constant 0 : i32
        %add3A_527 = arith.addi %mul3A_80, %add3A_526 : i32
        %swap3A_528 = arith.constant 6 : i32
        %swap3A_529 = arith.index_cast %swap3A_528 : i32 to index
        %swap3A_530 = arith.index_cast %add3A_527 : i32 to index
        %swap3A_531 = tpu.vector_load %arg7[%swap3A_529, %swap3A_530] {strides = array<i32>} : memref<8x4096xf32, #tpu.memory_space<vmem>>, vector<1x16xf32>,
        %swap3A_532 = vector.shape_cast %swap3A_531 : vector<1x16xf32> to vector<16xf32>
        %swap3A_533 = vector.shape_cast %get3A_525 : vector<16xf32> to vector<1x16xf32>
        tpu.vector_store %arg7[%swap3A_529, %swap3A_530], %swap3A_533 {strides = array<i32>} : memref<8x4096xf32, #tpu.memory_space<vmem>>, vector<1x16xf32>,
        %add3A_534 = arith.constant 16 : i32
        %add3A_535 = arith.addi %mul3A_80, %add3A_534 : i32
        %swap3A_536 = arith.constant 6 : i32
        %swap3A_537 = arith.index_cast %swap3A_536 : i32 to index
        %swap3A_538 = arith.index_cast %add3A_535 : i32 to index
        %swap3A_539 = tpu.vector_load %arg7[%swap3A_537, %swap3A_538] {strides = array<i32>} : memref<8x4096xf32, #tpu.memory_space<vmem>>, vector<1x16xf32>,
        %swap3A_540 = vector.shape_cast %swap3A_539 : vector<1x16xf32> to vector<16xf32>
        %swap3A_541 = vector.shape_cast %get3A_525 : vector<16xf32> to vector<1x16xf32>
        tpu.vector_store %arg7[%swap3A_537, %swap3A_538], %swap3A_541 {strides = array<i32>} : memref<8x4096xf32, #tpu.memory_space<vmem>>, vector<1x16xf32>,
        %add3A_542 = arith.constant 32 : i32
        %add3A_543 = arith.addi %mul3A_80, %add3A_542 : i32
        %swap3A_544 = arith.constant 6 : i32
        %swap3A_545 = arith.index_cast %swap3A_544 : i32 to index
        %swap3A_546 = arith.index_cast %add3A_543 : i32 to index
        %swap3A_547 = tpu.vector_load %arg7[%swap3A_545, %swap3A_546] {strides = array<i32>} : memref<8x4096xf32, #tpu.memory_space<vmem>>, vector<1x16xf32>,
        %swap3A_548 = vector.shape_cast %swap3A_547 : vector<1x16xf32> to vector<16xf32>
        %swap3A_549 = vector.shape_cast %get3A_525 : vector<16xf32> to vector<1x16xf32>
        tpu.vector_store %arg7[%swap3A_545, %swap3A_546], %swap3A_549 {strides = array<i32>} : memref<8x4096xf32, #tpu.memory_space<vmem>>, vector<1x16xf32>,
        %add3A_550 = arith.constant 48 : i32
        %add3A_551 = arith.addi %mul3A_80, %add3A_550 : i32
        %swap3A_552 = arith.constant 6 : i32
        %swap3A_553 = arith.index_cast %swap3A_552 : i32 to index
        %swap3A_554 = arith.index_cast %add3A_551 : i32 to index
        %swap3A_555 = tpu.vector_load %arg7[%swap3A_553, %swap3A_554] {strides = array<i32>} : memref<8x4096xf32, #tpu.memory_space<vmem>>, vector<1x16xf32>,
        %swap3A_556 = vector.shape_cast %swap3A_555 : vector<1x16xf32> to vector<16xf32>
        %swap3A_557 = vector.shape_cast %get3A_525 : vector<16xf32> to vector<1x16xf32>
        tpu.vector_store %arg7[%swap3A_553, %swap3A_554], %swap3A_557 {strides = array<i32>} : memref<8x4096xf32, #tpu.memory_space<vmem>>, vector<1x16xf32>,
        %add3A_558 = arith.constant 64 : i32
        %add3A_559 = arith.addi %mul3A_80, %add3A_558 : i32
        %swap3A_560 = arith.constant 6 : i32
        %swap3A_561 = arith.index_cast %swap3A_560 : i32 to index
        %swap3A_562 = arith.index_cast %add3A_559 : i32 to index
        %swap3A_563 = tpu.vector_load %arg7[%swap3A_561, %swap3A_562] {strides = array<i32>} : memref<8x4096xf32, #tpu.memory_space<vmem>>, vector<1x16xf32>,
        %swap3A_564 = vector.shape_cast %swap3A_563 : vector<1x16xf32> to vector<16xf32>
        %swap3A_565 = vector.shape_cast %get3A_525 : vector<16xf32> to vector<1x16xf32>
        tpu.vector_store %arg7[%swap3A_561, %swap3A_562], %swap3A_565 {strides = array<i32>} : memref<8x4096xf32, #tpu.memory_space<vmem>>, vector<1x16xf32>,
        %add3A_566 = arith.constant 80 : i32
        %add3A_567 = arith.addi %mul3A_80, %add3A_566 : i32
        %swap3A_568 = arith.constant 6 : i32
        %swap3A_569 = arith.index_cast %swap3A_568 : i32 to index
        %swap3A_570 = arith.index_cast %add3A_567 : i32 to index
        %swap3A_571 = tpu.vector_load %arg7[%swap3A_569, %swap3A_570] {strides = array<i32>} : memref<8x4096xf32, #tpu.memory_space<vmem>>, vector<1x16xf32>,
        %swap3A_572 = vector.shape_cast %swap3A_571 : vector<1x16xf32> to vector<16xf32>
        %swap3A_573 = vector.shape_cast %get3A_525 : vector<16xf32> to vector<1x16xf32>
        tpu.vector_store %arg7[%swap3A_569, %swap3A_570], %swap3A_573 {strides = array<i32>} : memref<8x4096xf32, #tpu.memory_space<vmem>>, vector<1x16xf32>,
        %add3A_574 = arith.constant 96 : i32
        %add3A_575 = arith.addi %mul3A_80, %add3A_574 : i32
        %swap3A_576 = arith.constant 6 : i32
        %swap3A_577 = arith.index_cast %swap3A_576 : i32 to index
        %swap3A_578 = arith.index_cast %add3A_575 : i32 to index
        %swap3A_579 = tpu.vector_load %arg7[%swap3A_577, %swap3A_578] {strides = array<i32>} : memref<8x4096xf32, #tpu.memory_space<vmem>>, vector<1x16xf32>,
        %swap3A_580 = vector.shape_cast %swap3A_579 : vector<1x16xf32> to vector<16xf32>
        %swap3A_581 = vector.shape_cast %get3A_525 : vector<16xf32> to vector<1x16xf32>
        tpu.vector_store %arg7[%swap3A_577, %swap3A_578], %swap3A_581 {strides = array<i32>} : memref<8x4096xf32, #tpu.memory_space<vmem>>, vector<1x16xf32>,
        %add3A_582 = arith.constant 112 : i32
        %add3A_583 = arith.addi %mul3A_80, %add3A_582 : i32
        %swap3A_584 = arith.constant 6 : i32
        %swap3A_585 = arith.index_cast %swap3A_584 : i32 to index
        %swap3A_586 = arith.index_cast %add3A_583 : i32 to index
        %swap3A_587 = tpu.vector_load %arg7[%swap3A_585, %swap3A_586] {strides = array<i32>} : memref<8x4096xf32, #tpu.memory_space<vmem>>, vector<1x16xf32>,
        %swap3A_588 = vector.shape_cast %swap3A_587 : vector<1x16xf32> to vector<16xf32>
        %swap3A_589 = vector.shape_cast %get3A_525 : vector<16xf32> to vector<1x16xf32>
        tpu.vector_store %arg7[%swap3A_585, %swap3A_586], %swap3A_589 {strides = array<i32>} : memref<8x4096xf32, #tpu.memory_space<vmem>>, vector<1x16xf32>,
        %mul3A_590 = arith.constant 8 : i32
        %mul3A_591 = arith.muli %add3A_59, %mul3A_590 : i32
        %add3A_592 = arith.constant 7 : i32
        %add3A_593 = arith.addi %mul3A_591, %add3A_592 : i32
        %mul3A_594 = arith.constant 16 : i32
        %mul3A_595 = arith.muli %add3A_593, %mul3A_594 : i32
        %get3A_596 = arith.index_cast %mul3A_595 : i32 to index
        %get3A_597 = tpu.vector_load %arg5[%get3A_596] {strides = array<i32>} : memref<3328xf32, #tpu.memory_space<vmem>>, vector<16xf32>,
        %get3A_598 = vector.shape_cast %get3A_597 : vector<16xf32> to vector<16xf32>
        %add3A_599 = arith.constant 0 : i32
        %add3A_600 = arith.addi %mul3A_80, %add3A_599 : i32
        %swap3A_601 = arith.constant 7 : i32
        %swap3A_602 = arith.index_cast %swap3A_601 : i32 to index
        %swap3A_603 = arith.index_cast %add3A_600 : i32 to index
        %swap3A_604 = tpu.vector_load %arg7[%swap3A_602, %swap3A_603] {strides = array<i32>} : memref<8x4096xf32, #tpu.memory_space<vmem>>, vector<1x16xf32>,
        %swap3A_605 = vector.shape_cast %swap3A_604 : vector<1x16xf32> to vector<16xf32>
        %swap3A_606 = vector.shape_cast %get3A_598 : vector<16xf32> to vector<1x16xf32>
        tpu.vector_store %arg7[%swap3A_602, %swap3A_603], %swap3A_606 {strides = array<i32>} : memref<8x4096xf32, #tpu.memory_space<vmem>>, vector<1x16xf32>,
        %add3A_607 = arith.constant 16 : i32
        %add3A_608 = arith.addi %mul3A_80, %add3A_607 : i32
        %swap3A_609 = arith.constant 7 : i32
        %swap3A_610 = arith.index_cast %swap3A_609 : i32 to index
        %swap3A_611 = arith.index_cast %add3A_608 : i32 to index
        %swap3A_612 = tpu.vector_load %arg7[%swap3A_610, %swap3A_611] {strides = array<i32>} : memref<8x4096xf32, #tpu.memory_space<vmem>>, vector<1x16xf32>,
        %swap3A_613 = vector.shape_cast %swap3A_612 : vector<1x16xf32> to vector<16xf32>
        %swap3A_614 = vector.shape_cast %get3A_598 : vector<16xf32> to vector<1x16xf32>
        tpu.vector_store %arg7[%swap3A_610, %swap3A_611], %swap3A_614 {strides = array<i32>} : memref<8x4096xf32, #tpu.memory_space<vmem>>, vector<1x16xf32>,
        %add3A_615 = arith.constant 32 : i32
        %add3A_616 = arith.addi %mul3A_80, %add3A_615 : i32
        %swap3A_617 = arith.constant 7 : i32
        %swap3A_618 = arith.index_cast %swap3A_617 : i32 to index
        %swap3A_619 = arith.index_cast %add3A_616 : i32 to index
        %swap3A_620 = tpu.vector_load %arg7[%swap3A_618, %swap3A_619] {strides = array<i32>} : memref<8x4096xf32, #tpu.memory_space<vmem>>, vector<1x16xf32>,
        %swap3A_621 = vector.shape_cast %swap3A_620 : vector<1x16xf32> to vector<16xf32>
        %swap3A_622 = vector.shape_cast %get3A_598 : vector<16xf32> to vector<1x16xf32>
        tpu.vector_store %arg7[%swap3A_618, %swap3A_619], %swap3A_622 {strides = array<i32>} : memref<8x4096xf32, #tpu.memory_space<vmem>>, vector<1x16xf32>,
        %add3A_623 = arith.constant 48 : i32
        %add3A_624 = arith.addi %mul3A_80, %add3A_623 : i32
        %swap3A_625 = arith.constant 7 : i32
        %swap3A_626 = arith.index_cast %swap3A_625 : i32 to index
        %swap3A_627 = arith.index_cast %add3A_624 : i32 to index
        %swap3A_628 = tpu.vector_load %arg7[%swap3A_626, %swap3A_627] {strides = array<i32>} : memref<8x4096xf32, #tpu.memory_space<vmem>>, vector<1x16xf32>,
        %swap3A_629 = vector.shape_cast %swap3A_628 : vector<1x16xf32> to vector<16xf32>
        %swap3A_630 = vector.shape_cast %get3A_598 : vector<16xf32> to vector<1x16xf32>
        tpu.vector_store %arg7[%swap3A_626, %swap3A_627], %swap3A_630 {strides = array<i32>} : memref<8x4096xf32, #tpu.memory_space<vmem>>, vector<1x16xf32>,
        %add3A_631 = arith.constant 64 : i32
        %add3A_632 = arith.addi %mul3A_80, %add3A_631 : i32
        %swap3A_633 = arith.constant 7 : i32
        %swap3A_634 = arith.index_cast %swap3A_633 : i32 to index
        %swap3A_635 = arith.index_cast %add3A_632 : i32 to index
        %swap3A_636 = tpu.vector_load %arg7[%swap3A_634, %swap3A_635] {strides = array<i32>} : memref<8x4096xf32, #tpu.memory_space<vmem>>, vector<1x16xf32>,
        %swap3A_637 = vector.shape_cast %swap3A_636 : vector<1x16xf32> to vector<16xf32>
        %swap3A_638 = vector.shape_cast %get3A_598 : vector<16xf32> to vector<1x16xf32>
        tpu.vector_store %arg7[%swap3A_634, %swap3A_635], %swap3A_638 {strides = array<i32>} : memref<8x4096xf32, #tpu.memory_space<vmem>>, vector<1x16xf32>,
        %add3A_639 = arith.constant 80 : i32
        %add3A_640 = arith.addi %mul3A_80, %add3A_639 : i32
        %swap3A_641 = arith.constant 7 : i32
        %swap3A_642 = arith.index_cast %swap3A_641 : i32 to index
        %swap3A_643 = arith.index_cast %add3A_640 : i32 to index
        %swap3A_644 = tpu.vector_load %arg7[%swap3A_642, %swap3A_643] {strides = array<i32>} : memref<8x4096xf32, #tpu.memory_space<vmem>>, vector<1x16xf32>,
        %swap3A_645 = vector.shape_cast %swap3A_644 : vector<1x16xf32> to vector<16xf32>
        %swap3A_646 = vector.shape_cast %get3A_598 : vector<16xf32> to vector<1x16xf32>
        tpu.vector_store %arg7[%swap3A_642, %swap3A_643], %swap3A_646 {strides = array<i32>} : memref<8x4096xf32, #tpu.memory_space<vmem>>, vector<1x16xf32>,
        %add3A_647 = arith.constant 96 : i32
        %add3A_648 = arith.addi %mul3A_80, %add3A_647 : i32
        %swap3A_649 = arith.constant 7 : i32
        %swap3A_650 = arith.index_cast %swap3A_649 : i32 to index
        %swap3A_651 = arith.index_cast %add3A_648 : i32 to index
        %swap3A_652 = tpu.vector_load %arg7[%swap3A_650, %swap3A_651] {strides = array<i32>} : memref<8x4096xf32, #tpu.memory_space<vmem>>, vector<1x16xf32>,
        %swap3A_653 = vector.shape_cast %swap3A_652 : vector<1x16xf32> to vector<16xf32>
        %swap3A_654 = vector.shape_cast %get3A_598 : vector<16xf32> to vector<1x16xf32>
        tpu.vector_store %arg7[%swap3A_650, %swap3A_651], %swap3A_654 {strides = array<i32>} : memref<8x4096xf32, #tpu.memory_space<vmem>>, vector<1x16xf32>,
        %add3A_655 = arith.constant 112 : i32
        %add3A_656 = arith.addi %mul3A_80, %add3A_655 : i32
        %swap3A_657 = arith.constant 7 : i32
        %swap3A_658 = arith.index_cast %swap3A_657 : i32 to index
        %swap3A_659 = arith.index_cast %add3A_656 : i32 to index
        %swap3A_660 = tpu.vector_load %arg7[%swap3A_658, %swap3A_659] {strides = array<i32>} : memref<8x4096xf32, #tpu.memory_space<vmem>>, vector<1x16xf32>,
        %swap3A_661 = vector.shape_cast %swap3A_660 : vector<1x16xf32> to vector<16xf32>
        %swap3A_662 = vector.shape_cast %get3A_598 : vector<16xf32> to vector<1x16xf32>
        tpu.vector_store %arg7[%swap3A_658, %swap3A_659], %swap3A_662 {strides = array<i32>} : memref<8x4096xf32, #tpu.memory_space<vmem>>, vector<1x16xf32>,
      }
      %scan3A_70 = arith.constant 32 : i32
      %mul3A_71 = arith.constant 8 : i32
      %mul3A_72 = arith.muli %add3A_59, %mul3A_71 : i32
      %add3A_73 = arith.addi %mul3A_2, %mul3A_72 : i32
      %dma_start3A_74 = arith.constant 0 : i32
      %dma_start3A_75 = tpu.memref_slice %arg3[%add3A_73, %dma_start3A_74] : memref<6400x4096xf32, #tpu.memory_space<hbm>> -> memref<8x4096xf32, #tpu.memory_space<hbm>>
      %dma_start3A_76 = arith.constant 0 : i32
      %dma_start3A_77 = tpu.memref_slice %arg3[%add3A_73, %dma_start3A_76] : memref<6400x4096xf32, #tpu.memory_space<hbm>> -> memref<8x4096xf32, #tpu.memory_space<hbm>>
      tpu.enqueue_dma source(%arg7 : memref<8x4096xf32, #tpu.memory_space<vmem>>) target(%dma_start3A_77 : memref<8x4096xf32, #tpu.memory_space<hbm>>) target_semaphore(%arg9 : memref<!tpu.dma_semaphore, #tpu.memory_space<semaphore_mem>>)
    }
    %scan3A_13 = arith.constant 12 : i32
    %dma_wait3A = arith.constant 0 : i32
    %dma_wait3A_14 = tpu.memref_slice %arg3[%mul3A_2, %dma_wait3A] : memref<6400x4096xf32, #tpu.memory_space<hbm>> -> memref<8x4096xf32, #tpu.memory_space<hbm>>
    %dma_wait3A_15 = arith.constant 0 : i32
    %dma_wait3A_16 = tpu.memref_slice %arg3[%mul3A_2, %dma_wait3A_15] : memref<6400x4096xf32, #tpu.memory_space<hbm>> -> memref<8x4096xf32, #tpu.memory_space<hbm>>
    tpu.wait_dma2 semaphore(%arg8 : memref<!tpu.dma_semaphore, #tpu.memory_space<semaphore_mem>>) src(%arg6 : memref<8x4096xf32, #tpu.memory_space<vmem>>) dst(%dma_wait3A_16 : memref<8x4096xf32, #tpu.memory_space<hbm>>)
    %scan3A_17 = arith.constant 0 : i32
    %scan3A_18 = arith.constant 0 : i32
    %scan3A_19 = arith.constant 32 : i32
    %scan3A_20 = arith.addi %scan3A_18, %scan3A_19 : i32
    %scan3A_21 = arith.constant 1 : i32
    scf.for %scan3A_36 = %scan3A_18 to %scan3A_20 step %scan3A_21  : i32 {
      %mul3A_37 = arith.constant 128 : i32
      %mul3A_38 = arith.muli %scan3A_36, %mul3A_37 : i32
      %get3A = arith.constant 3072 : index
      %get3A_39 = tpu.vector_load %arg5[%get3A] {strides = array<i32>} : memref<3328xf32, #tpu.memory_space<vmem>>, vector<16xf32>,
      %get3A_40 = vector.shape_cast %get3A_39 : vector<16xf32> to vector<16xf32>
      %add3A_41 = arith.constant 0 : i32
      %add3A_42 = arith.addi %mul3A_38, %add3A_41 : i32
      %swap3A = arith.constant 0 : i32
      %swap3A_43 = arith.index_cast %swap3A : i32 to index
      %swap3A_44 = arith.index_cast %add3A_42 : i32 to index
      %swap3A_45 = tpu.vector_load %arg6[%swap3A_43, %swap3A_44] {strides = array<i32>} : memref<8x4096xf32, #tpu.memory_space<vmem>>, vector<1x16xf32>,
      %swap3A_46 = vector.shape_cast %swap3A_45 : vector<1x16xf32> to vector<16xf32>
      %swap3A_47 = vector.shape_cast %get3A_40 : vector<16xf32> to vector<1x16xf32>
      tpu.vector_store %arg6[%swap3A_43, %swap3A_44], %swap3A_47 {strides = array<i32>} : memref<8x4096xf32, #tpu.memory_space<vmem>>, vector<1x16xf32>,
      %add3A_48 = arith.constant 16 : i32
      %add3A_49 = arith.addi %mul3A_38, %add3A_48 : i32
      %swap3A_50 = arith.constant 0 : i32
      %swap3A_51 = arith.index_cast %swap3A_50 : i32 to index
      %swap3A_52 = arith.index_cast %add3A_49 : i32 to index
      %swap3A_53 = tpu.vector_load %arg6[%swap3A_51, %swap3A_52] {strides = array<i32>} : memref<8x4096xf32, #tpu.memory_space<vmem>>, vector<1x16xf32>,
      %swap3A_54 = vector.shape_cast %swap3A_53 : vector<1x16xf32> to vector<16xf32>
      %swap3A_55 = vector.shape_cast %get3A_40 : vector<16xf32> to vector<1x16xf32>
      tpu.vector_store %arg6[%swap3A_51, %swap3A_52], %swap3A_55 {strides = array<i32>} : memref<8x4096xf32, #tpu.memory_space<vmem>>, vector<1x16xf32>,
      %add3A_56 = arith.constant 32 : i32
      %add3A_57 = arith.addi %mul3A_38, %add3A_56 : i32
      %swap3A_58 = arith.constant 0 : i32
      %swap3A_59 = arith.index_cast %swap3A_58 : i32 to index
      %swap3A_60 = arith.index_cast %add3A_57 : i32 to index
      %swap3A_61 = tpu.vector_load %arg6[%swap3A_59, %swap3A_60] {strides = array<i32>} : memref<8x4096xf32, #tpu.memory_space<vmem>>, vector<1x16xf32>,
      %swap3A_62 = vector.shape_cast %swap3A_61 : vector<1x16xf32> to vector<16xf32>
      %swap3A_63 = vector.shape_cast %get3A_40 : vector<16xf32> to vector<1x16xf32>
      tpu.vector_store %arg6[%swap3A_59, %swap3A_60], %swap3A_63 {strides = array<i32>} : memref<8x4096xf32, #tpu.memory_space<vmem>>, vector<1x16xf32>,
      %add3A_64 = arith.constant 48 : i32
      %add3A_65 = arith.addi %mul3A_38, %add3A_64 : i32
      %swap3A_66 = arith.constant 0 : i32
      %swap3A_67 = arith.index_cast %swap3A_66 : i32 to index
      %swap3A_68 = arith.index_cast %add3A_65 : i32 to index
      %swap3A_69 = tpu.vector_load %arg6[%swap3A_67, %swap3A_68] {strides = array<i32>} : memref<8x4096xf32, #tpu.memory_space<vmem>>, vector<1x16xf32>,
      %swap3A_70 = vector.shape_cast %swap3A_69 : vector<1x16xf32> to vector<16xf32>
      %swap3A_71 = vector.shape_cast %get3A_40 : vector<16xf32> to vector<1x16xf32>
      tpu.vector_store %arg6[%swap3A_67, %swap3A_68], %swap3A_71 {strides = array<i32>} : memref<8x4096xf32, #tpu.memory_space<vmem>>, vector<1x16xf32>,
      %add3A_72 = arith.constant 64 : i32
      %add3A_73 = arith.addi %mul3A_38, %add3A_72 : i32
      %swap3A_74 = arith.constant 0 : i32
      %swap3A_75 = arith.index_cast %swap3A_74 : i32 to index
      %swap3A_76 = arith.index_cast %add3A_73 : i32 to index
      %swap3A_77 = tpu.vector_load %arg6[%swap3A_75, %swap3A_76] {strides = array<i32>} : memref<8x4096xf32, #tpu.memory_space<vmem>>, vector<1x16xf32>,
      %swap3A_78 = vector.shape_cast %swap3A_77 : vector<1x16xf32> to vector<16xf32>
      %swap3A_79 = vector.shape_cast %get3A_40 : vector<16xf32> to vector<1x16xf32>
      tpu.vector_store %arg6[%swap3A_75, %swap3A_76], %swap3A_79 {strides = array<i32>} : memref<8x4096xf32, #tpu.memory_space<vmem>>, vector<1x16xf32>,
      %add3A_80 = arith.constant 80 : i32
      %add3A_81 = arith.addi %mul3A_38, %add3A_80 : i32
      %swap3A_82 = arith.constant 0 : i32
      %swap3A_83 = arith.index_cast %swap3A_82 : i32 to index
      %swap3A_84 = arith.index_cast %add3A_81 : i32 to index
      %swap3A_85 = tpu.vector_load %arg6[%swap3A_83, %swap3A_84] {strides = array<i32>} : memref<8x4096xf32, #tpu.memory_space<vmem>>, vector<1x16xf32>,
      %swap3A_86 = vector.shape_cast %swap3A_85 : vector<1x16xf32> to vector<16xf32>
      %swap3A_87 = vector.shape_cast %get3A_40 : vector<16xf32> to vector<1x16xf32>
      tpu.vector_store %arg6[%swap3A_83, %swap3A_84], %swap3A_87 {strides = array<i32>} : memref<8x4096xf32, #tpu.memory_space<vmem>>, vector<1x16xf32>,
      %add3A_88 = arith.constant 96 : i32
      %add3A_89 = arith.addi %mul3A_38, %add3A_88 : i32
      %swap3A_90 = arith.constant 0 : i32
      %swap3A_91 = arith.index_cast %swap3A_90 : i32 to index
      %swap3A_92 = arith.index_cast %add3A_89 : i32 to index
      %swap3A_93 = tpu.vector_load %arg6[%swap3A_91, %swap3A_92] {strides = array<i32>} : memref<8x4096xf32, #tpu.memory_space<vmem>>, vector<1x16xf32>,
      %swap3A_94 = vector.shape_cast %swap3A_93 : vector<1x16xf32> to vector<16xf32>
      %swap3A_95 = vector.shape_cast %get3A_40 : vector<16xf32> to vector<1x16xf32>
      tpu.vector_store %arg6[%swap3A_91, %swap3A_92], %swap3A_95 {strides = array<i32>} : memref<8x4096xf32, #tpu.memory_space<vmem>>, vector<1x16xf32>,
      %add3A_96 = arith.constant 112 : i32
      %add3A_97 = arith.addi %mul3A_38, %add3A_96 : i32
      %swap3A_98 = arith.constant 0 : i32
      %swap3A_99 = arith.index_cast %swap3A_98 : i32 to index
      %swap3A_100 = arith.index_cast %add3A_97 : i32 to index
      %swap3A_101 = tpu.vector_load %arg6[%swap3A_99, %swap3A_100] {strides = array<i32>} : memref<8x4096xf32, #tpu.memory_space<vmem>>, vector<1x16xf32>,
      %swap3A_102 = vector.shape_cast %swap3A_101 : vector<1x16xf32> to vector<16xf32>
      %swap3A_103 = vector.shape_cast %get3A_40 : vector<16xf32> to vector<1x16xf32>
      tpu.vector_store %arg6[%swap3A_99, %swap3A_100], %swap3A_103 {strides = array<i32>} : memref<8x4096xf32, #tpu.memory_space<vmem>>, vector<1x16xf32>,
      %get3A_104 = arith.constant 3088 : index
      %get3A_105 = tpu.vector_load %arg5[%get3A_104] {strides = array<i32>} : memref<3328xf32, #tpu.memory_space<vmem>>, vector<16xf32>,
      %get3A_106 = vector.shape_cast %get3A_105 : vector<16xf32> to vector<16xf32>
      %add3A_107 = arith.constant 0 : i32
      %add3A_108 = arith.addi %mul3A_38, %add3A_107 : i32
      %swap3A_109 = arith.constant 1 : i32
      %swap3A_110 = arith.index_cast %swap3A_109 : i32 to index
      %swap3A_111 = arith.index_cast %add3A_108 : i32 to index
      %swap3A_112 = tpu.vector_load %arg6[%swap3A_110, %swap3A_111] {strides = array<i32>} : memref<8x4096xf32, #tpu.memory_space<vmem>>, vector<1x16xf32>,
      %swap3A_113 = vector.shape_cast %swap3A_112 : vector<1x16xf32> to vector<16xf32>
      %swap3A_114 = vector.shape_cast %get3A_106 : vector<16xf32> to vector<1x16xf32>
      tpu.vector_store %arg6[%swap3A_110, %swap3A_111], %swap3A_114 {strides = array<i32>} : memref<8x4096xf32, #tpu.memory_space<vmem>>, vector<1x16xf32>,
      %add3A_115 = arith.constant 16 : i32
      %add3A_116 = arith.addi %mul3A_38, %add3A_115 : i32
      %swap3A_117 = arith.constant 1 : i32
      %swap3A_118 = arith.index_cast %swap3A_117 : i32 to index
      %swap3A_119 = arith.index_cast %add3A_116 : i32 to index
      %swap3A_120 = tpu.vector_load %arg6[%swap3A_118, %swap3A_119] {strides = array<i32>} : memref<8x4096xf32, #tpu.memory_space<vmem>>, vector<1x16xf32>,
      %swap3A_121 = vector.shape_cast %swap3A_120 : vector<1x16xf32> to vector<16xf32>
      %swap3A_122 = vector.shape_cast %get3A_106 : vector<16xf32> to vector<1x16xf32>
      tpu.vector_store %arg6[%swap3A_118, %swap3A_119], %swap3A_122 {strides = array<i32>} : memref<8x4096xf32, #tpu.memory_space<vmem>>, vector<1x16xf32>,
      %add3A_123 = arith.constant 32 : i32
      %add3A_124 = arith.addi %mul3A_38, %add3A_123 : i32
      %swap3A_125 = arith.constant 1 : i32
      %swap3A_126 = arith.index_cast %swap3A_125 : i32 to index
      %swap3A_127 = arith.index_cast %add3A_124 : i32 to index
      %swap3A_128 = tpu.vector_load %arg6[%swap3A_126, %swap3A_127] {strides = array<i32>} : memref<8x4096xf32, #tpu.memory_space<vmem>>, vector<1x16xf32>,
      %swap3A_129 = vector.shape_cast %swap3A_128 : vector<1x16xf32> to vector<16xf32>
      %swap3A_130 = vector.shape_cast %get3A_106 : vector<16xf32> to vector<1x16xf32>
      tpu.vector_store %arg6[%swap3A_126, %swap3A_127], %swap3A_130 {strides = array<i32>} : memref<8x4096xf32, #tpu.memory_space<vmem>>, vector<1x16xf32>,
      %add3A_131 = arith.constant 48 : i32
      %add3A_132 = arith.addi %mul3A_38, %add3A_131 : i32
      %swap3A_133 = arith.constant 1 : i32
      %swap3A_134 = arith.index_cast %swap3A_133 : i32 to index
      %swap3A_135 = arith.index_cast %add3A_132 : i32 to index
      %swap3A_136 = tpu.vector_load %arg6[%swap3A_134, %swap3A_135] {strides = array<i32>} : memref<8x4096xf32, #tpu.memory_space<vmem>>, vector<1x16xf32>,
      %swap3A_137 = vector.shape_cast %swap3A_136 : vector<1x16xf32> to vector<16xf32>
      %swap3A_138 = vector.shape_cast %get3A_106 : vector<16xf32> to vector<1x16xf32>
      tpu.vector_store %arg6[%swap3A_134, %swap3A_135], %swap3A_138 {strides = array<i32>} : memref<8x4096xf32, #tpu.memory_space<vmem>>, vector<1x16xf32>,
      %add3A_139 = arith.constant 64 : i32
      %add3A_140 = arith.addi %mul3A_38, %add3A_139 : i32
      %swap3A_141 = arith.constant 1 : i32
      %swap3A_142 = arith.index_cast %swap3A_141 : i32 to index
      %swap3A_143 = arith.index_cast %add3A_140 : i32 to index
      %swap3A_144 = tpu.vector_load %arg6[%swap3A_142, %swap3A_143] {strides = array<i32>} : memref<8x4096xf32, #tpu.memory_space<vmem>>, vector<1x16xf32>,
      %swap3A_145 = vector.shape_cast %swap3A_144 : vector<1x16xf32> to vector<16xf32>
      %swap3A_146 = vector.shape_cast %get3A_106 : vector<16xf32> to vector<1x16xf32>
      tpu.vector_store %arg6[%swap3A_142, %swap3A_143], %swap3A_146 {strides = array<i32>} : memref<8x4096xf32, #tpu.memory_space<vmem>>, vector<1x16xf32>,
      %add3A_147 = arith.constant 80 : i32
      %add3A_148 = arith.addi %mul3A_38, %add3A_147 : i32
      %swap3A_149 = arith.constant 1 : i32
      %swap3A_150 = arith.index_cast %swap3A_149 : i32 to index
      %swap3A_151 = arith.index_cast %add3A_148 : i32 to index
      %swap3A_152 = tpu.vector_load %arg6[%swap3A_150, %swap3A_151] {strides = array<i32>} : memref<8x4096xf32, #tpu.memory_space<vmem>>, vector<1x16xf32>,
      %swap3A_153 = vector.shape_cast %swap3A_152 : vector<1x16xf32> to vector<16xf32>
      %swap3A_154 = vector.shape_cast %get3A_106 : vector<16xf32> to vector<1x16xf32>
      tpu.vector_store %arg6[%swap3A_150, %swap3A_151], %swap3A_154 {strides = array<i32>} : memref<8x4096xf32, #tpu.memory_space<vmem>>, vector<1x16xf32>,
      %add3A_155 = arith.constant 96 : i32
      %add3A_156 = arith.addi %mul3A_38, %add3A_155 : i32
      %swap3A_157 = arith.constant 1 : i32
      %swap3A_158 = arith.index_cast %swap3A_157 : i32 to index
      %swap3A_159 = arith.index_cast %add3A_156 : i32 to index
      %swap3A_160 = tpu.vector_load %arg6[%swap3A_158, %swap3A_159] {strides = array<i32>} : memref<8x4096xf32, #tpu.memory_space<vmem>>, vector<1x16xf32>,
      %swap3A_161 = vector.shape_cast %swap3A_160 : vector<1x16xf32> to vector<16xf32>
      %swap3A_162 = vector.shape_cast %get3A_106 : vector<16xf32> to vector<1x16xf32>
      tpu.vector_store %arg6[%swap3A_158, %swap3A_159], %swap3A_162 {strides = array<i32>} : memref<8x4096xf32, #tpu.memory_space<vmem>>, vector<1x16xf32>,
      %add3A_163 = arith.constant 112 : i32
      %add3A_164 = arith.addi %mul3A_38, %add3A_163 : i32
      %swap3A_165 = arith.constant 1 : i32
      %swap3A_166 = arith.index_cast %swap3A_165 : i32 to index
      %swap3A_167 = arith.index_cast %add3A_164 : i32 to index
      %swap3A_168 = tpu.vector_load %arg6[%swap3A_166, %swap3A_167] {strides = array<i32>} : memref<8x4096xf32, #tpu.memory_space<vmem>>, vector<1x16xf32>,
      %swap3A_169 = vector.shape_cast %swap3A_168 : vector<1x16xf32> to vector<16xf32>
      %swap3A_170 = vector.shape_cast %get3A_106 : vector<16xf32> to vector<1x16xf32>
      tpu.vector_store %arg6[%swap3A_166, %swap3A_167], %swap3A_170 {strides = array<i32>} : memref<8x4096xf32, #tpu.memory_space<vmem>>, vector<1x16xf32>,
      %get3A_171 = arith.constant 3104 : index
      %get3A_172 = tpu.vector_load %arg5[%get3A_171] {strides = array<i32>} : memref<3328xf32, #tpu.memory_space<vmem>>, vector<16xf32>,
      %get3A_173 = vector.shape_cast %get3A_172 : vector<16xf32> to vector<16xf32>
      %add3A_174 = arith.constant 0 : i32
      %add3A_175 = arith.addi %mul3A_38, %add3A_174 : i32
      %swap3A_176 = arith.constant 2 : i32
      %swap3A_177 = arith.index_cast %swap3A_176 : i32 to index
      %swap3A_178 = arith.index_cast %add3A_175 : i32 to index
      %swap3A_179 = tpu.vector_load %arg6[%swap3A_177, %swap3A_178] {strides = array<i32>} : memref<8x4096xf32, #tpu.memory_space<vmem>>, vector<1x16xf32>,
      %swap3A_180 = vector.shape_cast %swap3A_179 : vector<1x16xf32> to vector<16xf32>
      %swap3A_181 = vector.shape_cast %get3A_173 : vector<16xf32> to vector<1x16xf32>
      tpu.vector_store %arg6[%swap3A_177, %swap3A_178], %swap3A_181 {strides = array<i32>} : memref<8x4096xf32, #tpu.memory_space<vmem>>, vector<1x16xf32>,
      %add3A_182 = arith.constant 16 : i32
      %add3A_183 = arith.addi %mul3A_38, %add3A_182 : i32
      %swap3A_184 = arith.constant 2 : i32
      %swap3A_185 = arith.index_cast %swap3A_184 : i32 to index
      %swap3A_186 = arith.index_cast %add3A_183 : i32 to index
      %swap3A_187 = tpu.vector_load %arg6[%swap3A_185, %swap3A_186] {strides = array<i32>} : memref<8x4096xf32, #tpu.memory_space<vmem>>, vector<1x16xf32>,
      %swap3A_188 = vector.shape_cast %swap3A_187 : vector<1x16xf32> to vector<16xf32>
      %swap3A_189 = vector.shape_cast %get3A_173 : vector<16xf32> to vector<1x16xf32>
      tpu.vector_store %arg6[%swap3A_185, %swap3A_186], %swap3A_189 {strides = array<i32>} : memref<8x4096xf32, #tpu.memory_space<vmem>>, vector<1x16xf32>,
      %add3A_190 = arith.constant 32 : i32
      %add3A_191 = arith.addi %mul3A_38, %add3A_190 : i32
      %swap3A_192 = arith.constant 2 : i32
      %swap3A_193 = arith.index_cast %swap3A_192 : i32 to index
      %swap3A_194 = arith.index_cast %add3A_191 : i32 to index
      %swap3A_195 = tpu.vector_load %arg6[%swap3A_193, %swap3A_194] {strides = array<i32>} : memref<8x4096xf32, #tpu.memory_space<vmem>>, vector<1x16xf32>,
      %swap3A_196 = vector.shape_cast %swap3A_195 : vector<1x16xf32> to vector<16xf32>
      %swap3A_197 = vector.shape_cast %get3A_173 : vector<16xf32> to vector<1x16xf32>
      tpu.vector_store %arg6[%swap3A_193, %swap3A_194], %swap3A_197 {strides = array<i32>} : memref<8x4096xf32, #tpu.memory_space<vmem>>, vector<1x16xf32>,
      %add3A_198 = arith.constant 48 : i32
      %add3A_199 = arith.addi %mul3A_38, %add3A_198 : i32
      %swap3A_200 = arith.constant 2 : i32
      %swap3A_201 = arith.index_cast %swap3A_200 : i32 to index
      %swap3A_202 = arith.index_cast %add3A_199 : i32 to index
      %swap3A_203 = tpu.vector_load %arg6[%swap3A_201, %swap3A_202] {strides = array<i32>} : memref<8x4096xf32, #tpu.memory_space<vmem>>, vector<1x16xf32>,
      %swap3A_204 = vector.shape_cast %swap3A_203 : vector<1x16xf32> to vector<16xf32>
      %swap3A_205 = vector.shape_cast %get3A_173 : vector<16xf32> to vector<1x16xf32>
      tpu.vector_store %arg6[%swap3A_201, %swap3A_202], %swap3A_205 {strides = array<i32>} : memref<8x4096xf32, #tpu.memory_space<vmem>>, vector<1x16xf32>,
      %add3A_206 = arith.constant 64 : i32
      %add3A_207 = arith.addi %mul3A_38, %add3A_206 : i32
      %swap3A_208 = arith.constant 2 : i32
      %swap3A_209 = arith.index_cast %swap3A_208 : i32 to index
      %swap3A_210 = arith.index_cast %add3A_207 : i32 to index
      %swap3A_211 = tpu.vector_load %arg6[%swap3A_209, %swap3A_210] {strides = array<i32>} : memref<8x4096xf32, #tpu.memory_space<vmem>>, vector<1x16xf32>,
      %swap3A_212 = vector.shape_cast %swap3A_211 : vector<1x16xf32> to vector<16xf32>
      %swap3A_213 = vector.shape_cast %get3A_173 : vector<16xf32> to vector<1x16xf32>
      tpu.vector_store %arg6[%swap3A_209, %swap3A_210], %swap3A_213 {strides = array<i32>} : memref<8x4096xf32, #tpu.memory_space<vmem>>, vector<1x16xf32>,
      %add3A_214 = arith.constant 80 : i32
      %add3A_215 = arith.addi %mul3A_38, %add3A_214 : i32
      %swap3A_216 = arith.constant 2 : i32
      %swap3A_217 = arith.index_cast %swap3A_216 : i32 to index
      %swap3A_218 = arith.index_cast %add3A_215 : i32 to index
      %swap3A_219 = tpu.vector_load %arg6[%swap3A_217, %swap3A_218] {strides = array<i32>} : memref<8x4096xf32, #tpu.memory_space<vmem>>, vector<1x16xf32>,
      %swap3A_220 = vector.shape_cast %swap3A_219 : vector<1x16xf32> to vector<16xf32>
      %swap3A_221 = vector.shape_cast %get3A_173 : vector<16xf32> to vector<1x16xf32>
      tpu.vector_store %arg6[%swap3A_217, %swap3A_218], %swap3A_221 {strides = array<i32>} : memref<8x4096xf32, #tpu.memory_space<vmem>>, vector<1x16xf32>,
      %add3A_222 = arith.constant 96 : i32
      %add3A_223 = arith.addi %mul3A_38, %add3A_222 : i32
      %swap3A_224 = arith.constant 2 : i32
      %swap3A_225 = arith.index_cast %swap3A_224 : i32 to index
      %swap3A_226 = arith.index_cast %add3A_223 : i32 to index
      %swap3A_227 = tpu.vector_load %arg6[%swap3A_225, %swap3A_226] {strides = array<i32>} : memref<8x4096xf32, #tpu.memory_space<vmem>>, vector<1x16xf32>,
      %swap3A_228 = vector.shape_cast %swap3A_227 : vector<1x16xf32> to vector<16xf32>
      %swap3A_229 = vector.shape_cast %get3A_173 : vector<16xf32> to vector<1x16xf32>
      tpu.vector_store %arg6[%swap3A_225, %swap3A_226], %swap3A_229 {strides = array<i32>} : memref<8x4096xf32, #tpu.memory_space<vmem>>, vector<1x16xf32>,
      %add3A_230 = arith.constant 112 : i32
      %add3A_231 = arith.addi %mul3A_38, %add3A_230 : i32
      %swap3A_232 = arith.constant 2 : i32
      %swap3A_233 = arith.index_cast %swap3A_232 : i32 to index
      %swap3A_234 = arith.index_cast %add3A_231 : i32 to index
      %swap3A_235 = tpu.vector_load %arg6[%swap3A_233, %swap3A_234] {strides = array<i32>} : memref<8x4096xf32, #tpu.memory_space<vmem>>, vector<1x16xf32>,
      %swap3A_236 = vector.shape_cast %swap3A_235 : vector<1x16xf32> to vector<16xf32>
      %swap3A_237 = vector.shape_cast %get3A_173 : vector<16xf32> to vector<1x16xf32>
      tpu.vector_store %arg6[%swap3A_233, %swap3A_234], %swap3A_237 {strides = array<i32>} : memref<8x4096xf32, #tpu.memory_space<vmem>>, vector<1x16xf32>,
      %get3A_238 = arith.constant 3120 : index
      %get3A_239 = tpu.vector_load %arg5[%get3A_238] {strides = array<i32>} : memref<3328xf32, #tpu.memory_space<vmem>>, vector<16xf32>,
      %get3A_240 = vector.shape_cast %get3A_239 : vector<16xf32> to vector<16xf32>
      %add3A_241 = arith.constant 0 : i32
      %add3A_242 = arith.addi %mul3A_38, %add3A_241 : i32
      %swap3A_243 = arith.constant 3 : i32
      %swap3A_244 = arith.index_cast %swap3A_243 : i32 to index
      %swap3A_245 = arith.index_cast %add3A_242 : i32 to index
      %swap3A_246 = tpu.vector_load %arg6[%swap3A_244, %swap3A_245] {strides = array<i32>} : memref<8x4096xf32, #tpu.memory_space<vmem>>, vector<1x16xf32>,
      %swap3A_247 = vector.shape_cast %swap3A_246 : vector<1x16xf32> to vector<16xf32>
      %swap3A_248 = vector.shape_cast %get3A_240 : vector<16xf32> to vector<1x16xf32>
      tpu.vector_store %arg6[%swap3A_244, %swap3A_245], %swap3A_248 {strides = array<i32>} : memref<8x4096xf32, #tpu.memory_space<vmem>>, vector<1x16xf32>,
      %add3A_249 = arith.constant 16 : i32
      %add3A_250 = arith.addi %mul3A_38, %add3A_249 : i32
      %swap3A_251 = arith.constant 3 : i32
      %swap3A_252 = arith.index_cast %swap3A_251 : i32 to index
      %swap3A_253 = arith.index_cast %add3A_250 : i32 to index
      %swap3A_254 = tpu.vector_load %arg6[%swap3A_252, %swap3A_253] {strides = array<i32>} : memref<8x4096xf32, #tpu.memory_space<vmem>>, vector<1x16xf32>,
      %swap3A_255 = vector.shape_cast %swap3A_254 : vector<1x16xf32> to vector<16xf32>
      %swap3A_256 = vector.shape_cast %get3A_240 : vector<16xf32> to vector<1x16xf32>
      tpu.vector_store %arg6[%swap3A_252, %swap3A_253], %swap3A_256 {strides = array<i32>} : memref<8x4096xf32, #tpu.memory_space<vmem>>, vector<1x16xf32>,
      %add3A_257 = arith.constant 32 : i32
      %add3A_258 = arith.addi %mul3A_38, %add3A_257 : i32
      %swap3A_259 = arith.constant 3 : i32
      %swap3A_260 = arith.index_cast %swap3A_259 : i32 to index
      %swap3A_261 = arith.index_cast %add3A_258 : i32 to index
      %swap3A_262 = tpu.vector_load %arg6[%swap3A_260, %swap3A_261] {strides = array<i32>} : memref<8x4096xf32, #tpu.memory_space<vmem>>, vector<1x16xf32>,
      %swap3A_263 = vector.shape_cast %swap3A_262 : vector<1x16xf32> to vector<16xf32>
      %swap3A_264 = vector.shape_cast %get3A_240 : vector<16xf32> to vector<1x16xf32>
      tpu.vector_store %arg6[%swap3A_260, %swap3A_261], %swap3A_264 {strides = array<i32>} : memref<8x4096xf32, #tpu.memory_space<vmem>>, vector<1x16xf32>,
      %add3A_265 = arith.constant 48 : i32
      %add3A_266 = arith.addi %mul3A_38, %add3A_265 : i32
      %swap3A_267 = arith.constant 3 : i32
      %swap3A_268 = arith.index_cast %swap3A_267 : i32 to index
      %swap3A_269 = arith.index_cast %add3A_266 : i32 to index
      %swap3A_270 = tpu.vector_load %arg6[%swap3A_268, %swap3A_269] {strides = array<i32>} : memref<8x4096xf32, #tpu.memory_space<vmem>>, vector<1x16xf32>,
      %swap3A_271 = vector.shape_cast %swap3A_270 : vector<1x16xf32> to vector<16xf32>
      %swap3A_272 = vector.shape_cast %get3A_240 : vector<16xf32> to vector<1x16xf32>
      tpu.vector_store %arg6[%swap3A_268, %swap3A_269], %swap3A_272 {strides = array<i32>} : memref<8x4096xf32, #tpu.memory_space<vmem>>, vector<1x16xf32>,
      %add3A_273 = arith.constant 64 : i32
      %add3A_274 = arith.addi %mul3A_38, %add3A_273 : i32
      %swap3A_275 = arith.constant 3 : i32
      %swap3A_276 = arith.index_cast %swap3A_275 : i32 to index
      %swap3A_277 = arith.index_cast %add3A_274 : i32 to index
      %swap3A_278 = tpu.vector_load %arg6[%swap3A_276, %swap3A_277] {strides = array<i32>} : memref<8x4096xf32, #tpu.memory_space<vmem>>, vector<1x16xf32>,
      %swap3A_279 = vector.shape_cast %swap3A_278 : vector<1x16xf32> to vector<16xf32>
      %swap3A_280 = vector.shape_cast %get3A_240 : vector<16xf32> to vector<1x16xf32>
      tpu.vector_store %arg6[%swap3A_276, %swap3A_277], %swap3A_280 {strides = array<i32>} : memref<8x4096xf32, #tpu.memory_space<vmem>>, vector<1x16xf32>,
      %add3A_281 = arith.constant 80 : i32
      %add3A_282 = arith.addi %mul3A_38, %add3A_281 : i32
      %swap3A_283 = arith.constant 3 : i32
      %swap3A_284 = arith.index_cast %swap3A_283 : i32 to index
      %swap3A_285 = arith.index_cast %add3A_282 : i32 to index
      %swap3A_286 = tpu.vector_load %arg6[%swap3A_284, %swap3A_285] {strides = array<i32>} : memref<8x4096xf32, #tpu.memory_space<vmem>>, vector<1x16xf32>,
      %swap3A_287 = vector.shape_cast %swap3A_286 : vector<1x16xf32> to vector<16xf32>
      %swap3A_288 = vector.shape_cast %get3A_240 : vector<16xf32> to vector<1x16xf32>
      tpu.vector_store %arg6[%swap3A_284, %swap3A_285], %swap3A_288 {strides = array<i32>} : memref<8x4096xf32, #tpu.memory_space<vmem>>, vector<1x16xf32>,
      %add3A_289 = arith.constant 96 : i32
      %add3A_290 = arith.addi %mul3A_38, %add3A_289 : i32
      %swap3A_291 = arith.constant 3 : i32
      %swap3A_292 = arith.index_cast %swap3A_291 : i32 to index
      %swap3A_293 = arith.index_cast %add3A_290 : i32 to index
      %swap3A_294 = tpu.vector_load %arg6[%swap3A_292, %swap3A_293] {strides = array<i32>} : memref<8x4096xf32, #tpu.memory_space<vmem>>, vector<1x16xf32>,
      %swap3A_295 = vector.shape_cast %swap3A_294 : vector<1x16xf32> to vector<16xf32>
      %swap3A_296 = vector.shape_cast %get3A_240 : vector<16xf32> to vector<1x16xf32>
      tpu.vector_store %arg6[%swap3A_292, %swap3A_293], %swap3A_296 {strides = array<i32>} : memref<8x4096xf32, #tpu.memory_space<vmem>>, vector<1x16xf32>,
      %add3A_297 = arith.constant 112 : i32
      %add3A_298 = arith.addi %mul3A_38, %add3A_297 : i32
      %swap3A_299 = arith.constant 3 : i32
      %swap3A_300 = arith.index_cast %swap3A_299 : i32 to index
      %swap3A_301 = arith.index_cast %add3A_298 : i32 to index
      %swap3A_302 = tpu.vector_load %arg6[%swap3A_300, %swap3A_301] {strides = array<i32>} : memref<8x4096xf32, #tpu.memory_space<vmem>>, vector<1x16xf32>,
      %swap3A_303 = vector.shape_cast %swap3A_302 : vector<1x16xf32> to vector<16xf32>
      %swap3A_304 = vector.shape_cast %get3A_240 : vector<16xf32> to vector<1x16xf32>
      tpu.vector_store %arg6[%swap3A_300, %swap3A_301], %swap3A_304 {strides = array<i32>} : memref<8x4096xf32, #tpu.memory_space<vmem>>, vector<1x16xf32>,
      %get3A_305 = arith.constant 3136 : index
      %get3A_306 = tpu.vector_load %arg5[%get3A_305] {strides = array<i32>} : memref<3328xf32, #tpu.memory_space<vmem>>, vector<16xf32>,
      %get3A_307 = vector.shape_cast %get3A_306 : vector<16xf32> to vector<16xf32>
      %add3A_308 = arith.constant 0 : i32
      %add3A_309 = arith.addi %mul3A_38, %add3A_308 : i32
      %swap3A_310 = arith.constant 4 : i32
      %swap3A_311 = arith.index_cast %swap3A_310 : i32 to index
      %swap3A_312 = arith.index_cast %add3A_309 : i32 to index
      %swap3A_313 = tpu.vector_load %arg6[%swap3A_311, %swap3A_312] {strides = array<i32>} : memref<8x4096xf32, #tpu.memory_space<vmem>>, vector<1x16xf32>,
      %swap3A_314 = vector.shape_cast %swap3A_313 : vector<1x16xf32> to vector<16xf32>
      %swap3A_315 = vector.shape_cast %get3A_307 : vector<16xf32> to vector<1x16xf32>
      tpu.vector_store %arg6[%swap3A_311, %swap3A_312], %swap3A_315 {strides = array<i32>} : memref<8x4096xf32, #tpu.memory_space<vmem>>, vector<1x16xf32>,
      %add3A_316 = arith.constant 16 : i32
      %add3A_317 = arith.addi %mul3A_38, %add3A_316 : i32
      %swap3A_318 = arith.constant 4 : i32
      %swap3A_319 = arith.index_cast %swap3A_318 : i32 to index
      %swap3A_320 = arith.index_cast %add3A_317 : i32 to index
      %swap3A_321 = tpu.vector_load %arg6[%swap3A_319, %swap3A_320] {strides = array<i32>} : memref<8x4096xf32, #tpu.memory_space<vmem>>, vector<1x16xf32>,
      %swap3A_322 = vector.shape_cast %swap3A_321 : vector<1x16xf32> to vector<16xf32>
      %swap3A_323 = vector.shape_cast %get3A_307 : vector<16xf32> to vector<1x16xf32>
      tpu.vector_store %arg6[%swap3A_319, %swap3A_320], %swap3A_323 {strides = array<i32>} : memref<8x4096xf32, #tpu.memory_space<vmem>>, vector<1x16xf32>,
      %add3A_324 = arith.constant 32 : i32
      %add3A_325 = arith.addi %mul3A_38, %add3A_324 : i32
      %swap3A_326 = arith.constant 4 : i32
      %swap3A_327 = arith.index_cast %swap3A_326 : i32 to index
      %swap3A_328 = arith.index_cast %add3A_325 : i32 to index
      %swap3A_329 = tpu.vector_load %arg6[%swap3A_327, %swap3A_328] {strides = array<i32>} : memref<8x4096xf32, #tpu.memory_space<vmem>>, vector<1x16xf32>,
      %swap3A_330 = vector.shape_cast %swap3A_329 : vector<1x16xf32> to vector<16xf32>
      %swap3A_331 = vector.shape_cast %get3A_307 : vector<16xf32> to vector<1x16xf32>
      tpu.vector_store %arg6[%swap3A_327, %swap3A_328], %swap3A_331 {strides = array<i32>} : memref<8x4096xf32, #tpu.memory_space<vmem>>, vector<1x16xf32>,
      %add3A_332 = arith.constant 48 : i32
      %add3A_333 = arith.addi %mul3A_38, %add3A_332 : i32
      %swap3A_334 = arith.constant 4 : i32
      %swap3A_335 = arith.index_cast %swap3A_334 : i32 to index
      %swap3A_336 = arith.index_cast %add3A_333 : i32 to index
      %swap3A_337 = tpu.vector_load %arg6[%swap3A_335, %swap3A_336] {strides = array<i32>} : memref<8x4096xf32, #tpu.memory_space<vmem>>, vector<1x16xf32>,
      %swap3A_338 = vector.shape_cast %swap3A_337 : vector<1x16xf32> to vector<16xf32>
      %swap3A_339 = vector.shape_cast %get3A_307 : vector<16xf32> to vector<1x16xf32>
      tpu.vector_store %arg6[%swap3A_335, %swap3A_336], %swap3A_339 {strides = array<i32>} : memref<8x4096xf32, #tpu.memory_space<vmem>>, vector<1x16xf32>,
      %add3A_340 = arith.constant 64 : i32
      %add3A_341 = arith.addi %mul3A_38, %add3A_340 : i32
      %swap3A_342 = arith.constant 4 : i32
      %swap3A_343 = arith.index_cast %swap3A_342 : i32 to index
      %swap3A_344 = arith.index_cast %add3A_341 : i32 to index
      %swap3A_345 = tpu.vector_load %arg6[%swap3A_343, %swap3A_344] {strides = array<i32>} : memref<8x4096xf32, #tpu.memory_space<vmem>>, vector<1x16xf32>,
      %swap3A_346 = vector.shape_cast %swap3A_345 : vector<1x16xf32> to vector<16xf32>
      %swap3A_347 = vector.shape_cast %get3A_307 : vector<16xf32> to vector<1x16xf32>
      tpu.vector_store %arg6[%swap3A_343, %swap3A_344], %swap3A_347 {strides = array<i32>} : memref<8x4096xf32, #tpu.memory_space<vmem>>, vector<1x16xf32>,
      %add3A_348 = arith.constant 80 : i32
      %add3A_349 = arith.addi %mul3A_38, %add3A_348 : i32
      %swap3A_350 = arith.constant 4 : i32
      %swap3A_351 = arith.index_cast %swap3A_350 : i32 to index
      %swap3A_352 = arith.index_cast %add3A_349 : i32 to index
      %swap3A_353 = tpu.vector_load %arg6[%swap3A_351, %swap3A_352] {strides = array<i32>} : memref<8x4096xf32, #tpu.memory_space<vmem>>, vector<1x16xf32>,
      %swap3A_354 = vector.shape_cast %swap3A_353 : vector<1x16xf32> to vector<16xf32>
      %swap3A_355 = vector.shape_cast %get3A_307 : vector<16xf32> to vector<1x16xf32>
      tpu.vector_store %arg6[%swap3A_351, %swap3A_352], %swap3A_355 {strides = array<i32>} : memref<8x4096xf32, #tpu.memory_space<vmem>>, vector<1x16xf32>,
      %add3A_356 = arith.constant 96 : i32
      %add3A_357 = arith.addi %mul3A_38, %add3A_356 : i32
      %swap3A_358 = arith.constant 4 : i32
      %swap3A_359 = arith.index_cast %swap3A_358 : i32 to index
      %swap3A_360 = arith.index_cast %add3A_357 : i32 to index
      %swap3A_361 = tpu.vector_load %arg6[%swap3A_359, %swap3A_360] {strides = array<i32>} : memref<8x4096xf32, #tpu.memory_space<vmem>>, vector<1x16xf32>,
      %swap3A_362 = vector.shape_cast %swap3A_361 : vector<1x16xf32> to vector<16xf32>
      %swap3A_363 = vector.shape_cast %get3A_307 : vector<16xf32> to vector<1x16xf32>
      tpu.vector_store %arg6[%swap3A_359, %swap3A_360], %swap3A_363 {strides = array<i32>} : memref<8x4096xf32, #tpu.memory_space<vmem>>, vector<1x16xf32>,
      %add3A_364 = arith.constant 112 : i32
      %add3A_365 = arith.addi %mul3A_38, %add3A_364 : i32
      %swap3A_366 = arith.constant 4 : i32
      %swap3A_367 = arith.index_cast %swap3A_366 : i32 to index
      %swap3A_368 = arith.index_cast %add3A_365 : i32 to index
      %swap3A_369 = tpu.vector_load %arg6[%swap3A_367, %swap3A_368] {strides = array<i32>} : memref<8x4096xf32, #tpu.memory_space<vmem>>, vector<1x16xf32>,
      %swap3A_370 = vector.shape_cast %swap3A_369 : vector<1x16xf32> to vector<16xf32>
      %swap3A_371 = vector.shape_cast %get3A_307 : vector<16xf32> to vector<1x16xf32>
      tpu.vector_store %arg6[%swap3A_367, %swap3A_368], %swap3A_371 {strides = array<i32>} : memref<8x4096xf32, #tpu.memory_space<vmem>>, vector<1x16xf32>,
      %get3A_372 = arith.constant 3152 : index
      %get3A_373 = tpu.vector_load %arg5[%get3A_372] {strides = array<i32>} : memref<3328xf32, #tpu.memory_space<vmem>>, vector<16xf32>,
      %get3A_374 = vector.shape_cast %get3A_373 : vector<16xf32> to vector<16xf32>
      %add3A_375 = arith.constant 0 : i32
      %add3A_376 = arith.addi %mul3A_38, %add3A_375 : i32
      %swap3A_377 = arith.constant 5 : i32
      %swap3A_378 = arith.index_cast %swap3A_377 : i32 to index
      %swap3A_379 = arith.index_cast %add3A_376 : i32 to index
      %swap3A_380 = tpu.vector_load %arg6[%swap3A_378, %swap3A_379] {strides = array<i32>} : memref<8x4096xf32, #tpu.memory_space<vmem>>, vector<1x16xf32>,
      %swap3A_381 = vector.shape_cast %swap3A_380 : vector<1x16xf32> to vector<16xf32>
      %swap3A_382 = vector.shape_cast %get3A_374 : vector<16xf32> to vector<1x16xf32>
      tpu.vector_store %arg6[%swap3A_378, %swap3A_379], %swap3A_382 {strides = array<i32>} : memref<8x4096xf32, #tpu.memory_space<vmem>>, vector<1x16xf32>,
      %add3A_383 = arith.constant 16 : i32
      %add3A_384 = arith.addi %mul3A_38, %add3A_383 : i32
      %swap3A_385 = arith.constant 5 : i32
      %swap3A_386 = arith.index_cast %swap3A_385 : i32 to index
      %swap3A_387 = arith.index_cast %add3A_384 : i32 to index
      %swap3A_388 = tpu.vector_load %arg6[%swap3A_386, %swap3A_387] {strides = array<i32>} : memref<8x4096xf32, #tpu.memory_space<vmem>>, vector<1x16xf32>,
      %swap3A_389 = vector.shape_cast %swap3A_388 : vector<1x16xf32> to vector<16xf32>
      %swap3A_390 = vector.shape_cast %get3A_374 : vector<16xf32> to vector<1x16xf32>
      tpu.vector_store %arg6[%swap3A_386, %swap3A_387], %swap3A_390 {strides = array<i32>} : memref<8x4096xf32, #tpu.memory_space<vmem>>, vector<1x16xf32>,
      %add3A_391 = arith.constant 32 : i32
      %add3A_392 = arith.addi %mul3A_38, %add3A_391 : i32
      %swap3A_393 = arith.constant 5 : i32
      %swap3A_394 = arith.index_cast %swap3A_393 : i32 to index
      %swap3A_395 = arith.index_cast %add3A_392 : i32 to index
      %swap3A_396 = tpu.vector_load %arg6[%swap3A_394, %swap3A_395] {strides = array<i32>} : memref<8x4096xf32, #tpu.memory_space<vmem>>, vector<1x16xf32>,
      %swap3A_397 = vector.shape_cast %swap3A_396 : vector<1x16xf32> to vector<16xf32>
      %swap3A_398 = vector.shape_cast %get3A_374 : vector<16xf32> to vector<1x16xf32>
      tpu.vector_store %arg6[%swap3A_394, %swap3A_395], %swap3A_398 {strides = array<i32>} : memref<8x4096xf32, #tpu.memory_space<vmem>>, vector<1x16xf32>,
      %add3A_399 = arith.constant 48 : i32
      %add3A_400 = arith.addi %mul3A_38, %add3A_399 : i32
      %swap3A_401 = arith.constant 5 : i32
      %swap3A_402 = arith.index_cast %swap3A_401 : i32 to index
      %swap3A_403 = arith.index_cast %add3A_400 : i32 to index
      %swap3A_404 = tpu.vector_load %arg6[%swap3A_402, %swap3A_403] {strides = array<i32>} : memref<8x4096xf32, #tpu.memory_space<vmem>>, vector<1x16xf32>,
      %swap3A_405 = vector.shape_cast %swap3A_404 : vector<1x16xf32> to vector<16xf32>
      %swap3A_406 = vector.shape_cast %get3A_374 : vector<16xf32> to vector<1x16xf32>
      tpu.vector_store %arg6[%swap3A_402, %swap3A_403], %swap3A_406 {strides = array<i32>} : memref<8x4096xf32, #tpu.memory_space<vmem>>, vector<1x16xf32>,
      %add3A_407 = arith.constant 64 : i32
      %add3A_408 = arith.addi %mul3A_38, %add3A_407 : i32
      %swap3A_409 = arith.constant 5 : i32
      %swap3A_410 = arith.index_cast %swap3A_409 : i32 to index
      %swap3A_411 = arith.index_cast %add3A_408 : i32 to index
      %swap3A_412 = tpu.vector_load %arg6[%swap3A_410, %swap3A_411] {strides = array<i32>} : memref<8x4096xf32, #tpu.memory_space<vmem>>, vector<1x16xf32>,
      %swap3A_413 = vector.shape_cast %swap3A_412 : vector<1x16xf32> to vector<16xf32>
      %swap3A_414 = vector.shape_cast %get3A_374 : vector<16xf32> to vector<1x16xf32>
      tpu.vector_store %arg6[%swap3A_410, %swap3A_411], %swap3A_414 {strides = array<i32>} : memref<8x4096xf32, #tpu.memory_space<vmem>>, vector<1x16xf32>,
      %add3A_415 = arith.constant 80 : i32
      %add3A_416 = arith.addi %mul3A_38, %add3A_415 : i32
      %swap3A_417 = arith.constant 5 : i32
      %swap3A_418 = arith.index_cast %swap3A_417 : i32 to index
      %swap3A_419 = arith.index_cast %add3A_416 : i32 to index
      %swap3A_420 = tpu.vector_load %arg6[%swap3A_418, %swap3A_419] {strides = array<i32>} : memref<8x4096xf32, #tpu.memory_space<vmem>>, vector<1x16xf32>,
      %swap3A_421 = vector.shape_cast %swap3A_420 : vector<1x16xf32> to vector<16xf32>
      %swap3A_422 = vector.shape_cast %get3A_374 : vector<16xf32> to vector<1x16xf32>
      tpu.vector_store %arg6[%swap3A_418, %swap3A_419], %swap3A_422 {strides = array<i32>} : memref<8x4096xf32, #tpu.memory_space<vmem>>, vector<1x16xf32>,
      %add3A_423 = arith.constant 96 : i32
      %add3A_424 = arith.addi %mul3A_38, %add3A_423 : i32
      %swap3A_425 = arith.constant 5 : i32
      %swap3A_426 = arith.index_cast %swap3A_425 : i32 to index
      %swap3A_427 = arith.index_cast %add3A_424 : i32 to index
      %swap3A_428 = tpu.vector_load %arg6[%swap3A_426, %swap3A_427] {strides = array<i32>} : memref<8x4096xf32, #tpu.memory_space<vmem>>, vector<1x16xf32>,
      %swap3A_429 = vector.shape_cast %swap3A_428 : vector<1x16xf32> to vector<16xf32>
      %swap3A_430 = vector.shape_cast %get3A_374 : vector<16xf32> to vector<1x16xf32>
      tpu.vector_store %arg6[%swap3A_426, %swap3A_427], %swap3A_430 {strides = array<i32>} : memref<8x4096xf32, #tpu.memory_space<vmem>>, vector<1x16xf32>,
      %add3A_431 = arith.constant 112 : i32
      %add3A_432 = arith.addi %mul3A_38, %add3A_431 : i32
      %swap3A_433 = arith.constant 5 : i32
      %swap3A_434 = arith.index_cast %swap3A_433 : i32 to index
      %swap3A_435 = arith.index_cast %add3A_432 : i32 to index
      %swap3A_436 = tpu.vector_load %arg6[%swap3A_434, %swap3A_435] {strides = array<i32>} : memref<8x4096xf32, #tpu.memory_space<vmem>>, vector<1x16xf32>,
      %swap3A_437 = vector.shape_cast %swap3A_436 : vector<1x16xf32> to vector<16xf32>
      %swap3A_438 = vector.shape_cast %get3A_374 : vector<16xf32> to vector<1x16xf32>
      tpu.vector_store %arg6[%swap3A_434, %swap3A_435], %swap3A_438 {strides = array<i32>} : memref<8x4096xf32, #tpu.memory_space<vmem>>, vector<1x16xf32>,
      %get3A_439 = arith.constant 3168 : index
      %get3A_440 = tpu.vector_load %arg5[%get3A_439] {strides = array<i32>} : memref<3328xf32, #tpu.memory_space<vmem>>, vector<16xf32>,
      %get3A_441 = vector.shape_cast %get3A_440 : vector<16xf32> to vector<16xf32>
      %add3A_442 = arith.constant 0 : i32
      %add3A_443 = arith.addi %mul3A_38, %add3A_442 : i32
      %swap3A_444 = arith.constant 6 : i32
      %swap3A_445 = arith.index_cast %swap3A_444 : i32 to index
      %swap3A_446 = arith.index_cast %add3A_443 : i32 to index
      %swap3A_447 = tpu.vector_load %arg6[%swap3A_445, %swap3A_446] {strides = array<i32>} : memref<8x4096xf32, #tpu.memory_space<vmem>>, vector<1x16xf32>,
      %swap3A_448 = vector.shape_cast %swap3A_447 : vector<1x16xf32> to vector<16xf32>
      %swap3A_449 = vector.shape_cast %get3A_441 : vector<16xf32> to vector<1x16xf32>
      tpu.vector_store %arg6[%swap3A_445, %swap3A_446], %swap3A_449 {strides = array<i32>} : memref<8x4096xf32, #tpu.memory_space<vmem>>, vector<1x16xf32>,
      %add3A_450 = arith.constant 16 : i32
      %add3A_451 = arith.addi %mul3A_38, %add3A_450 : i32
      %swap3A_452 = arith.constant 6 : i32
      %swap3A_453 = arith.index_cast %swap3A_452 : i32 to index
      %swap3A_454 = arith.index_cast %add3A_451 : i32 to index
      %swap3A_455 = tpu.vector_load %arg6[%swap3A_453, %swap3A_454] {strides = array<i32>} : memref<8x4096xf32, #tpu.memory_space<vmem>>, vector<1x16xf32>,
      %swap3A_456 = vector.shape_cast %swap3A_455 : vector<1x16xf32> to vector<16xf32>
      %swap3A_457 = vector.shape_cast %get3A_441 : vector<16xf32> to vector<1x16xf32>
      tpu.vector_store %arg6[%swap3A_453, %swap3A_454], %swap3A_457 {strides = array<i32>} : memref<8x4096xf32, #tpu.memory_space<vmem>>, vector<1x16xf32>,
      %add3A_458 = arith.constant 32 : i32
      %add3A_459 = arith.addi %mul3A_38, %add3A_458 : i32
      %swap3A_460 = arith.constant 6 : i32
      %swap3A_461 = arith.index_cast %swap3A_460 : i32 to index
      %swap3A_462 = arith.index_cast %add3A_459 : i32 to index
      %swap3A_463 = tpu.vector_load %arg6[%swap3A_461, %swap3A_462] {strides = array<i32>} : memref<8x4096xf32, #tpu.memory_space<vmem>>, vector<1x16xf32>,
      %swap3A_464 = vector.shape_cast %swap3A_463 : vector<1x16xf32> to vector<16xf32>
      %swap3A_465 = vector.shape_cast %get3A_441 : vector<16xf32> to vector<1x16xf32>
      tpu.vector_store %arg6[%swap3A_461, %swap3A_462], %swap3A_465 {strides = array<i32>} : memref<8x4096xf32, #tpu.memory_space<vmem>>, vector<1x16xf32>,
      %add3A_466 = arith.constant 48 : i32
      %add3A_467 = arith.addi %mul3A_38, %add3A_466 : i32
      %swap3A_468 = arith.constant 6 : i32
      %swap3A_469 = arith.index_cast %swap3A_468 : i32 to index
      %swap3A_470 = arith.index_cast %add3A_467 : i32 to index
      %swap3A_471 = tpu.vector_load %arg6[%swap3A_469, %swap3A_470] {strides = array<i32>} : memref<8x4096xf32, #tpu.memory_space<vmem>>, vector<1x16xf32>,
      %swap3A_472 = vector.shape_cast %swap3A_471 : vector<1x16xf32> to vector<16xf32>
      %swap3A_473 = vector.shape_cast %get3A_441 : vector<16xf32> to vector<1x16xf32>
      tpu.vector_store %arg6[%swap3A_469, %swap3A_470], %swap3A_473 {strides = array<i32>} : memref<8x4096xf32, #tpu.memory_space<vmem>>, vector<1x16xf32>,
      %add3A_474 = arith.constant 64 : i32
      %add3A_475 = arith.addi %mul3A_38, %add3A_474 : i32
      %swap3A_476 = arith.constant 6 : i32
      %swap3A_477 = arith.index_cast %swap3A_476 : i32 to index
      %swap3A_478 = arith.index_cast %add3A_475 : i32 to index
      %swap3A_479 = tpu.vector_load %arg6[%swap3A_477, %swap3A_478] {strides = array<i32>} : memref<8x4096xf32, #tpu.memory_space<vmem>>, vector<1x16xf32>,
      %swap3A_480 = vector.shape_cast %swap3A_479 : vector<1x16xf32> to vector<16xf32>
      %swap3A_481 = vector.shape_cast %get3A_441 : vector<16xf32> to vector<1x16xf32>
      tpu.vector_store %arg6[%swap3A_477, %swap3A_478], %swap3A_481 {strides = array<i32>} : memref<8x4096xf32, #tpu.memory_space<vmem>>, vector<1x16xf32>,
      %add3A_482 = arith.constant 80 : i32
      %add3A_483 = arith.addi %mul3A_38, %add3A_482 : i32
      %swap3A_484 = arith.constant 6 : i32
      %swap3A_485 = arith.index_cast %swap3A_484 : i32 to index
      %swap3A_486 = arith.index_cast %add3A_483 : i32 to index
      %swap3A_487 = tpu.vector_load %arg6[%swap3A_485, %swap3A_486] {strides = array<i32>} : memref<8x4096xf32, #tpu.memory_space<vmem>>, vector<1x16xf32>,
      %swap3A_488 = vector.shape_cast %swap3A_487 : vector<1x16xf32> to vector<16xf32>
      %swap3A_489 = vector.shape_cast %get3A_441 : vector<16xf32> to vector<1x16xf32>
      tpu.vector_store %arg6[%swap3A_485, %swap3A_486], %swap3A_489 {strides = array<i32>} : memref<8x4096xf32, #tpu.memory_space<vmem>>, vector<1x16xf32>,
      %add3A_490 = arith.constant 96 : i32
      %add3A_491 = arith.addi %mul3A_38, %add3A_490 : i32
      %swap3A_492 = arith.constant 6 : i32
      %swap3A_493 = arith.index_cast %swap3A_492 : i32 to index
      %swap3A_494 = arith.index_cast %add3A_491 : i32 to index
      %swap3A_495 = tpu.vector_load %arg6[%swap3A_493, %swap3A_494] {strides = array<i32>} : memref<8x4096xf32, #tpu.memory_space<vmem>>, vector<1x16xf32>,
      %swap3A_496 = vector.shape_cast %swap3A_495 : vector<1x16xf32> to vector<16xf32>
      %swap3A_497 = vector.shape_cast %get3A_441 : vector<16xf32> to vector<1x16xf32>
      tpu.vector_store %arg6[%swap3A_493, %swap3A_494], %swap3A_497 {strides = array<i32>} : memref<8x4096xf32, #tpu.memory_space<vmem>>, vector<1x16xf32>,
      %add3A_498 = arith.constant 112 : i32
      %add3A_499 = arith.addi %mul3A_38, %add3A_498 : i32
      %swap3A_500 = arith.constant 6 : i32
      %swap3A_501 = arith.index_cast %swap3A_500 : i32 to index
      %swap3A_502 = arith.index_cast %add3A_499 : i32 to index
      %swap3A_503 = tpu.vector_load %arg6[%swap3A_501, %swap3A_502] {strides = array<i32>} : memref<8x4096xf32, #tpu.memory_space<vmem>>, vector<1x16xf32>,
      %swap3A_504 = vector.shape_cast %swap3A_503 : vector<1x16xf32> to vector<16xf32>
      %swap3A_505 = vector.shape_cast %get3A_441 : vector<16xf32> to vector<1x16xf32>
      tpu.vector_store %arg6[%swap3A_501, %swap3A_502], %swap3A_505 {strides = array<i32>} : memref<8x4096xf32, #tpu.memory_space<vmem>>, vector<1x16xf32>,
      %get3A_506 = arith.constant 3184 : index
      %get3A_507 = tpu.vector_load %arg5[%get3A_506] {strides = array<i32>} : memref<3328xf32, #tpu.memory_space<vmem>>, vector<16xf32>,
      %get3A_508 = vector.shape_cast %get3A_507 : vector<16xf32> to vector<16xf32>
      %add3A_509 = arith.constant 0 : i32
      %add3A_510 = arith.addi %mul3A_38, %add3A_509 : i32
      %swap3A_511 = arith.constant 7 : i32
      %swap3A_512 = arith.index_cast %swap3A_511 : i32 to index
      %swap3A_513 = arith.index_cast %add3A_510 : i32 to index
      %swap3A_514 = tpu.vector_load %arg6[%swap3A_512, %swap3A_513] {strides = array<i32>} : memref<8x4096xf32, #tpu.memory_space<vmem>>, vector<1x16xf32>,
      %swap3A_515 = vector.shape_cast %swap3A_514 : vector<1x16xf32> to vector<16xf32>
      %swap3A_516 = vector.shape_cast %get3A_508 : vector<16xf32> to vector<1x16xf32>
      tpu.vector_store %arg6[%swap3A_512, %swap3A_513], %swap3A_516 {strides = array<i32>} : memref<8x4096xf32, #tpu.memory_space<vmem>>, vector<1x16xf32>,
      %add3A_517 = arith.constant 16 : i32
      %add3A_518 = arith.addi %mul3A_38, %add3A_517 : i32
      %swap3A_519 = arith.constant 7 : i32
      %swap3A_520 = arith.index_cast %swap3A_519 : i32 to index
      %swap3A_521 = arith.index_cast %add3A_518 : i32 to index
      %swap3A_522 = tpu.vector_load %arg6[%swap3A_520, %swap3A_521] {strides = array<i32>} : memref<8x4096xf32, #tpu.memory_space<vmem>>, vector<1x16xf32>,
      %swap3A_523 = vector.shape_cast %swap3A_522 : vector<1x16xf32> to vector<16xf32>
      %swap3A_524 = vector.shape_cast %get3A_508 : vector<16xf32> to vector<1x16xf32>
      tpu.vector_store %arg6[%swap3A_520, %swap3A_521], %swap3A_524 {strides = array<i32>} : memref<8x4096xf32, #tpu.memory_space<vmem>>, vector<1x16xf32>,
      %add3A_525 = arith.constant 32 : i32
      %add3A_526 = arith.addi %mul3A_38, %add3A_525 : i32
      %swap3A_527 = arith.constant 7 : i32
      %swap3A_528 = arith.index_cast %swap3A_527 : i32 to index
      %swap3A_529 = arith.index_cast %add3A_526 : i32 to index
      %swap3A_530 = tpu.vector_load %arg6[%swap3A_528, %swap3A_529] {strides = array<i32>} : memref<8x4096xf32, #tpu.memory_space<vmem>>, vector<1x16xf32>,
      %swap3A_531 = vector.shape_cast %swap3A_530 : vector<1x16xf32> to vector<16xf32>
      %swap3A_532 = vector.shape_cast %get3A_508 : vector<16xf32> to vector<1x16xf32>
      tpu.vector_store %arg6[%swap3A_528, %swap3A_529], %swap3A_532 {strides = array<i32>} : memref<8x4096xf32, #tpu.memory_space<vmem>>, vector<1x16xf32>,
      %add3A_533 = arith.constant 48 : i32
      %add3A_534 = arith.addi %mul3A_38, %add3A_533 : i32
      %swap3A_535 = arith.constant 7 : i32
      %swap3A_536 = arith.index_cast %swap3A_535 : i32 to index
      %swap3A_537 = arith.index_cast %add3A_534 : i32 to index
      %swap3A_538 = tpu.vector_load %arg6[%swap3A_536, %swap3A_537] {strides = array<i32>} : memref<8x4096xf32, #tpu.memory_space<vmem>>, vector<1x16xf32>,
      %swap3A_539 = vector.shape_cast %swap3A_538 : vector<1x16xf32> to vector<16xf32>
      %swap3A_540 = vector.shape_cast %get3A_508 : vector<16xf32> to vector<1x16xf32>
      tpu.vector_store %arg6[%swap3A_536, %swap3A_537], %swap3A_540 {strides = array<i32>} : memref<8x4096xf32, #tpu.memory_space<vmem>>, vector<1x16xf32>,
      %add3A_541 = arith.constant 64 : i32
      %add3A_542 = arith.addi %mul3A_38, %add3A_541 : i32
      %swap3A_543 = arith.constant 7 : i32
      %swap3A_544 = arith.index_cast %swap3A_543 : i32 to index
      %swap3A_545 = arith.index_cast %add3A_542 : i32 to index
      %swap3A_546 = tpu.vector_load %arg6[%swap3A_544, %swap3A_545] {strides = array<i32>} : memref<8x4096xf32, #tpu.memory_space<vmem>>, vector<1x16xf32>,
      %swap3A_547 = vector.shape_cast %swap3A_546 : vector<1x16xf32> to vector<16xf32>
      %swap3A_548 = vector.shape_cast %get3A_508 : vector<16xf32> to vector<1x16xf32>
      tpu.vector_store %arg6[%swap3A_544, %swap3A_545], %swap3A_548 {strides = array<i32>} : memref<8x4096xf32, #tpu.memory_space<vmem>>, vector<1x16xf32>,
      %add3A_549 = arith.constant 80 : i32
      %add3A_550 = arith.addi %mul3A_38, %add3A_549 : i32
      %swap3A_551 = arith.constant 7 : i32
      %swap3A_552 = arith.index_cast %swap3A_551 : i32 to index
      %swap3A_553 = arith.index_cast %add3A_550 : i32 to index
      %swap3A_554 = tpu.vector_load %arg6[%swap3A_552, %swap3A_553] {strides = array<i32>} : memref<8x4096xf32, #tpu.memory_space<vmem>>, vector<1x16xf32>,
      %swap3A_555 = vector.shape_cast %swap3A_554 : vector<1x16xf32> to vector<16xf32>
      %swap3A_556 = vector.shape_cast %get3A_508 : vector<16xf32> to vector<1x16xf32>
      tpu.vector_store %arg6[%swap3A_552, %swap3A_553], %swap3A_556 {strides = array<i32>} : memref<8x4096xf32, #tpu.memory_space<vmem>>, vector<1x16xf32>,
      %add3A_557 = arith.constant 96 : i32
      %add3A_558 = arith.addi %mul3A_38, %add3A_557 : i32
      %swap3A_559 = arith.constant 7 : i32
      %swap3A_560 = arith.index_cast %swap3A_559 : i32 to index
      %swap3A_561 = arith.index_cast %add3A_558 : i32 to index
      %swap3A_562 = tpu.vector_load %arg6[%swap3A_560, %swap3A_561] {strides = array<i32>} : memref<8x4096xf32, #tpu.memory_space<vmem>>, vector<1x16xf32>,
      %swap3A_563 = vector.shape_cast %swap3A_562 : vector<1x16xf32> to vector<16xf32>
      %swap3A_564 = vector.shape_cast %get3A_508 : vector<16xf32> to vector<1x16xf32>
      tpu.vector_store %arg6[%swap3A_560, %swap3A_561], %swap3A_564 {strides = array<i32>} : memref<8x4096xf32, #tpu.memory_space<vmem>>, vector<1x16xf32>,
      %add3A_565 = arith.constant 112 : i32
      %add3A_566 = arith.addi %mul3A_38, %add3A_565 : i32
      %swap3A_567 = arith.constant 7 : i32
      %swap3A_568 = arith.index_cast %swap3A_567 : i32 to index
      %swap3A_569 = arith.index_cast %add3A_566 : i32 to index
      %swap3A_570 = tpu.vector_load %arg6[%swap3A_568, %swap3A_569] {strides = array<i32>} : memref<8x4096xf32, #tpu.memory_space<vmem>>, vector<1x16xf32>,
      %swap3A_571 = vector.shape_cast %swap3A_570 : vector<1x16xf32> to vector<16xf32>
      %swap3A_572 = vector.shape_cast %get3A_508 : vector<16xf32> to vector<1x16xf32>
      tpu.vector_store %arg6[%swap3A_568, %swap3A_569], %swap3A_572 {strides = array<i32>} : memref<8x4096xf32, #tpu.memory_space<vmem>>, vector<1x16xf32>,
    }
    %scan3A_22 = arith.constant 32 : i32
    %add3A_23 = arith.constant 192 : i32
    %add3A_24 = arith.addi %mul3A_2, %add3A_23 : i32
    %dma_start3A = arith.constant 0 : i32
    %dma_start3A_25 = tpu.memref_slice %arg3[%add3A_24, %dma_start3A] : memref<6400x4096xf32, #tpu.memory_space<hbm>> -> memref<8x4096xf32, #tpu.memory_space<hbm>>
    %dma_start3A_26 = arith.constant 0 : i32
    %dma_start3A_27 = tpu.memref_slice %arg3[%add3A_24, %dma_start3A_26] : memref<6400x4096xf32, #tpu.memory_space<hbm>> -> memref<8x4096xf32, #tpu.memory_space<hbm>>
    tpu.enqueue_dma source(%arg6 : memref<8x4096xf32, #tpu.memory_space<vmem>>) target(%dma_start3A_27 : memref<8x4096xf32, #tpu.memory_space<hbm>>) target_semaphore(%arg8 : memref<!tpu.dma_semaphore, #tpu.memory_space<semaphore_mem>>)
    %dma_wait3A_28 = arith.constant 0 : i32
    %dma_wait3A_29 = tpu.memref_slice %arg3[%mul3A_2, %dma_wait3A_28] : memref<6400x4096xf32, #tpu.memory_space<hbm>> -> memref<8x4096xf32, #tpu.memory_space<hbm>>
    %dma_wait3A_30 = arith.constant 0 : i32
    %dma_wait3A_31 = tpu.memref_slice %arg3[%mul3A_2, %dma_wait3A_30] : memref<6400x4096xf32, #tpu.memory_space<hbm>> -> memref<8x4096xf32, #tpu.memory_space<hbm>>
    tpu.wait_dma2 semaphore(%arg8 : memref<!tpu.dma_semaphore, #tpu.memory_space<semaphore_mem>>) src(%arg6 : memref<8x4096xf32, #tpu.memory_space<vmem>>) dst(%dma_wait3A_31 : memref<8x4096xf32, #tpu.memory_space<hbm>>)
    %dma_wait3A_32 = arith.constant 0 : i32
    %dma_wait3A_33 = tpu.memref_slice %arg3[%mul3A_2, %dma_wait3A_32] : memref<6400x4096xf32, #tpu.memory_space<hbm>> -> memref<8x4096xf32, #tpu.memory_space<hbm>>
    %dma_wait3A_34 = arith.constant 0 : i32
    %dma_wait3A_35 = tpu.memref_slice %arg3[%mul3A_2, %dma_wait3A_34] : memref<6400x4096xf32, #tpu.memory_space<hbm>> -> memref<8x4096xf32, #tpu.memory_space<hbm>>
    tpu.wait_dma2 semaphore(%arg9 : memref<!tpu.dma_semaphore, #tpu.memory_space<semaphore_mem>>) src(%arg7 : memref<8x4096xf32, #tpu.memory_space<vmem>>) dst(%dma_wait3A_35 : memref<8x4096xf32, #tpu.memory_space<hbm>>)
    return
  }
}

</mosaic_0001>

<sc_bundles>
// kernel: kernel.3.cloned.1.call-start
scs
__scs_entry_jumppad:
0x0: {  	(pc) =	sbr.rel $0x88, $3  }
0x1: {  	(tag) =	ssettag $0x0;
	lr =	simm.s32 $0x1  }
0x2: {  	[smem:$0x3FA0] =	sst lr;
	_ =	strace $0xD0000000  }
0x3: {  	_ = 	snop  }
0x4: {  	_ = 	snop  }
0x5: {  	_ = 	snop  }
0x6: {  	_ = 	snop  }
0x7: {  	_ = 	snop  }
__scs_overlays_trampoline_lowered:
0x8: {  	[smem:$0x3FAF] =	sst s0  }
0x9: {  	[smem:$0x3FB0] =	sst s1  }
0xa: {  	[smem:$0x3FB1] =	sst s2  }
0xb: {  	[smem:$0x3FB2] =	sst s3  }
0xc: {  	[smem:$0x3FB3] =	sst s4  }
0xd: {  	[smem:$0x3FB4] =	sst s5  }
0xe: {  	[smem:$0x3FB5] =	sst s6  }
0xf: {  	[smem:$0x3FB6] =	sst s7  }
0x10: {  	[smem:$0x3FB7] =	sst s8  }
0x11: {  	[smem:$0x3FB8] =	sst s9;
	s0 =	simm.s32 @!p0 $0x0  }
0x12: {  	s1 =	sld [smem:$0x3F9E];
	s0 =	simm.s32 @p0 $0x1  }
0x13: {  	[smem:$0x3FB9] =	sst s0;
	s0 =	simm.s32 @!p1 $0x0  }
0x14: {  	s2 =	sld [smem:$0x3F9D];
	s0 =	simm.s32 @p1 $0x1  }
0x15: {  	[smem:$0x3FBA] =	sst s0;
	s0 =	simm.s32 @!p2 $0x0  }
0x16: {  	s3 =	sld [smem:$0x3FDB];
	s0 =	simm.s32 @p2 $0x1  }
0x17: {  	s4 =	simm.s32 $0x1BF5;
	[smem:$0x3FBC] =	sst s0  }
0x18: {  	s0 =	sld [smem:$0x3F9F];
	_ =	swait.ge [sflag:s4], $0x0  }
0x19: {  	s7 =	sld [smem:$0x3FA0]  }
0x1a: {  	s8 =	sadd.s32 $0xFFFFE003, lr  }
0x1b: {  	s9 =	sadd.s32 $0xFFFFFEF7, lr;
	s5 =	simm.s32 $0xFFFFFFFF;
	p2 =	slt.u32 s8, $0xFFFFF086  }
0x1c: {  	p1 =	slt.u32 s9, $0xF7A;
	s5 =	simm.s32 @!p2 $0x0  }
0x1d: {  	s5 =	simm.s32 @p1 $0x1;
	p0 =	seq.s32 s7, s2  }
0x1e: {  	s7 =	smul.u32 @!p0 $0xF7A, s2;
	p2 =	seq.s32 @!p0 s5, $0x0  }
0x1f: {  	s9 =	smul.u32 $0xF7A, s1;
	s8 =	simm.s32 @!p0 $0x1BF5;
	p2 =	por !p2, p0  }
0x20: {  	[sflag:s8] =	ssyncset.s32 @!p0 $0xFFFFF086;
	s6 =	sadd.s32 @!p0 s3, s7;
	s7 =	simm.s32 @!p0 $0x108  }
0x21: {  	s3 =	sadd.s32 s3, s9;
	s6 =	sadd.s32 @!p0 $0x88, s6;
	s7 =	simm.s32 @p2 $0x1082  }
0x22: {  	[simem:s7], [sflag:s8] =	dma.local @!p0 [hbm:s6], $0xF7A  }
0x23: {  	s9 =	sor.u32 $0xD0000000, s2;
	s6 =	simm.s32 $0x108;
	_ =	swait.ge @!p0 [sflag:s8], $0x0  }
0x24: {  	s3 =	sadd.s32 $0x88, s3;
	s6 =	simm.s32 @!p1 $0x1082;
	[sflag:s4] =	ssyncset.s32 $0xFFFFF086  }
0x25: {  	[simem:s6], [sflag:s4] =	dma.local [hbm:s3], $0xF7A  }
0x26: {  	[smem:$0x3FA0] =	sst s1;
	(tag) =	ssettag s2;
	_ =	strace s9  }
0x27: {  	s1 =	sld [smem:$0x3FB0]  }
0x28: {  	s2 =	sld [smem:$0x3FB1]  }
0x29: {  	s4 =	sld [smem:$0x3FB3]  }
0x2a: {  	p0 =	seq.s32 s5, $0x0;
	s5 =	sld [smem:$0x3FB4]  }
0x2b: {  	s6 =	sld [smem:$0x3FB5]  }
0x2c: {  	s7 =	sld [smem:$0x3FB6]  }
0x2d: {  	s3 =	simm.s32 $0x108;
	s8 =	sld [smem:$0x3FB7]  }
0x2e: {  	s3 =	simm.s32 @!p0 $0x1082;
	s9 =	sld [smem:$0x3FB8]  }
0x2f: {  	lr =	sadd.s32 s0, s3;
	s0 =	sld [smem:$0x3FAF]  }
0x30: {  	s3 =	sld [smem:$0x3FB2]  }
0x31: {  	[smem:$0x3FBB] =	sst s10  }
0x32: {  	s10 =	sld [smem:$0x3FB9];
	_ =	sdelay $0x3  }
0x33: {  	p0 =	seq.s32 s10, $0x1;
	s10 =	sld [smem:$0x3FBB];
	_ =	sdelay $0x3  }
0x34: {  	[smem:$0x3FBB] =	sst s10  }
0x35: {  	s10 =	sld [smem:$0x3FBA];
	_ =	sdelay $0x3  }
0x36: {  	p1 =	seq.s32 s10, $0x1;
	s10 =	sld [smem:$0x3FBB];
	_ =	sdelay $0x3  }
0x37: {  	[smem:$0x3FBB] =	sst s10  }
0x38: {  	s10 =	sld [smem:$0x3FBC]  }
0x39: {  	_ = 	snop;
	(pc) =	sbr.ind lr, $3  }
0x3a: {  	_ = 	snop  }
0x3b: {  	_ = 	snop  }
0x3c: {  	p2 =	seq.s32 s10, $0x1;
	s10 =	sld [smem:$0x3FBB]  }
0x3d: {  	_ =	shalt  }
0x3e: {  	_ =	shalt  }
0x3f: {  	_ =	shalt  }
0x40: {  	_ =	shalt  }
0x41: {  	_ =	shalt  }
0x42: {  	_ =	shalt  }
0x43: {  	_ =	shalt  }
0x44: {  	_ =	shalt  }
0x45: {  	_ =	shalt  }
0x46: {  	_ =	shalt  }
0x47: {  	_ =	shalt  }
0x48: {  	_ =	shalt  }
0x49: {  	_ =	shalt  }
0x4a: {  	_ =	shalt  }
0x4b: {  	_ =	shalt  }
0x4c: {  	_ =	shalt  }
0x4d: {  	_ =	shalt  }
0x4e: {  	_ =	shalt  }
0x4f: {  	_ =	shalt  }
0x50: {  	_ =	shalt  }
0x51: {  	_ =	shalt  }
0x52: {  	_ =	shalt  }
0x53: {  	_ =	shalt  }
0x54: {  	_ =	shalt  }
0x55: {  	_ =	shalt  }
0x56: {  	_ =	shalt  }
0x57: {  	_ =	shalt  }
0x58: {  	_ =	shalt  }
0x59: {  	_ =	shalt  }
0x5a: {  	_ =	shalt  }
0x5b: {  	_ =	shalt  }
0x5c: {  	_ =	shalt  }
0x5d: {  	_ =	shalt  }
0x5e: {  	_ =	shalt  }
0x5f: {  	_ =	shalt  }
0x60: {  	_ =	shalt  }
0x61: {  	_ =	shalt  }
0x62: {  	_ =	shalt  }
0x63: {  	_ =	shalt  }
0x64: {  	_ =	shalt  }
0x65: {  	_ =	shalt  }
0x66: {  	_ =	shalt  }
0x67: {  	_ =	shalt  }
0x68: {  	_ =	shalt  }
0x69: {  	_ =	shalt  }
0x6a: {  	_ =	shalt  }
0x6b: {  	_ =	shalt  }
0x6c: {  	_ =	shalt  }
0x6d: {  	_ =	shalt  }
0x6e: {  	_ =	shalt  }
0x6f: {  	_ =	shalt  }
0x70: {  	_ =	shalt  }
0x71: {  	_ =	shalt  }
0x72: {  	_ =	shalt  }
0x73: {  	_ =	shalt  }
0x74: {  	_ =	shalt  }
0x75: {  	_ =	shalt  }
0x76: {  	_ =	shalt  }
0x77: {  	_ =	shalt  }
0x78: {  	_ =	shalt  }
0x79: {  	_ =	shalt  }
0x7a: {  	_ =	shalt  }
0x7b: {  	_ =	shalt  }
0x7c: {  	_ =	shalt  }
0x7d: {  	_ =	shalt  }
0x7e: {  	_ =	shalt  }
0x7f: {  	_ =	shalt  }
0x80: {  	_ =	shalt  }
0x81: {  	_ =	shalt  }
0x82: {  	_ =	shalt  }
0x83: {  	_ =	shalt  }
0x84: {  	_ =	shalt  }
0x85: {  	_ =	shalt  }
0x86: {  	_ =	shalt  }
0x87: {  	_ =	shalt  }
.Lfunc_end0:
.L_simem_size_0:
called_computation_lowered:
.L_overlay_start_0:
0x88: {  	s2 =	sld [smem:$0x3FD9]  }
0x89: {  	s3 =	sld [smem:$0x3FFE];
	_ =	sdelay $0x1  }
0x8a: {  	s1 =	srdreg.scid  }
0x8b: {  	s0 =	sand.u32 $0x1, s1  }
0x8c: {  	s17 =	sshll.u32 s0, $0xA;
	s2 =	sadd.s32 s3, s2  }
0x8d: {  	s2 =	sadd.s32 s2, s17  }
0x8e: {  	[smem:$0x3FC7] =	sst s2  }
0x8f: {  	_ = 	snop  }
0x90: {  	s2 =	sld [smem:$0x3FD0];
	(tm) =	ssettm $0x1  }
0x91: {  	s18 =	sld [smem:$0x3FFB];
	_ =	sdelay $0x3  }
0x92: {  	_ =	strace s18  }
0x93: {  	s3 =	sld [smem:$0x3FFC];
	_ =	sdelay $0x3  }
0x94: {  	_ =	strace s3  }
0x95: {  	s3 =	sld [smem:$0x3FFD];
	_ =	sdelay $0x3  }
0x96: {  	_ =	strace s3  }
0x97: {  	_ =	strace $0x8FFFFFFF  }
0x98: {  	s19 =	sld [smem:$0x3FDB];
	_ =	sdelay $0x1  }
0x99: {  	s4 =	simm.s32 $_scs_section_size  }
0x9a: {  	s5 =	simm.s32 $_size__tile_overlayer_lowered;
	s6 =	simm.s32 $_tile_overlayer_lowered  }
0x9b: {  	s22 =	simm.s32 $0x1BFF;
	s21 =	sshll.u32 s6, $0x1;
	s3 =	sadd.s32 s4, s19  }
0x9c: {  	s7 =	simm.s32 $0x0;
	s20 =	sshll.u32 s5, $0x1;
	s5 =	sadd.s32 s21, s3  }
0x9d: {  	[timem:s7], [sflag:s22] =	dma.local [hbm:s5], s20  }
0x9e: {  	_ =	swait.ge [sflag:s22], s20  }
0x9f: {  	s4 =	ssub.s32 $0x0, s20;
	[sflag:s22] =	ssyncset.done $0x0  }
0xa0: {  	[sflag:s22] =	ssyncadd.s32 s4;
	_ =	sdelay $0x1  }
0xa1: {  	s23 =	simm.s32 $0x1B8B  }
0xa2: {  	_ =	swait.ge [sflag:s23], $0x1  }
0xa3: {  	[sflag:s23] =	ssyncset.done $0x0  }
0xa4: {  	s25 =	simm.s32 $0x1B8E;
	s24 =	sld [smem:$0x3FFE];
	[sflag:s23] =	ssyncadd.s32 $0xFFFFFFFF  }
0xa5: {  	s26 =	simm.s32 $execute0_lowered;
	[smem:$0x3FD2] =	sst s25  }
0xa6: {  	s5 =	sshll.u32 s26, $0x1;
	_ =	strace $0x80000046;
	[dreg:$0x1] =	wrdreg $0xFFFFFFFF  }
0xa7: {  	s28 =	simm.s32 $_size_execute0_lowered;
	s3 =	sadd.s32 s3, s5;
	[dreg:$0x0] =	wrdreg $0x0  }
0xa8: {  	s5 =	sshll.u32 s28, $0x1;
	[dreg:$0x2] =	wrdreg s3  }
0xa9: {  	[dreg:$0x3] =	wrdreg s5  }
0xaa: {  	[dreg:$0x4] =	wrdreg $0xC0  }
0xab: {  	_ =	task [dreg:s7], $0x5FFFF  }
0xac: {  	[dreg:$0x1] =	wrdreg $0xFFFFFFFF  }
0xad: {  	[dreg:$0x0] =	wrdreg $0x60  }
0xae: {  	[dreg:$0x2] =	wrdreg s24  }
0xaf: {  	[dreg:$0x3] =	wrdreg s2  }
0xb0: {  	[dreg:$0x4] =	wrdreg $0x9  }
0xb1: {  	_ =	task.clear_ibuf [dreg:s7], $0x5FFFF;
	_ =	strace $0x90000046  }
0xb2: {  	s29 =	simm.s32 $0x9;
	_ =	strace $0x80000048  }
0xb3: {  	_ =	swait.ge [sflag:s29], $0x1  }
0xb4: {  	[sflag:s29] =	ssyncadd.s32 $0xFFFFFFFF  }
0xb5: {  	_ =	strace $0x90000048  }
0xb6: {  	_ =	sfence  }
0xb7: {  	s30 =	sld [smem:$0x0];
	_ =	sdelay $0x2  }
0xb8: {  	s31 =	sshll.u32 s1, $0xD;
	s1 =	sshrl.u32 s1, $0x2  }
0xb9: {  	s3 =	sand.u32 $0x4000, s31;
	s1 =	sadd.s32 s1, s30  }
0xba: {  	s0 =	sor.u32 s3, s0;
	s1 =	sshll.u32 s1, $0x11  }
0xbb: {  	s0 =	sor.u32 s1, s0  }
0xbc: {  	s0 =	sadd.s32 $0x8F2B, s0  }
0xbd: {  	[sflag:s0] =	ssyncadd.remote.s32 $0x1  }
0xbe: {  	_ =	sfence.sel $0xFFFF  }
0xbf: {  	[dreg:$0x0] =	wrdreg $0xFFFFFFFF;
	(pc) =	sbr.abs _section_cstart, $3  }
0xc0: {  	[dreg:$0x1] =	wrdreg $0xFFFFFFFF  }
0xc1: {  	_ =	task.clear_ibuf [dreg:s7], $0x2FFFF;
	_ =	strace $0x9FFFFFFF  }
0xc2: {  	(tm) =	ssettm $0x7FFFFFFF  }
0xc3: {  	_ =	shalt  }
tec
execute0_lowered:
.L_overlay_start_1:
0x0: {  	(tag) =	ssettag $0x1  }
0x1: {  	s1 =	srdreg.scid;
	s6 =	rddreg [dreg:$0x0]  }
0x2: {  	s0 =	stileid.u32;
	s2 =	rddreg [dreg:$0x1]  }
0x3: {  	s3 =	simm.s32 $0x0;
	s10 =	simm.s32 $0xE00;
	s11 =	simm.s32 $0x8E00  }
0x4: {  	s12 =	simm.s32 $0x1;
	s7 =	sand.u32 $0x1, s1;
	s30 =	sshll.u32 s0, $0x1  }
0x5: {  	v0 =	vimm.s32 $0x0;
	s13 =	simm.s32 $0x2;
	s14 =	simm.s32 $0x0;
	s5 =	sor.u32 s7, s30  }
0x6: {  	v1 =	vimm.s32 $0x1;
	v2 =	vimm.s32 $0x2;
	v3 =	vimm.s32 $0x3;
	s1 =	rddreg [dreg:$0x2];
	s7 =	ssub.s32 $0x2, s7;
	s4 =	smul.u32 $0xC8000, s5  }
0x7: {  	v4 =	vimm.s32 $0x4;
	v5 =	vimm.s32 $0x5;
	v6 =	vimm.s32 $0x6;
	[smem:$0x7FF] =	sst s3;
	s5 =	smul.u32 $0x19, s5;
	s8 =	sshrl.u32 s7, $0x1  }
0x8: {  	v7 =	vimm.s32 $0x7;
	v8 =	vimm.s32 $0x8;
	v9 =	vimm.s32 $0x9;
	_ =	strace $0x80000047;
	s8 =	ssub.s32 s7, s8;
	s9 =	sshrl.u32 s4, $0x3  }
0x9: {  	v10 =	vimm.s32 $0xA;
	v11 =	vimm.s32 $0xB;
	v12 =	vimm.s32 $0xC;
	s6 =	sadd.s32 s5, s6;
	s8 =	smax.u32 s8, $0x1;
	s31 =	sadd.s32 s2, s9  }
0xa: {  	v13 =	vimm.s32 $0xD;
	v14 =	vimm.s32 $0xE;
	v15 =	vimm.s32 $0xF;
	s6 =	sadd.s32 $0x400, s6;
	s9 =	simm.s32 $0x3;
	s7 =	sadd.s32 $0x18000, s31  }
.LBB2_1:
0xb: {  	[tilespmem:s3], [sflag:$0x3] =	stream.linear.gather [hbm4b:s6+s3], $0xC8, $0x38;
	[tilespmem:$0x10E00] =	vst v63  }
0xc: {  	_ =	swait.ge [sflag:s9], $0xC8  }
0xd: {  	[sflag:s9] =	ssyncset.done $0x0  }
0xe: {  	s15 =	simm.s32 $0x0;
	[sflag:s9] =	ssyncadd.s32 $0xFFFFFF38  }
0xf: {  	v16 =	vld [tilespmem:s15+$0x0];
	_ =	sdelay $0x4  }
0x10: {  	v17 =	vperm.xlane v16, v0  }
0x11: {  	s15 =	simm.s32 $0x180;
	v18 =	vperm.xlane v16, v1  }
0x12: {  	v19 =	vperm.xlane v16, v2;
	[tilespmem:s15+$0xFFFFFF80] =	vst v17  }
0x13: {  	v56 =	vperm.xlane v16, v4;
	[tilespmem:s15+$0xFFFFFF90] =	vst v18  }
0x14: {  	v57 =	vperm.xlane v16, v5;
	[tilespmem:s15+$0xFFFFFFA0] =	vst v19  }
0x15: {  	v58 =	vperm.xlane v16, v7;
	[tilespmem:s15+$0xFFFFFFC0] =	vst v56  }
0x16: {  	v59 =	vperm.xlane v16, v8;
	[tilespmem:s15+$0xFFFFFFD0] =	vst v57  }
0x17: {  	v60 =	vperm.xlane v16, v10;
	[tilespmem:s15+$0xFFFFFFF0] =	vst v58  }
0x18: {  	v17 =	vperm.xlane v16, v3;
	[tilespmem:s15+$0x0] =	vst v59  }
0x19: {  	v61 =	vperm.xlane v16, v11;
	[tilespmem:s15+$0x20] =	vst v60  }
0x1a: {  	[tilespmem:s15+$0xFFFFFFB0] =	vst v17;
	v17 =	vperm.xlane v16, v6  }
0x1b: {  	v62 =	vperm.xlane v16, v13;
	[tilespmem:s15+$0x30] =	vst v61  }
0x1c: {  	[tilespmem:s15+$0xFFFFFFE0] =	vst v17;
	v17 =	vperm.xlane v16, v9  }
0x1d: {  	v63 =	vperm.xlane v16, v14;
	[tilespmem:s15+$0x50] =	vst v62  }
0x1e: {  	[tilespmem:s15+$0x10] =	vst v17;
	v17 =	vperm.xlane v16, v12  }
0x1f: {  	[tilespmem:s15+$0x60] =	vst v63;
	v16 =	vperm.xlane v16, v15  }
0x20: {  	[tilespmem:s15+$0x40] =	vst v17  }
0x21: {  	s17 =	simm.s32 $0x10;
	s16 =	simm.s32 $0x80;
	[tilespmem:s15+$0x70] =	vst v16  }
.LBB2_2:
0x22: {  	p0 =	sne.s32 s16, $0x300;
	v16 =	vld [tilespmem:s17+$0x0];
	_ =	sdelay $0x4  }
0x23: {  	v17 =	vperm.xlane v16, v0;
	v18 =	vperm.xlane v16, v1  }
0x24: {  	s15 =	sadd.s32 $0x100, s15;
	v19 =	vperm.xlane v16, v2;
	v20 =	vperm.xlane v16, v3  }
0x25: {  	v21 =	vperm.xlane v16, v5;
	[tilespmem:s15+$0xFFFFFF80] =	vst v17;
	v17 =	vperm.xlane v16, v4  }
0x26: {  	v22 =	vperm.xlane v16, v7;
	[tilespmem:s15+$0xFFFFFF90] =	vst v18;
	v18 =	vperm.xlane v16, v6  }
0x27: {  	v23 =	vperm.xlane v16, v9;
	[tilespmem:s15+$0xFFFFFFA0] =	vst v19;
	v19 =	vperm.xlane v16, v8  }
0x28: {  	v24 =	vperm.xlane v16, v11;
	[tilespmem:s15+$0xFFFFFFB0] =	vst v20;
	v20 =	vperm.xlane v16, v10  }
0x29: {  	v25 =	vperm.xlane v16, v13;
	[tilespmem:s15+$0xFFFFFFC0] =	vst v17;
	v17 =	vperm.xlane v16, v12  }
0x2a: {  	[tilespmem:s15+$0xFFFFFFD0] =	vst v21;
	v21 =	vperm.xlane v16, v14;
	v16 =	vperm.xlane v16, v15  }
0x2b: {  	[tilespmem:s15+$0xFFFFFFE0] =	vst v18  }
0x2c: {  	[tilespmem:s15+$0xFFFFFFF0] =	vst v22  }
0x2d: {  	[tilespmem:s15+$0x0] =	vst v19  }
0x2e: {  	[tilespmem:s15+$0x10] =	vst v23  }
0x2f: {  	[tilespmem:s15+$0x20] =	vst v20  }
.Ltmp0:
0x30: {  	[tilespmem:s15+$0x30] =	vst v24;
	(pc) =	sbr.rel @p0 .LBB2_2-.Ltmp0, $4  }
0x31: {  	[tilespmem:s15+$0x40] =	vst v17  }
0x32: {  	[tilespmem:s15+$0x50] =	vst v25  }
0x33: {  	[tilespmem:s15+$0x60] =	vst v21  }
0x34: {  	s17 =	sshra.s32 s16, $0x2;
	s16 =	sadd.s32 $0x40, s16;
	[tilespmem:s15+$0x70] =	vst v16  }
0x35: {  	v16 =	vld [tilespmem:s17+$0x0];
	_ =	sdelay $0x4  }
0x36: {  	v17 =	vperm.xlane v16, v0  }
0x37: {  	s16 =	sadd.s32 $0x100, s15;
	v18 =	vperm.xlane v16, v1  }
0x38: {  	v19 =	vperm.xlane v16, v2;
	[tilespmem:s16+$0xFFFFFF80] =	vst v17  }
0x39: {  	v56 =	vperm.xlane v16, v4;
	[tilespmem:s16+$0xFFFFFF90] =	vst v18  }
0x3a: {  	v57 =	vperm.xlane v16, v5;
	[tilespmem:s16+$0xFFFFFFA0] =	vst v19  }
0x3b: {  	v58 =	vperm.xlane v16, v7;
	[tilespmem:s16+$0xFFFFFFC0] =	vst v56  }
0x3c: {  	v59 =	vperm.xlane v16, v8;
	[tilespmem:s16+$0xFFFFFFD0] =	vst v57  }
0x3d: {  	v60 =	vperm.xlane v16, v10;
	[tilespmem:s16+$0xFFFFFFF0] =	vst v58  }
0x3e: {  	v17 =	vperm.xlane v16, v3;
	[tilespmem:s16+$0x0] =	vst v59  }
0x3f: {  	v61 =	vperm.xlane v16, v11;
	[tilespmem:s16+$0x20] =	vst v60  }
0x40: {  	[tilespmem:s16+$0xFFFFFFB0] =	vst v17;
	v17 =	vperm.xlane v16, v6  }
0x41: {  	v62 =	vperm.xlane v16, v13;
	[tilespmem:s16+$0x30] =	vst v61  }
0x42: {  	[tilespmem:s16+$0xFFFFFFE0] =	vst v17;
	v17 =	vperm.xlane v16, v9  }
0x43: {  	v63 =	vperm.xlane v16, v14;
	[tilespmem:s16+$0x50] =	vst v62  }
0x44: {  	[tilespmem:s16+$0x10] =	vst v17;
	v17 =	vperm.xlane v16, v12  }
0x45: {  	[tilespmem:s16+$0x60] =	vst v63;
	v16 =	vperm.xlane v16, v15  }
0x46: {  	[tilespmem:s16+$0x40] =	vst v17  }
0x47: {  	s15 =	simm.s32 $0x0;
	[tilespmem:s16+$0x70] =	vst v16  }
.LBB2_4:
0x48: {  	p0 =	seq.s32 s15, $0x0  }
0x49: {  	s16 =	simm.s32 @!p0 $0x1  }
0x4a: {  	_ =	swait.ge @!p0 [sflag:s16], $0x8000  }
0x4b: {  	s17 =	sshll.u32 s15, $0x8;
	[sflag:s16] =	ssyncset.done @!p0 $0x0  }
0x4c: {  	s17 =	sand.u32 $0x3FFFFF00, s17;
	[sflag:s16] =	ssyncadd.s32 @!p0 $0xFFFF8000  }
0x4d: {  	v16 =	vld [tilespmem:s17+$0x100];
	_ =	sdelay $0x3  }
0x4e: {  	s16 =	simm.s32 $0x0  }
0x4f: {  	[tilespmem:s16+$0xE70] =	vst v16  }
0x50: {  	[tilespmem:s16+$0xE60] =	vst v16  }
0x51: {  	[tilespmem:s16+$0xE50] =	vst v16  }
0x52: {  	[tilespmem:s16+$0xE40] =	vst v16  }
0x53: {  	[tilespmem:s16+$0xE30] =	vst v16  }
0x54: {  	[tilespmem:s16+$0xE20] =	vst v16  }
0x55: {  	[tilespmem:s16+$0xE00] =	vst v16  }
0x56: {  	[tilespmem:s16+$0xE10] =	vst v16  }
0x57: {  	v16 =	vld [tilespmem:s17+$0x110];
	_ =	sdelay $0x4  }
0x58: {  	[tilespmem:s16+$0xEF0] =	vst v16  }
0x59: {  	[tilespmem:s16+$0xEE0] =	vst v16  }
0x5a: {  	[tilespmem:s16+$0xEA0] =	vst v16  }
0x5b: {  	[tilespmem:s16+$0xE90] =	vst v16  }
0x5c: {  	[tilespmem:s16+$0xEC0] =	vst v16  }
0x5d: {  	[tilespmem:s16+$0xEB0] =	vst v16  }
0x5e: {  	[tilespmem:s16+$0xED0] =	vst v16  }
0x5f: {  	[tilespmem:s16+$0xE80] =	vst v16  }
0x60: {  	v16 =	vld [tilespmem:s17+$0x120];
	_ =	sdelay $0x4  }
0x61: {  	[tilespmem:s16+$0xF70] =	vst v16  }
0x62: {  	[tilespmem:s16+$0xF60] =	vst v16  }
0x63: {  	[tilespmem:s16+$0xF20] =	vst v16  }
0x64: {  	[tilespmem:s16+$0xF30] =	vst v16  }
0x65: {  	[tilespmem:s16+$0xF40] =	vst v16  }
0x66: {  	[tilespmem:s16+$0xF10] =	vst v16  }
0x67: {  	[tilespmem:s16+$0xF50] =	vst v16  }
0x68: {  	[tilespmem:s16+$0xF00] =	vst v16  }
0x69: {  	v16 =	vld [tilespmem:s17+$0x130];
	_ =	sdelay $0x1  }
0x6a: {  	p1 =	por $0x1, $0x1  }
.Ltmp1:
0x6b: {  	_ = 	snop;
	(pc) =	sbr.rel @!p1 .LBB2_6-.Ltmp1, $4  }
0x6c: {  	_ = 	snop  }
0x6d: {  	[tilespmem:s16+$0xFE0] =	vst v16  }
0x6e: {  	[tilespmem:s16+$0xFF0] =	vst v16  }
0x6f: {  	s18 =	simm.s32 $0x1000;
	[tilespmem:s16+$0xFD0] =	vst v16  }
.LBB2_5:
0x70: {  	p1 =	sne.s32 s18, $0x1F000;
	[tilespmem:s16+$0xFC0] =	vst v16;
	s19 =	smov.u32 s18;
	s18 =	sadd.s32 $0x1000, s18  }
0x71: {  	[tilespmem:s16+$0xF90] =	vst v16  }
0x72: {  	[tilespmem:s16+$0xFA0] =	vst v16  }
0x73: {  	[tilespmem:s16+$0xFB0] =	vst v16  }
0x74: {  	[tilespmem:s16+$0xF80] =	vst v16  }
0x75: {  	v16 =	vld [tilespmem:s17+$0x140];
	_ =	sdelay $0x4  }
0x76: {  	[tilespmem:s16+$0x1070] =	vst v16  }
0x77: {  	[tilespmem:s16+$0x1060] =	vst v16  }
0x78: {  	[tilespmem:s16+$0x1050] =	vst v16  }
0x79: {  	[tilespmem:s16+$0x1030] =	vst v16  }
0x7a: {  	[tilespmem:s16+$0x1040] =	vst v16  }
0x7b: {  	[tilespmem:s16+$0x1020] =	vst v16  }
0x7c: {  	[tilespmem:s16+$0x1000] =	vst v16  }
0x7d: {  	[tilespmem:s16+$0x1010] =	vst v16  }
0x7e: {  	v16 =	vld [tilespmem:s17+$0x150];
	_ =	sdelay $0x4  }
0x7f: {  	[tilespmem:s16+$0x10F0] =	vst v16  }
0x80: {  	[tilespmem:s16+$0x10E0] =	vst v16  }
0x81: {  	[tilespmem:s16+$0x10D0] =	vst v16  }
0x82: {  	[tilespmem:s16+$0x10C0] =	vst v16  }
0x83: {  	[tilespmem:s16+$0x1090] =	vst v16  }
0x84: {  	[tilespmem:s16+$0x10B0] =	vst v16  }
0x85: {  	[tilespmem:s16+$0x10A0] =	vst v16  }
0x86: {  	[tilespmem:s16+$0x1080] =	vst v16  }
0x87: {  	v16 =	vld [tilespmem:s17+$0x160];
	_ =	sdelay $0x4  }
0x88: {  	[tilespmem:s16+$0x1170] =	vst v16  }
0x89: {  	[tilespmem:s16+$0x1110] =	vst v16  }
0x8a: {  	[tilespmem:s16+$0x1160] =	vst v16  }
0x8b: {  	[tilespmem:s16+$0x1150] =	vst v16  }
0x8c: {  	[tilespmem:s16+$0x1140] =	vst v16  }
0x8d: {  	[tilespmem:s16+$0x1120] =	vst v16  }
0x8e: {  	[tilespmem:s16+$0x1130] =	vst v16  }
0x8f: {  	[tilespmem:s16+$0x1100] =	vst v16  }
0x90: {  	v16 =	vld [tilespmem:s17+$0x170];
	_ =	sdelay $0x4  }
0x91: {  	[tilespmem:s16+$0x1180] =	vst v16  }
0x92: {  	[tilespmem:s16+$0x1190] =	vst v16  }
0x93: {  	[tilespmem:s16+$0x11A0] =	vst v16  }
0x94: {  	[tilespmem:s16+$0x11C0] =	vst v16  }
0x95: {  	[tilespmem:s16+$0x11D0] =	vst v16  }
0x96: {  	[tilespmem:s16+$0x11F0] =	vst v16  }
0x97: {  	[tilespmem:s16+$0x11E0] =	vst v16  }
0x98: {  	[tilespmem:s16+$0x11B0] =	vst v16  }
0x99: {  	v16 =	vld [tilespmem:s17+$0x100];
	_ =	sdelay $0x3  }
0x9a: {  	s16 =	sshra.s32 s19, $0x2  }
0x9b: {  	[tilespmem:s16+$0xE70] =	vst v16  }
0x9c: {  	[tilespmem:s16+$0xE60] =	vst v16  }
0x9d: {  	[tilespmem:s16+$0xE50] =	vst v16  }
0x9e: {  	[tilespmem:s16+$0xE40] =	vst v16  }
0x9f: {  	[tilespmem:s16+$0xE30] =	vst v16  }
0xa0: {  	[tilespmem:s16+$0xE20] =	vst v16  }
0xa1: {  	[tilespmem:s16+$0xE00] =	vst v16  }
0xa2: {  	[tilespmem:s16+$0xE10] =	vst v16  }
0xa3: {  	v16 =	vld [tilespmem:s17+$0x110];
	_ =	sdelay $0x4  }
0xa4: {  	[tilespmem:s16+$0xEF0] =	vst v16  }
0xa5: {  	[tilespmem:s16+$0xEE0] =	vst v16  }
0xa6: {  	[tilespmem:s16+$0xEA0] =	vst v16  }
0xa7: {  	[tilespmem:s16+$0xE90] =	vst v16  }
0xa8: {  	[tilespmem:s16+$0xEC0] =	vst v16  }
0xa9: {  	[tilespmem:s16+$0xEB0] =	vst v16  }
0xaa: {  	[tilespmem:s16+$0xED0] =	vst v16  }
0xab: {  	[tilespmem:s16+$0xE80] =	vst v16  }
0xac: {  	v16 =	vld [tilespmem:s17+$0x120];
	_ =	sdelay $0x4  }
0xad: {  	[tilespmem:s16+$0xF70] =	vst v16  }
0xae: {  	[tilespmem:s16+$0xF60] =	vst v16  }
0xaf: {  	[tilespmem:s16+$0xF20] =	vst v16  }
0xb0: {  	[tilespmem:s16+$0xF30] =	vst v16  }
0xb1: {  	[tilespmem:s16+$0xF40] =	vst v16  }
0xb2: {  	[tilespmem:s16+$0xF10] =	vst v16  }
0xb3: {  	[tilespmem:s16+$0xF50] =	vst v16  }
0xb4: {  	[tilespmem:s16+$0xF00] =	vst v16  }
0xb5: {  	v16 =	vld [tilespmem:s17+$0x130];
	_ =	sdelay $0x2  }
.Ltmp2:
0xb6: {  	(pc) =	sbr.rel @p1 .LBB2_5-.Ltmp2, $4  }
0xb7: {  	_ = 	snop  }
0xb8: {  	[tilespmem:s16+$0xFE0] =	vst v16  }
0xb9: {  	[tilespmem:s16+$0xFF0] =	vst v16  }
0xba: {  	[tilespmem:s16+$0xFD0] =	vst v16  }
.LBB2_6:
0xbb: {  	[tilespmem:s16+$0xFC0] =	vst v16  }
0xbc: {  	[tilespmem:s16+$0xF90] =	vst v16  }
0xbd: {  	[tilespmem:s16+$0xFA0] =	vst v16  }
0xbe: {  	[tilespmem:s16+$0xFB0] =	vst v16  }
0xbf: {  	[tilespmem:s16+$0xF80] =	vst v16  }
0xc0: {  	v16 =	vld [tilespmem:s17+$0x140];
	_ =	sdelay $0x4  }
0xc1: {  	[tilespmem:s16+$0x1070] =	vst v16  }
0xc2: {  	[tilespmem:s16+$0x1060] =	vst v16  }
0xc3: {  	[tilespmem:s16+$0x1050] =	vst v16  }
0xc4: {  	[tilespmem:s16+$0x1030] =	vst v16  }
0xc5: {  	[tilespmem:s16+$0x1040] =	vst v16  }
0xc6: {  	[tilespmem:s16+$0x1020] =	vst v16  }
0xc7: {  	[tilespmem:s16+$0x1000] =	vst v16  }
0xc8: {  	[tilespmem:s16+$0x1010] =	vst v16  }
0xc9: {  	v16 =	vld [tilespmem:s17+$0x150];
	_ =	sdelay $0x4  }
0xca: {  	[tilespmem:s16+$0x10F0] =	vst v16  }
0xcb: {  	[tilespmem:s16+$0x10E0] =	vst v16  }
0xcc: {  	[tilespmem:s16+$0x10D0] =	vst v16  }
0xcd: {  	[tilespmem:s16+$0x10C0] =	vst v16  }
0xce: {  	[tilespmem:s16+$0x1090] =	vst v16  }
0xcf: {  	[tilespmem:s16+$0x10B0] =	vst v16  }
0xd0: {  	[tilespmem:s16+$0x10A0] =	vst v16  }
0xd1: {  	[tilespmem:s16+$0x1080] =	vst v16  }
0xd2: {  	v16 =	vld [tilespmem:s17+$0x160];
	_ =	sdelay $0x4  }
0xd3: {  	[tilespmem:s16+$0x1170] =	vst v16  }
0xd4: {  	[tilespmem:s16+$0x1110] =	vst v16  }
0xd5: {  	[tilespmem:s16+$0x1160] =	vst v16  }
0xd6: {  	[tilespmem:s16+$0x1150] =	vst v16  }
0xd7: {  	[tilespmem:s16+$0x1140] =	vst v16  }
0xd8: {  	[tilespmem:s16+$0x1120] =	vst v16  }
0xd9: {  	[tilespmem:s16+$0x1130] =	vst v16  }
0xda: {  	[tilespmem:s16+$0x1100] =	vst v16  }
0xdb: {  	v16 =	vld [tilespmem:s17+$0x170];
	_ =	sdelay $0x4  }
0xdc: {  	[tilespmem:s16+$0x1180] =	vst v16  }
0xdd: {  	[tilespmem:s16+$0x1190] =	vst v16  }
0xde: {  	[tilespmem:s16+$0x11A0] =	vst v16  }
0xdf: {  	[tilespmem:s16+$0x11C0] =	vst v16  }
0xe0: {  	s30 =	sshll.u32 s15, $0x10;
	[tilespmem:s16+$0x11D0] =	vst v16  }
0xe1: {  	s17 =	sadd.s32 s4, s30;
	[tilespmem:s16+$0x11F0] =	vst v16  }
0xe2: {  	s17 =	sshrl.u32 s17, $0x3;
	[tilespmem:s16+$0x11E0] =	vst v16  }
0xe3: {  	s31 =	sadd.s32 s2, s17;
	s17 =	simm.s32 @!p0 $0x2;
	[tilespmem:s16+$0x11B0] =	vst v16  }
0xe4: {  	[hbm4b:s31+s3] =	stream.linear.scatter [tilespmem:s10], [sflag:$0x1], $0x8000, $0x38;
	[tilespmem:$0x10E00] =	vst v63  }
0xe5: {  	s16 =	sshllo.u32 s15, $0x1;
	_ =	swait.ge @!p0 [sflag:s17], $0x8000  }
0xe6: {  	s18 =	sshll.u32 s16, $0x7;
	[sflag:s17] =	ssyncset.done @!p0 $0x0  }
0xe7: {  	s18 =	sand.u32 $0x3FFFFF80, s18;
	[sflag:s17] =	ssyncadd.s32 @!p0 $0xFFFF8000  }
0xe8: {  	v16 =	vld [tilespmem:s18+$0x100];
	_ =	sdelay $0x3  }
0xe9: {  	s17 =	simm.s32 $0x0  }
0xea: {  	[tilespmem:s17+$0x8E70] =	vst v16  }
0xeb: {  	[tilespmem:s17+$0x8E60] =	vst v16  }
0xec: {  	[tilespmem:s17+$0x8E50] =	vst v16  }
0xed: {  	[tilespmem:s17+$0x8E40] =	vst v16  }
0xee: {  	[tilespmem:s17+$0x8E30] =	vst v16  }
0xef: {  	[tilespmem:s17+$0x8E20] =	vst v16  }
0xf0: {  	[tilespmem:s17+$0x8E00] =	vst v16  }
0xf1: {  	[tilespmem:s17+$0x8E10] =	vst v16  }
0xf2: {  	v16 =	vld [tilespmem:s18+$0x110];
	_ =	sdelay $0x4  }
0xf3: {  	[tilespmem:s17+$0x8EF0] =	vst v16  }
0xf4: {  	[tilespmem:s17+$0x8EE0] =	vst v16  }
0xf5: {  	[tilespmem:s17+$0x8EA0] =	vst v16  }
0xf6: {  	[tilespmem:s17+$0x8E90] =	vst v16  }
0xf7: {  	[tilespmem:s17+$0x8EC0] =	vst v16  }
0xf8: {  	[tilespmem:s17+$0x8EB0] =	vst v16  }
0xf9: {  	[tilespmem:s17+$0x8ED0] =	vst v16  }
0xfa: {  	[tilespmem:s17+$0x8E80] =	vst v16  }
0xfb: {  	v16 =	vld [tilespmem:s18+$0x120];
	_ =	sdelay $0x4  }
0xfc: {  	[tilespmem:s17+$0x8F70] =	vst v16  }
0xfd: {  	[tilespmem:s17+$0x8F60] =	vst v16  }
0xfe: {  	[tilespmem:s17+$0x8F20] =	vst v16  }
0xff: {  	[tilespmem:s17+$0x8F30] =	vst v16  }
0x100: {  	[tilespmem:s17+$0x8F40] =	vst v16  }
0x101: {  	[tilespmem:s17+$0x8F10] =	vst v16  }
0x102: {  	[tilespmem:s17+$0x8F50] =	vst v16  }
0x103: {  	[tilespmem:s17+$0x8F00] =	vst v16  }
0x104: {  	v16 =	vld [tilespmem:s18+$0x130];
	_ =	sdelay $0x4  }
0x105: {  	[tilespmem:s17+$0x8FE0] =	vst v16  }
0x106: {  	[tilespmem:s17+$0x8FF0] =	vst v16  }
0x107: {  	s19 =	simm.s32 $0x1000;
	[tilespmem:s17+$0x8FD0] =	vst v16  }
.LBB2_7:
0x108: {  	p0 =	sne.s32 s19, $0x1F000;
	[tilespmem:s17+$0x8FC0] =	vst v16;
	s20 =	smov.u32 s19;
	s19 =	sadd.s32 $0x1000, s19  }
0x109: {  	[tilespmem:s17+$0x8F90] =	vst v16  }
0x10a: {  	[tilespmem:s17+$0x8FA0] =	vst v16  }
0x10b: {  	[tilespmem:s17+$0x8FB0] =	vst v16  }
0x10c: {  	[tilespmem:s17+$0x8F80] =	vst v16  }
0x10d: {  	v16 =	vld [tilespmem:s18+$0x140];
	_ =	sdelay $0x4  }
0x10e: {  	[tilespmem:s17+$0x9070] =	vst v16  }
0x10f: {  	[tilespmem:s17+$0x9060] =	vst v16  }
0x110: {  	[tilespmem:s17+$0x9050] =	vst v16  }
0x111: {  	[tilespmem:s17+$0x9030] =	vst v16  }
0x112: {  	[tilespmem:s17+$0x9040] =	vst v16  }
0x113: {  	[tilespmem:s17+$0x9020] =	vst v16  }
0x114: {  	[tilespmem:s17+$0x9000] =	vst v16  }
0x115: {  	[tilespmem:s17+$0x9010] =	vst v16  }
0x116: {  	v16 =	vld [tilespmem:s18+$0x150];
	_ =	sdelay $0x4  }
0x117: {  	[tilespmem:s17+$0x90F0] =	vst v16  }
0x118: {  	[tilespmem:s17+$0x90E0] =	vst v16  }
0x119: {  	[tilespmem:s17+$0x90D0] =	vst v16  }
0x11a: {  	[tilespmem:s17+$0x90C0] =	vst v16  }
0x11b: {  	[tilespmem:s17+$0x9090] =	vst v16  }
0x11c: {  	[tilespmem:s17+$0x90B0] =	vst v16  }
0x11d: {  	[tilespmem:s17+$0x90A0] =	vst v16  }
0x11e: {  	[tilespmem:s17+$0x9080] =	vst v16  }
0x11f: {  	v16 =	vld [tilespmem:s18+$0x160];
	_ =	sdelay $0x4  }
0x120: {  	[tilespmem:s17+$0x9170] =	vst v16  }
0x121: {  	[tilespmem:s17+$0x9110] =	vst v16  }
0x122: {  	[tilespmem:s17+$0x9160] =	vst v16  }
0x123: {  	[tilespmem:s17+$0x9150] =	vst v16  }
0x124: {  	[tilespmem:s17+$0x9140] =	vst v16  }
0x125: {  	[tilespmem:s17+$0x9120] =	vst v16  }
0x126: {  	[tilespmem:s17+$0x9130] =	vst v16  }
0x127: {  	[tilespmem:s17+$0x9100] =	vst v16  }
0x128: {  	v16 =	vld [tilespmem:s18+$0x170];
	_ =	sdelay $0x4  }
0x129: {  	[tilespmem:s17+$0x9180] =	vst v16  }
0x12a: {  	[tilespmem:s17+$0x9190] =	vst v16  }
0x12b: {  	[tilespmem:s17+$0x91A0] =	vst v16  }
0x12c: {  	[tilespmem:s17+$0x91C0] =	vst v16  }
0x12d: {  	[tilespmem:s17+$0x91D0] =	vst v16  }
0x12e: {  	[tilespmem:s17+$0x91F0] =	vst v16  }
0x12f: {  	[tilespmem:s17+$0x91E0] =	vst v16  }
0x130: {  	[tilespmem:s17+$0x91B0] =	vst v16  }
0x131: {  	v16 =	vld [tilespmem:s18+$0x100];
	_ =	sdelay $0x3  }
0x132: {  	s17 =	sshra.s32 s20, $0x2  }
0x133: {  	[tilespmem:s17+$0x8E70] =	vst v16  }
0x134: {  	[tilespmem:s17+$0x8E60] =	vst v16  }
0x135: {  	[tilespmem:s17+$0x8E50] =	vst v16  }
0x136: {  	[tilespmem:s17+$0x8E40] =	vst v16  }
0x137: {  	[tilespmem:s17+$0x8E30] =	vst v16  }
0x138: {  	[tilespmem:s17+$0x8E20] =	vst v16  }
0x139: {  	[tilespmem:s17+$0x8E00] =	vst v16  }
0x13a: {  	[tilespmem:s17+$0x8E10] =	vst v16  }
0x13b: {  	v16 =	vld [tilespmem:s18+$0x110];
	_ =	sdelay $0x4  }
0x13c: {  	[tilespmem:s17+$0x8EF0] =	vst v16  }
0x13d: {  	[tilespmem:s17+$0x8EE0] =	vst v16  }
0x13e: {  	[tilespmem:s17+$0x8EA0] =	vst v16  }
0x13f: {  	[tilespmem:s17+$0x8E90] =	vst v16  }
0x140: {  	[tilespmem:s17+$0x8EC0] =	vst v16  }
0x141: {  	[tilespmem:s17+$0x8EB0] =	vst v16  }
0x142: {  	[tilespmem:s17+$0x8ED0] =	vst v16  }
0x143: {  	[tilespmem:s17+$0x8E80] =	vst v16  }
0x144: {  	v16 =	vld [tilespmem:s18+$0x120];
	_ =	sdelay $0x4  }
0x145: {  	[tilespmem:s17+$0x8F70] =	vst v16  }
0x146: {  	[tilespmem:s17+$0x8F60] =	vst v16  }
0x147: {  	[tilespmem:s17+$0x8F20] =	vst v16  }
0x148: {  	[tilespmem:s17+$0x8F30] =	vst v16  }
0x149: {  	[tilespmem:s17+$0x8F40] =	vst v16  }
0x14a: {  	[tilespmem:s17+$0x8F10] =	vst v16  }
0x14b: {  	[tilespmem:s17+$0x8F50] =	vst v16  }
0x14c: {  	[tilespmem:s17+$0x8F00] =	vst v16  }
0x14d: {  	v16 =	vld [tilespmem:s18+$0x130];
	_ =	sdelay $0x2  }
.Ltmp3:
0x14e: {  	(pc) =	sbr.rel @p0 .LBB2_7-.Ltmp3, $4  }
0x14f: {  	_ = 	snop  }
0x150: {  	[tilespmem:s17+$0x8FE0] =	vst v16  }
0x151: {  	[tilespmem:s17+$0x8FF0] =	vst v16  }
0x152: {  	[tilespmem:s17+$0x8FD0] =	vst v16  }
0x153: {  	[tilespmem:s17+$0x8FC0] =	vst v16  }
0x154: {  	[tilespmem:s17+$0x8F90] =	vst v16  }
0x155: {  	[tilespmem:s17+$0x8FA0] =	vst v16  }
0x156: {  	[tilespmem:s17+$0x8FB0] =	vst v16  }
0x157: {  	[tilespmem:s17+$0x8F80] =	vst v16  }
0x158: {  	v16 =	vld [tilespmem:s18+$0x140];
	_ =	sdelay $0x4  }
0x159: {  	[tilespmem:s17+$0x9070] =	vst v16  }
0x15a: {  	[tilespmem:s17+$0x9060] =	vst v16  }
0x15b: {  	[tilespmem:s17+$0x9050] =	vst v16  }
0x15c: {  	[tilespmem:s17+$0x9030] =	vst v16  }
0x15d: {  	[tilespmem:s17+$0x9040] =	vst v16  }
0x15e: {  	[tilespmem:s17+$0x9020] =	vst v16  }
0x15f: {  	[tilespmem:s17+$0x9000] =	vst v16  }
0x160: {  	[tilespmem:s17+$0x9010] =	vst v16  }
0x161: {  	v16 =	vld [tilespmem:s18+$0x150];
	_ =	sdelay $0x4  }
0x162: {  	[tilespmem:s17+$0x90F0] =	vst v16  }
0x163: {  	[tilespmem:s17+$0x90E0] =	vst v16  }
0x164: {  	[tilespmem:s17+$0x90D0] =	vst v16  }
0x165: {  	[tilespmem:s17+$0x90C0] =	vst v16  }
0x166: {  	[tilespmem:s17+$0x9090] =	vst v16  }
0x167: {  	[tilespmem:s17+$0x90B0] =	vst v16  }
0x168: {  	[tilespmem:s17+$0x90A0] =	vst v16  }
0x169: {  	[tilespmem:s17+$0x9080] =	vst v16  }
0x16a: {  	v16 =	vld [tilespmem:s18+$0x160];
	_ =	sdelay $0x4  }
0x16b: {  	[tilespmem:s17+$0x9170] =	vst v16  }
0x16c: {  	[tilespmem:s17+$0x9110] =	vst v16  }
0x16d: {  	[tilespmem:s17+$0x9160] =	vst v16  }
0x16e: {  	[tilespmem:s17+$0x9150] =	vst v16  }
0x16f: {  	[tilespmem:s17+$0x9140] =	vst v16  }
0x170: {  	[tilespmem:s17+$0x9120] =	vst v16  }
0x171: {  	[tilespmem:s17+$0x9130] =	vst v16  }
0x172: {  	[tilespmem:s17+$0x9100] =	vst v16  }
0x173: {  	v16 =	vld [tilespmem:s18+$0x170];
	_ =	sdelay $0x4  }
0x174: {  	[tilespmem:s17+$0x9180] =	vst v16  }
0x175: {  	[tilespmem:s17+$0x9190] =	vst v16  }
0x176: {  	s15 =	sadd.s32 $0x1, s15;
	[tilespmem:s17+$0x91A0] =	vst v16  }
0x177: {  	p0 =	sne.s32 s15, $0xC;
	[tilespmem:s17+$0x91C0] =	vst v16  }
.Ltmp4:
0x178: {  	s16 =	sadd.s32 s5, s16;
	[tilespmem:s17+$0x91D0] =	vst v16;
	(pc) =	sbr.rel @p0 .LBB2_4-.Ltmp4, $4  }
0x179: {  	s16 =	sshll.u32 s16, $0xC;
	[tilespmem:s17+$0x91F0] =	vst v16  }
0x17a: {  	s16 =	sand.u32 $0x1FFFF000, s16;
	[tilespmem:s17+$0x91E0] =	vst v16  }
0x17b: {  	s16 =	sadd.s32 s2, s16;
	[tilespmem:s17+$0x91B0] =	vst v16  }
0x17c: {  	[hbm4b:s16+s3] =	stream.linear.scatter [tilespmem:s11], [sflag:$0x2], $0x8000, $0x38;
	[tilespmem:$0x10E00] =	vst v63  }
0x17d: {  	_ =	swait.ge [sflag:s12], $0x8000  }
0x17e: {  	[sflag:s12] =	ssyncset.done $0x0  }
0x17f: {  	[sflag:s12] =	ssyncadd.s32 $0xFFFF8000  }
0x180: {  	v16 =	vld [tilespmem:$0xD00];
	_ =	sdelay $0x3  }
0x181: {  	s15 =	simm.s32 $0x0  }
0x182: {  	[tilespmem:s15+$0xE70] =	vst v16  }
0x183: {  	[tilespmem:s15+$0xE60] =	vst v16  }
0x184: {  	[tilespmem:s15+$0xE50] =	vst v16  }
0x185: {  	[tilespmem:s15+$0xE40] =	vst v16  }
0x186: {  	[tilespmem:s15+$0xE30] =	vst v16  }
0x187: {  	[tilespmem:s15+$0xE20] =	vst v16  }
0x188: {  	[tilespmem:s15+$0xE00] =	vst v16  }
0x189: {  	[tilespmem:s15+$0xE10] =	vst v16  }
0x18a: {  	v16 =	vld [tilespmem:$0xD10];
	_ =	sdelay $0x4  }
0x18b: {  	[tilespmem:s15+$0xEF0] =	vst v16  }
0x18c: {  	[tilespmem:s15+$0xEE0] =	vst v16  }
0x18d: {  	[tilespmem:s15+$0xEA0] =	vst v16  }
0x18e: {  	[tilespmem:s15+$0xE90] =	vst v16  }
0x18f: {  	[tilespmem:s15+$0xEC0] =	vst v16  }
0x190: {  	[tilespmem:s15+$0xEB0] =	vst v16  }
0x191: {  	[tilespmem:s15+$0xED0] =	vst v16  }
0x192: {  	[tilespmem:s15+$0xE80] =	vst v16  }
0x193: {  	v16 =	vld [tilespmem:$0xD20];
	_ =	sdelay $0x4  }
0x194: {  	[tilespmem:s15+$0xF70] =	vst v16  }
0x195: {  	[tilespmem:s15+$0xF60] =	vst v16  }
0x196: {  	[tilespmem:s15+$0xF20] =	vst v16  }
0x197: {  	[tilespmem:s15+$0xF30] =	vst v16  }
0x198: {  	[tilespmem:s15+$0xF40] =	vst v16  }
0x199: {  	[tilespmem:s15+$0xF10] =	vst v16  }
0x19a: {  	[tilespmem:s15+$0xF50] =	vst v16  }
0x19b: {  	[tilespmem:s15+$0xF00] =	vst v16  }
0x19c: {  	v16 =	vld [tilespmem:$0xD30];
	_ =	sdelay $0x4  }
0x19d: {  	[tilespmem:s15+$0xFE0] =	vst v16  }
0x19e: {  	[tilespmem:s15+$0xFF0] =	vst v16  }
0x19f: {  	s16 =	simm.s32 $0x1000;
	[tilespmem:s15+$0xFD0] =	vst v16  }
.LBB2_10:
0x1a0: {  	p0 =	sne.s32 s16, $0x1F000;
	[tilespmem:s15+$0xFC0] =	vst v16;
	s17 =	smov.u32 s16;
	s16 =	sadd.s32 $0x1000, s16  }
0x1a1: {  	[tilespmem:s15+$0xF90] =	vst v16  }
0x1a2: {  	[tilespmem:s15+$0xFA0] =	vst v16  }
0x1a3: {  	[tilespmem:s15+$0xFB0] =	vst v16  }
0x1a4: {  	[tilespmem:s15+$0xF80] =	vst v16  }
0x1a5: {  	v16 =	vld [tilespmem:$0xD40];
	_ =	sdelay $0x4  }
0x1a6: {  	[tilespmem:s15+$0x1070] =	vst v16  }
0x1a7: {  	[tilespmem:s15+$0x1060] =	vst v16  }
0x1a8: {  	[tilespmem:s15+$0x1050] =	vst v16  }
0x1a9: {  	[tilespmem:s15+$0x1030] =	vst v16  }
0x1aa: {  	[tilespmem:s15+$0x1040] =	vst v16  }
0x1ab: {  	[tilespmem:s15+$0x1020] =	vst v16  }
0x1ac: {  	[tilespmem:s15+$0x1000] =	vst v16  }
0x1ad: {  	[tilespmem:s15+$0x1010] =	vst v16  }
0x1ae: {  	v16 =	vld [tilespmem:$0xD50];
	_ =	sdelay $0x4  }
0x1af: {  	[tilespmem:s15+$0x10F0] =	vst v16  }
0x1b0: {  	[tilespmem:s15+$0x10E0] =	vst v16  }
0x1b1: {  	[tilespmem:s15+$0x10D0] =	vst v16  }
0x1b2: {  	[tilespmem:s15+$0x10C0] =	vst v16  }
0x1b3: {  	[tilespmem:s15+$0x1090] =	vst v16  }
0x1b4: {  	[tilespmem:s15+$0x10B0] =	vst v16  }
0x1b5: {  	[tilespmem:s15+$0x10A0] =	vst v16  }
0x1b6: {  	[tilespmem:s15+$0x1080] =	vst v16  }
0x1b7: {  	v16 =	vld [tilespmem:$0xD60];
	_ =	sdelay $0x4  }
0x1b8: {  	[tilespmem:s15+$0x1170] =	vst v16  }
0x1b9: {  	[tilespmem:s15+$0x1110] =	vst v16  }
0x1ba: {  	[tilespmem:s15+$0x1160] =	vst v16  }
0x1bb: {  	[tilespmem:s15+$0x1150] =	vst v16  }
0x1bc: {  	[tilespmem:s15+$0x1140] =	vst v16  }
0x1bd: {  	[tilespmem:s15+$0x1120] =	vst v16  }
0x1be: {  	[tilespmem:s15+$0x1130] =	vst v16  }
0x1bf: {  	[tilespmem:s15+$0x1100] =	vst v16  }
0x1c0: {  	v16 =	vld [tilespmem:$0xD70];
	_ =	sdelay $0x4  }
0x1c1: {  	[tilespmem:s15+$0x1180] =	vst v16  }
0x1c2: {  	[tilespmem:s15+$0x1190] =	vst v16  }
0x1c3: {  	[tilespmem:s15+$0x11A0] =	vst v16  }
0x1c4: {  	[tilespmem:s15+$0x11C0] =	vst v16  }
0x1c5: {  	[tilespmem:s15+$0x11D0] =	vst v16  }
0x1c6: {  	[tilespmem:s15+$0x11F0] =	vst v16  }
0x1c7: {  	[tilespmem:s15+$0x11E0] =	vst v16  }
0x1c8: {  	[tilespmem:s15+$0x11B0] =	vst v16  }
0x1c9: {  	v16 =	vld [tilespmem:$0xD00];
	_ =	sdelay $0x3  }
0x1ca: {  	s15 =	sshra.s32 s17, $0x2  }
0x1cb: {  	[tilespmem:s15+$0xE70] =	vst v16  }
0x1cc: {  	[tilespmem:s15+$0xE60] =	vst v16  }
0x1cd: {  	[tilespmem:s15+$0xE50] =	vst v16  }
0x1ce: {  	[tilespmem:s15+$0xE40] =	vst v16  }
0x1cf: {  	[tilespmem:s15+$0xE30] =	vst v16  }
0x1d0: {  	[tilespmem:s15+$0xE20] =	vst v16  }
0x1d1: {  	[tilespmem:s15+$0xE00] =	vst v16  }
0x1d2: {  	[tilespmem:s15+$0xE10] =	vst v16  }
0x1d3: {  	v16 =	vld [tilespmem:$0xD10];
	_ =	sdelay $0x4  }
0x1d4: {  	[tilespmem:s15+$0xEF0] =	vst v16  }
0x1d5: {  	[tilespmem:s15+$0xEE0] =	vst v16  }
0x1d6: {  	[tilespmem:s15+$0xEA0] =	vst v16  }
0x1d7: {  	[tilespmem:s15+$0xE90] =	vst v16  }
0x1d8: {  	[tilespmem:s15+$0xEC0] =	vst v16  }
0x1d9: {  	[tilespmem:s15+$0xEB0] =	vst v16  }
0x1da: {  	[tilespmem:s15+$0xED0] =	vst v16  }
0x1db: {  	[tilespmem:s15+$0xE80] =	vst v16  }
0x1dc: {  	v16 =	vld [tilespmem:$0xD20];
	_ =	sdelay $0x4  }
0x1dd: {  	[tilespmem:s15+$0xF70] =	vst v16  }
0x1de: {  	[tilespmem:s15+$0xF60] =	vst v16  }
0x1df: {  	[tilespmem:s15+$0xF20] =	vst v16  }
0x1e0: {  	[tilespmem:s15+$0xF30] =	vst v16  }
0x1e1: {  	[tilespmem:s15+$0xF40] =	vst v16  }
0x1e2: {  	[tilespmem:s15+$0xF10] =	vst v16  }
0x1e3: {  	[tilespmem:s15+$0xF50] =	vst v16  }
0x1e4: {  	[tilespmem:s15+$0xF00] =	vst v16  }
0x1e5: {  	v16 =	vld [tilespmem:$0xD30];
	_ =	sdelay $0x2  }
.Ltmp5:
0x1e6: {  	(pc) =	sbr.rel @p0 .LBB2_10-.Ltmp5, $4  }
0x1e7: {  	_ = 	snop  }
0x1e8: {  	[tilespmem:s15+$0xFE0] =	vst v16  }
0x1e9: {  	[tilespmem:s15+$0xFF0] =	vst v16  }
0x1ea: {  	[tilespmem:s15+$0xFD0] =	vst v16  }
0x1eb: {  	[tilespmem:s15+$0xFC0] =	vst v16  }
0x1ec: {  	[tilespmem:s15+$0xF90] =	vst v16  }
0x1ed: {  	[tilespmem:s15+$0xFA0] =	vst v16  }
0x1ee: {  	[tilespmem:s15+$0xFB0] =	vst v16  }
0x1ef: {  	[tilespmem:s15+$0xF80] =	vst v16  }
0x1f0: {  	v16 =	vld [tilespmem:$0xD40];
	_ =	sdelay $0x4  }
0x1f1: {  	[tilespmem:s15+$0x1070] =	vst v16  }
0x1f2: {  	[tilespmem:s15+$0x1060] =	vst v16  }
0x1f3: {  	[tilespmem:s15+$0x1050] =	vst v16  }
0x1f4: {  	[tilespmem:s15+$0x1030] =	vst v16  }
0x1f5: {  	[tilespmem:s15+$0x1040] =	vst v16  }
0x1f6: {  	[tilespmem:s15+$0x1020] =	vst v16  }
0x1f7: {  	[tilespmem:s15+$0x1000] =	vst v16  }
0x1f8: {  	[tilespmem:s15+$0x1010] =	vst v16  }
0x1f9: {  	v16 =	vld [tilespmem:$0xD50];
	_ =	sdelay $0x4  }
0x1fa: {  	[tilespmem:s15+$0x10F0] =	vst v16  }
0x1fb: {  	[tilespmem:s15+$0x10E0] =	vst v16  }
0x1fc: {  	[tilespmem:s15+$0x10D0] =	vst v16  }
0x1fd: {  	[tilespmem:s15+$0x10C0] =	vst v16  }
0x1fe: {  	[tilespmem:s15+$0x1090] =	vst v16  }
0x1ff: {  	[tilespmem:s15+$0x10B0] =	vst v16  }
0x200: {  	[tilespmem:s15+$0x10A0] =	vst v16  }
0x201: {  	[tilespmem:s15+$0x1080] =	vst v16  }
0x202: {  	v16 =	vld [tilespmem:$0xD60];
	_ =	sdelay $0x4  }
0x203: {  	[tilespmem:s15+$0x1170] =	vst v16  }
0x204: {  	[tilespmem:s15+$0x1110] =	vst v16  }
0x205: {  	[tilespmem:s15+$0x1160] =	vst v16  }
0x206: {  	[tilespmem:s15+$0x1150] =	vst v16  }
0x207: {  	[tilespmem:s15+$0x1140] =	vst v16  }
0x208: {  	[tilespmem:s15+$0x1120] =	vst v16  }
0x209: {  	[tilespmem:s15+$0x1130] =	vst v16  }
0x20a: {  	[tilespmem:s15+$0x1100] =	vst v16  }
0x20b: {  	v16 =	vld [tilespmem:$0xD70];
	_ =	sdelay $0x4  }
0x20c: {  	[tilespmem:s15+$0x1180] =	vst v16  }
0x20d: {  	[tilespmem:s15+$0x1190] =	vst v16  }
0x20e: {  	[tilespmem:s15+$0x11A0] =	vst v16  }
0x20f: {  	[tilespmem:s15+$0x11C0] =	vst v16  }
0x210: {  	[tilespmem:s15+$0x11D0] =	vst v16  }
0x211: {  	[tilespmem:s15+$0x11F0] =	vst v16  }
0x212: {  	[tilespmem:s15+$0x11E0] =	vst v16  }
0x213: {  	s14 =	sadd.s32 $0x1, s14;
	[tilespmem:s15+$0x11B0] =	vst v16  }
0x214: {  	[hbm4b:s7+s3] =	stream.linear.scatter [tilespmem:s10], [sflag:$0x1], $0x8000, $0x38;
	[tilespmem:$0x10E00] =	vst v63  }
0x215: {  	p0 =	sne.s32 s14, s8;
	_ =	swait.ge [sflag:s12], $0x8000  }
.Ltmp6:
0x216: {  	[sflag:s12] =	ssyncset.done $0x0;
	(pc) =	sbr.rel @p0 .LBB2_1-.Ltmp6, $4  }
0x217: {  	[sflag:s12] =	ssyncadd.s32 $0xFFFF8000  }
0x218: {  	_ =	swait.ge [sflag:s13], $0x8000  }
0x219: {  	[sflag:s13] =	ssyncset.done $0x0  }
0x21a: {  	[sflag:s13] =	ssyncadd.s32 $0xFFFF8000  }
0x21b: {  	_ =	sfence.sel $0x180000  }
0x21c: {  	[bflag:$0x0] =	sbarrier.arrive $0xFFFF  }
0x21d: {  	p0 =	sne.s32 s0, $0x0;
	_ =	strace $0x90000047  }
0x21e: {  	s0 =	sadd.s32 @!p0 $0x100000, s1;
	[bflag:$0x2] =	sbarrier.arrive $0xFFFF  }
0x21f: {  	[sflag:s0] =	ssyncadd.tile.s32 @!p0 $0x1;
	_ =	shalt  }
.Lfunc_end2:
_tile_overlayer_lowered:
.L_overlay_start_2:
0x220: {  	(tag) =	ssettag $0x2  }
0x221: {  	s0 =	rddreg [dreg:$0x0];
	s2 =	stileid.u32  }
0x222: {  	s1 =	rddreg [dreg:$0x1];
	p0 =	sne.s32 s2, $0x0  }
0x223: {  	s3 =	rddreg [dreg:$0x2];
	[bflag:$0x3] =	sbarrier.arrive $0xFFFF;
	s2 =	simm.s32 @!p0 $0x1C03  }
0x224: {  	[timem:s3], [sflag:s2] =	dma.local @!p0 [hbm:s0], s1  }
0x225: {  	s0 =	simm.s32 @!p0 $0x3  }
0x226: {  	_ =	swait.ge @!p0 [sflag:s0], s1  }
0x227: {  	s1 =	ssub.s32 @!p0 $0x0, s1;
	[sflag:s0] =	ssyncset.done @!p0 $0x0  }
0x228: {  	[sflag:s0] =	ssyncadd.s32 @!p0 s1  }
0x229: {  	[bflag:$0x3] =	sbarrier.arrive $0xFFFF  }
0x22a: {  	_ =	shalt  }

</sc_bundles>
